<compile_context>
chip_gen: v7x
topology: tpu7x:2x2x1
jax: 0.10.2.dev20260603
libtpu: 0.0.44.dev20260713+nightly
codegen_flags: <defaults>
</compile_context>

<pallas_src>
import functools

import jax
import jax.numpy as jnp
from jax import lax
from jax.experimental import pallas as pl
from jax.experimental.pallas import tpu as pltpu
from jax.experimental.pallas import tpu_sc as plsc

D_MODEL = 1024
N_HEAD = 8
D_FFN = 512
N_EXP = 16
CAP = 2
D_H = D_MODEL // N_HEAD


def _stage1(x, head, choice):
    B, BLK, _ = x.shape
    S = BLK * N_HEAD
    TS = 256
    NB = BLK // TS

    def body(x_ref, head_ref, choice_ref, h_ref, pT_ref):
        xb = x_ref[0]
        hb = jnp.dot(xb, head_ref[...], preferred_element_type=jnp.float32)
        ht = hb.reshape(TS * N_HEAD, D_H)
        h_ref[...] = ht
        lt = lax.dot_general(choice_ref[...], ht, (((1,), (1,)), ((), ())),
                             preferred_element_type=jnp.float32)
        m = jnp.max(lt, axis=0, keepdims=True)
        ex = jnp.exp(lt - m)
        pT_ref[...] = ex / jnp.sum(ex, axis=0, keepdims=True)

    return pl.pallas_call(
        body,
        grid=(B, NB),
        in_specs=[
            pl.BlockSpec((1, TS, D_MODEL), lambda b, i: (b, i, 0)),
            pl.BlockSpec((D_MODEL, D_MODEL), lambda b, i: (0, 0)),
            pl.BlockSpec((N_EXP, D_H), lambda b, i: (0, 0)),
        ],
        out_specs=[
            pl.BlockSpec((TS * N_HEAD, D_H), lambda b, i: (b * NB + i, 0)),
            pl.BlockSpec((N_EXP, TS * N_HEAD), lambda b, i: (b, i)),
        ],
        out_shape=[
            jax.ShapeDtypeStruct((B * S, D_H), jnp.float32),
            jax.ShapeDtypeStruct((B * N_EXP, S), jnp.float32),
        ],
    )(x, head, choice)


def _tc_mlp(xin2, w1, w2, choice, B, K):
    E = N_EXP

    def body(x_ref, w1_ref, w2_ref, c_ref, o_ref):
        e = pl.program_id(1)
        xb = x_ref[...]
        lg = lax.dot_general(xb, c_ref[...], (((1,), (1,)), ((), ())),
                             preferred_element_type=jnp.float32)
        m = jnp.max(lg, axis=1, keepdims=True)
        ex = jnp.exp(lg - m)
        col = lax.broadcasted_iota(jnp.int32, (K, E), 1)
        num = jnp.sum(jnp.where(col == e, ex, 0.0), axis=1, keepdims=True)
        gate = num / jnp.sum(ex, axis=1, keepdims=True)
        a = jnp.dot(xb.astype(jnp.bfloat16),
                    w1_ref[0].astype(jnp.bfloat16),
                    preferred_element_type=jnp.float32)
        h1 = a * (1.0 / (1.0 + jnp.exp(-a)))
        y = jnp.dot(h1.astype(jnp.bfloat16),
                    w2_ref[0].astype(jnp.bfloat16),
                    preferred_element_type=jnp.float32)
        o_ref[...] = y * gate

    return pl.pallas_call(
        body,
        grid=(B, E),
        in_specs=[
            pl.BlockSpec((K, D_H), lambda b, e: (b * E + e, 0)),
            pl.BlockSpec((1, D_H, D_FFN), lambda b, e: (e, 0, 0)),
            pl.BlockSpec((1, D_FFN, D_H), lambda b, e: (e, 0, 0)),
            pl.BlockSpec((N_EXP, D_H), lambda b, e: (0, 0)),
        ],
        out_specs=pl.BlockSpec((K, D_H), lambda b, e: (b * E + e, 0)),
        out_shape=jax.ShapeDtypeStruct((B * E * K, D_H), jnp.float32),
    )(xin2, w1, w2, choice)


def _tc_merge(y2, merge, B, BLK):
    TS = 256
    NB = BLK // TS

    def body(y_ref, m_ref, o_ref):
        yb = y_ref[...].reshape(TS, D_MODEL)
        o_ref[0] = jnp.dot(yb.astype(jnp.bfloat16),
                           m_ref[...].astype(jnp.bfloat16),
                           preferred_element_type=jnp.float32)

    return pl.pallas_call(
        body,
        grid=(B, NB),
        in_specs=[
            pl.BlockSpec((TS * N_HEAD, D_H), lambda b, i: (b * NB + i, 0)),
            pl.BlockSpec((D_MODEL, D_MODEL), lambda b, i: (0, 0)),
        ],
        out_specs=pl.BlockSpec((1, TS, D_MODEL), lambda b, i: (b, i, 0)),
        out_shape=jax.ShapeDtypeStruct((B, BLK, D_MODEL), jnp.float32),
    )(y2, merge)


def _sc_route(pT2, h2, B, S, K):
    E = N_EXP
    CH = 128
    NSLC = S // 16

    mesh = plsc.VectorSubcoreMesh(core_axis_name="c", subcore_axis_name="s")

    @functools.partial(
        pl.kernel,
        out_type=[
            jax.ShapeDtypeStruct((B * E * K, D_H), jnp.float32),
            jax.ShapeDtypeStruct((B * E, K), jnp.int32),
        ],
        mesh=mesh,
        scratch_types=[
            pltpu.VMEM((S,), jnp.float32),
            pltpu.VMEM((K + 16,), jnp.int32),
            pltpu.VMEM((K + 16,), jnp.int32),
            pltpu.VMEM((CH, D_H), jnp.float32),
            pltpu.VMEM((CH, D_H), jnp.float32),
            pltpu.SemaphoreType.DMA,
            pltpu.SemaphoreType.DMA,
        ],
        compiler_params=pltpu.CompilerParams(needs_layout_passes=False),
    )
    def k(pT_hbm, h_hbm, xin_hbm, i_hbm,
          pbuf, gibuf, libuf, rows, rows2, sem, sem2):
        b = lax.axis_index("c")
        e = lax.axis_index("s")
        be = b * E + e
        bS = b * S
        pltpu.sync_copy(pT_hbm.at[be], pbuf)

        def count_ge(cand):
            def cbody(i, acc):
                def one(j, a):
                    v = pbuf[pl.ds((i * 4 + j) * 16, 16)]
                    vi = plsc.bitcast(v, jnp.int32)
                    return a + jnp.where(vi >= cand, 1, 0)
                return one(3, one(2, one(1, one(0, acc))))
            acc = lax.fori_loop(0, NSLC // 4, cbody,
                                jnp.zeros((16,), jnp.int32))
            return jnp.sum(acc)

        def bit_body(j, t):
            cand = t | lax.shift_left(jnp.int32(1), 29 - j)
            return jnp.where(count_ge(cand) >= K, cand, t)

        t = lax.fori_loop(0, 30, bit_body, jnp.int32(0))

        r = K - count_ge(t + 1)

        def comp(i, carry):
            cnt, tcnt = carry
            base = i * 16
            v = pbuf[pl.ds(base, 16)]
            vi = plsc.bitcast(v, jnp.int32)
            idx = lax.iota(jnp.int32, 16) + base
            m_gt = vi > t
            m_eq = vi == t
            pc = plsc.cumsum(jnp.where(m_eq, 1, 0))
            msel = m_gt | (m_eq & (tcnt + pc <= r))
            plsc.store_compressed(libuf.at[pl.ds(cnt, 16)], idx, mask=msel)
            plsc.store_compressed(gibuf.at[pl.ds(cnt, 16)], idx + bS,
                                  mask=msel)
            nsel = plsc.all_reduce_population_count(msel)[0]
            neq = plsc.all_reduce_population_count(m_eq)[0]
            return cnt + nsel, tcnt + neq

        lax.fori_loop(0, NSLC, comp, (jnp.int32(0), jnp.int32(0)))

        pltpu.sync_copy(libuf.at[pl.ds(0, K)], i_hbm.at[be])

        bufs = (rows, rows2)
        sems = (sem, sem2)
        nch = K // CH
        cps = [None, None]
        cps[0] = pltpu.async_copy(h_hbm.at[gibuf.at[pl.ds(0, CH)]],
                                  bufs[0], sems[0])
        for c in range(nch):
            if c + 1 < nch:
                cps[(c + 1) % 2] = pltpu.async_copy(
                    h_hbm.at[gibuf.at[pl.ds((c + 1) * CH, CH)]],
                    bufs[(c + 1) % 2], sems[(c + 1) % 2])
            cps[c % 2].wait()
            pltpu.sync_copy(bufs[c % 2],
                            xin_hbm.at[pl.ds(be * K + c * CH, CH)])

    return k(pT2, h2)


def _sc_combine(contrib2, i2, B, S, K):
    E = N_EXP
    HALF = S // 2
    ZR = 40
    ACC = HALF + 128
    PER = ACC // E
    OUT = HALF // E
    CH = 128

    mesh = plsc.VectorSubcoreMesh(core_axis_name="c", subcore_axis_name="s")

    @functools.partial(
        pl.kernel,
        out_type=jax.ShapeDtypeStruct((B * S, D_H), jnp.float32),
        mesh=mesh,
        scratch_types=[
            pltpu.VMEM_SHARED((ACC, D_H), jnp.float32),
            pltpu.VMEM((K,), jnp.int32),
            pltpu.VMEM((CH,), jnp.int32),
            pltpu.VMEM((CH, D_H), jnp.float32),
            pltpu.VMEM((ZR, D_H), jnp.float32),
        ],
        compiler_params=pltpu.CompilerParams(needs_layout_passes=False),
    )
    def k(c_hbm, i_hbm, out_hbm, acc, ibuf, lbuf, cbuf, zbuf):
        b = lax.axis_index("c")
        e = lax.axis_index("s")
        be = b * E + e
        pltpu.sync_copy(i_hbm.at[be], ibuf)

        def mcount(i, acc):
            idx = ibuf[pl.ds(i * 16, 16)]
            return acc + jnp.where(idx < HALF, 1, 0)

        m = jnp.sum(lax.fori_loop(0, K // 16, mcount,
                                  jnp.zeros((16,), jnp.int32)))

        zv = jnp.zeros((16,), jnp.float32)

        def zfill(i, _):
            zr = i // (D_H // 16)
            zl = i % (D_H // 16)
            zbuf[zr, pl.ds(zl * 16, 16)] = zv
            return jnp.int32(0)

        lax.fori_loop(0, ZR * (D_H // 16), zfill, jnp.int32(0))

        for p in range(2):
            def zcopy(i, _):
                pltpu.sync_copy(zbuf, acc.at[pl.ds(e * PER + i * ZR, ZR)])
                return jnp.int32(0)

            lax.fori_loop(0, PER // ZR, zcopy, jnp.int32(0))
            plsc.subcore_barrier()

            def chunk(c, _):
                pltpu.sync_copy(c_hbm.at[pl.ds(be * K + c * CH, CH)], cbuf)
                for j in range(CH // 16):
                    idx = ibuf[pl.ds(c * CH + j * 16, 16)]
                    vi = idx - p * HALF
                    inr = (vi >= 0) & (vi < HALF)
                    lbuf[pl.ds(j * 16, 16)] = jnp.where(inr, vi, HALF)
                pltpu.sync_copy(cbuf, acc.at[lbuf], add=True)
                return jnp.int32(0)

            if p == 0:
                lax.fori_loop(0, (m + CH - 1) // CH, chunk, jnp.int32(0))
            else:
                lax.fori_loop(m // CH, K // CH, chunk, jnp.int32(0))
            plsc.subcore_barrier()
            pltpu.sync_copy(
                acc.at[pl.ds(e * OUT, OUT)],
                out_hbm.at[pl.ds(b * S + p * HALF + e * OUT, OUT)])
            plsc.subcore_barrier()

    return k(contrib2, i2)


def kernel(x, head, choice, w1, w2, merge):
    B, BLK, _ = x.shape
    S = BLK * N_HEAD
    K = S * CAP // N_EXP
    h2, pT2 = _stage1(x, head, choice)
    xin2, i2 = _sc_route(pT2, h2, B, S, K)
    contrib2 = _tc_mlp(xin2, w1, w2, choice, B, K)
    out_moe2 = _sc_combine(contrib2, i2, B, S, K)
    return _tc_merge(out_moe2, merge, B, BLK)

# --- scband reference (transcript-rebuilt; emitter-appended) ---
"""Pipeline reference for scband-flash-mo-e-35527969472974 (READ-ONLY COPY).

The authoritative reference and input builder live on the scoring server;
editing this copy changes nothing except your own understanding.
"""

import jax, jax.numpy as jnp
import numpy as np

D_MODEL = 1024
N_HEAD = 8
D_FFN = 512
N_EXP = 16
CAP = 2
BLK = 2048
D_H = D_MODEL // N_HEAD
S = BLK * N_HEAD
K = S * CAP // N_EXP
B = 2


def _ku(k, shape, fan_in):
    b = 1.0 / np.sqrt(fan_in)
    return jax.random.uniform(k, shape, jnp.float32, -b, b)


def setup_inputs(seed: int = 0) -> dict:
    key = jax.random.key(seed)
    ks = jax.random.split(key, 6)
    return {
        "x": jax.random.normal(ks[0], (B, BLK, D_MODEL), jnp.float32),
        "head": _ku(ks[1], (D_MODEL, D_MODEL), D_MODEL),
        "choice": _ku(ks[2], (N_EXP, D_H), D_H),
        "w1": _ku(ks[3], (N_EXP, D_H, D_FFN), D_H),
        "w2": _ku(ks[4], (N_EXP, D_FFN, D_H), D_FFN),
        "merge": _ku(ks[5], (D_MODEL, D_MODEL), D_MODEL),
    }


def reference(x, head, choice, w1, w2, merge):
    b = x.shape[0]
    h = jnp.einsum('bsd,do->bso', x, head)
    h = h.reshape(b, S, D_H)
    probs = jax.nn.softmax(jnp.einsum('bsd,ed->bse', h, choice), axis=-1)
    # expert-choice routing: each expert picks its top-K tokens
    G, I = jax.lax.top_k(jnp.swapaxes(probs, -1, -2), K)  # [b, E, K]
    # gather == einsum('beks,bsd->bekd', one_hot(I), h)
    x_in = jax.vmap(lambda hb, Ib: hb[Ib])(h, I)  # [b, E, K, D_H]
    hid = jax.nn.silu(jnp.einsum('bekd,edo->beko', x_in, w1))
    x_mlp = jnp.einsum('beki,eid->bekd', hid, w2)
    contrib = G[..., None] * x_mlp
    # scatter-add == einsum('beks,bek,bekd->bsd', one_hot(I), G, x_mlp)
    out = jnp.zeros((b, S, D_H), x.dtype)
    bidx = jnp.arange(b)[:, None, None]
    out = out.at[bidx, I].add(contrib)
    out = out.reshape(b, -1, D_MODEL)
    out = jnp.einsum('bsd,do->bso', out, merge)
    return out

if __name__ == "__main__":
    import jax
    _d = setup_inputs()
    print(jax.jit(kernel)(*tuple(_d.values())))

</pallas_src>

<mosaic_0001>
#map = affine_map<(d0, d1) -> (0, 0)>
module attributes {stable_mosaic.version = 14 : i64} {
  func.func @k(%arg0: i32, %arg1: i32, %arg2: memref<32x16384xf32, #tpu.memory_space<hbm>>, %arg3: memref<32768x128xf32, #tpu.memory_space<hbm>>, %arg4: memref<65536x128xf32, #tpu.memory_space<hbm>>, %arg5: memref<32x2048xi32, #tpu.memory_space<hbm>>, %arg6: memref<16384xf32, #tpu.memory_space<vmem>>, %arg7: memref<2064xi32, #tpu.memory_space<vmem>>, %arg8: memref<2064xi32, #tpu.memory_space<vmem>>, %arg9: memref<128x128xf32, #tpu.memory_space<vmem>>, %arg10: memref<128x128xf32, #tpu.memory_space<vmem>>, %arg11: memref<!tpu.dma_semaphore, #tpu.memory_space<semaphore_mem>>, %arg12: memref<!tpu.dma_semaphore, #tpu.memory_space<semaphore_mem>>) attributes {dimension_semantics = [#tpu.dimension_semantics<core_parallel>, #tpu.dimension_semantics<subcore_parallel>], iteration_bounds = array<i64: 2, 16>, scalar_prefetch = 0 : i64, scratch_operands = 7 : i64, tpu.core_type = #tpu.core_type<sc_vector_subcore>, window_params = [{transform_indices = #map}, {transform_indices = #map}, {transform_indices = #map}, {transform_indices = #map}]} {
    %mul3A = arith.constant 16 : i32
    %mul3A_0 = arith.muli %arg0, %mul3A : i32
    %add3A = arith.addi %mul3A_0, %arg1 : i32
    %mul3A_1 = arith.constant 16384 : i32
    %mul3A_2 = arith.muli %arg0, %mul3A_1 : i32
    "tpu.region"() ({
      %run_scoped3A = tpu.sem_alloc : memref<!tpu.dma_semaphore, #tpu.memory_space<semaphore_mem>>
      %dma_start3A_252 = arith.constant 0 : i32
      %dma_start3A_253 = tpu.memref_slice %arg2[%add3A, %dma_start3A_252] : memref<32x16384xf32, #tpu.memory_space<hbm>> -> memref<1x16384xf32, #tpu.memory_space<hbm>>
      %dma_start3A_254 = tpu.memref_squeeze %dma_start3A_253 : memref<1x16384xf32, #tpu.memory_space<hbm>> -> memref<16384xf32, #tpu.memory_space<hbm>>
      %dma_start3A_255 = arith.constant 0 : i32
      %dma_start3A_256 = tpu.memref_slice %arg2[%add3A, %dma_start3A_255] : memref<32x16384xf32, #tpu.memory_space<hbm>> -> memref<1x16384xf32, #tpu.memory_space<hbm>>
      %dma_start3A_257 = tpu.memref_squeeze %dma_start3A_256 : memref<1x16384xf32, #tpu.memory_space<hbm>> -> memref<16384xf32, #tpu.memory_space<hbm>>
      tpu.enqueue_dma source(%dma_start3A_257 : memref<16384xf32, #tpu.memory_space<hbm>>) target(%arg6 : memref<16384xf32, #tpu.memory_space<vmem>>) target_semaphore(%run_scoped3A : memref<!tpu.dma_semaphore, #tpu.memory_space<semaphore_mem>>)
      %dma_wait3A_258 = arith.constant 0 : i32
      %dma_wait3A_259 = tpu.memref_slice %arg2[%add3A, %dma_wait3A_258] : memref<32x16384xf32, #tpu.memory_space<hbm>> -> memref<1x16384xf32, #tpu.memory_space<hbm>>
      %dma_wait3A_260 = tpu.memref_squeeze %dma_wait3A_259 : memref<1x16384xf32, #tpu.memory_space<hbm>> -> memref<16384xf32, #tpu.memory_space<hbm>>
      %dma_wait3A_261 = arith.constant 0 : i32
      %dma_wait3A_262 = tpu.memref_slice %arg2[%add3A, %dma_wait3A_261] : memref<32x16384xf32, #tpu.memory_space<hbm>> -> memref<1x16384xf32, #tpu.memory_space<hbm>>
      %dma_wait3A_263 = tpu.memref_squeeze %dma_wait3A_262 : memref<1x16384xf32, #tpu.memory_space<hbm>> -> memref<16384xf32, #tpu.memory_space<hbm>>
      tpu.wait_dma2 semaphore(%run_scoped3A : memref<!tpu.dma_semaphore, #tpu.memory_space<semaphore_mem>>) src(%dma_wait3A_263 : memref<16384xf32, #tpu.memory_space<hbm>>) dst(%arg6 : memref<16384xf32, #tpu.memory_space<vmem>>)
      tpu.yield
    }) : () -> ()
    %scan3A = arith.constant 0 : i32
    %scan3A_3 = arith.constant 0 : i32
    %scan3A_4 = arith.constant 30 : i32
    %scan3A_5 = arith.addi %scan3A_3, %scan3A_4 : i32
    %scan3A_6 = arith.constant 1 : i32
    %scan3A_7 = scf.for %scan3A_252 = %scan3A_3 to %scan3A_5 step %scan3A_6 iter_args(%scan3A_253 = %scan3A) -> (i32)  : i32 {
      %sub3A_254 = arith.constant 29 : i32
      %sub3A_255 = arith.subi %sub3A_254, %scan3A_252 : i32
      %shift_left3A = arith.constant 1 : i32
      %shift_left3A_256 = arith.shli %shift_left3A, %sub3A_255 : i32
      %or3A = arith.ori %scan3A_253, %shift_left3A_256 : i32
      %broadcast_in_dim3A_257 = arith.constant 0 : i32
      %broadcast_in_dim3A_258 = vector.broadcast %broadcast_in_dim3A_257 : i32 to vector<16xi32>
      %scan3A_259 = arith.constant 0 : i32
      %scan3A_260 = arith.constant 256 : i32
      %scan3A_261 = arith.addi %scan3A_259, %scan3A_260 : i32
      %scan3A_262 = arith.constant 1 : i32
      %scan3A_263 = scf.for %scan3A_270 = %scan3A_259 to %scan3A_261 step %scan3A_262 iter_args(%scan3A_271 = %broadcast_in_dim3A_258) -> (vector<16xi32>)  : i32 {
        %mul3A_272 = arith.constant 4 : i32
        %mul3A_273 = arith.muli %scan3A_270, %mul3A_272 : i32
        %add3A_274 = arith.constant 0 : i32
        %add3A_275 = arith.addi %mul3A_273, %add3A_274 : i32
        %mul3A_276 = arith.constant 16 : i32
        %mul3A_277 = arith.muli %add3A_275, %mul3A_276 : i32
        %get3A = arith.index_cast %mul3A_277 : i32 to index
        %get3A_278 = tpu.vector_load %arg6[%get3A] {strides = array<i32>} : memref<16384xf32, #tpu.memory_space<vmem>>, vector<16xf32>,
        %bitcast3A = vector.bitcast %get3A_278 : vector<16xf32> to vector<16xi32>
        %ge3A_279 = vector.broadcast %or3A : i32 to vector<16xi32>
        %ge3A_280 = arith.cmpi sge, %bitcast3A, %ge3A_279 : vector<16xi32>
        %jit3A = arith.constant 1 : i32
        %jit3A_281 = arith.constant 0 : i32
        %broadcast_in_dim3A_282 = vector.broadcast %jit3A : i32 to vector<16xi32>
        %broadcast_in_dim3A_283 = vector.broadcast %jit3A_281 : i32 to vector<16xi32>
        %select_n3A_284 = arith.select %ge3A_280, %broadcast_in_dim3A_282, %broadcast_in_dim3A_283 : vector<16xi1>, vector<16xi32>
        %add3A_285 = arith.addi %scan3A_271, %select_n3A_284 : vector<16xi32>
        %mul3A_286 = arith.constant 4 : i32
        %mul3A_287 = arith.muli %scan3A_270, %mul3A_286 : i32
        %add3A_288 = arith.constant 1 : i32
        %add3A_289 = arith.addi %mul3A_287, %add3A_288 : i32
        %mul3A_290 = arith.constant 16 : i32
        %mul3A_291 = arith.muli %add3A_289, %mul3A_290 : i32
        %get3A_292 = arith.index_cast %mul3A_291 : i32 to index
        %get3A_293 = tpu.vector_load %arg6[%get3A_292] {strides = array<i32>} : memref<16384xf32, #tpu.memory_space<vmem>>, vector<16xf32>,
        %bitcast3A_294 = vector.bitcast %get3A_293 : vector<16xf32> to vector<16xi32>
        %ge3A_295 = vector.broadcast %or3A : i32 to vector<16xi32>
        %ge3A_296 = arith.cmpi sge, %bitcast3A_294, %ge3A_295 : vector<16xi32>
        %jit3A_297 = arith.constant 1 : i32
        %jit3A_298 = arith.constant 0 : i32
        %broadcast_in_dim3A_299 = vector.broadcast %jit3A_297 : i32 to vector<16xi32>
        %broadcast_in_dim3A_300 = vector.broadcast %jit3A_298 : i32 to vector<16xi32>
        %select_n3A_301 = arith.select %ge3A_296, %broadcast_in_dim3A_299, %broadcast_in_dim3A_300 : vector<16xi1>, vector<16xi32>
        %add3A_302 = arith.addi %add3A_285, %select_n3A_301 : vector<16xi32>
        %mul3A_303 = arith.constant 4 : i32
        %mul3A_304 = arith.muli %scan3A_270, %mul3A_303 : i32
        %add3A_305 = arith.constant 2 : i32
        %add3A_306 = arith.addi %mul3A_304, %add3A_305 : i32
        %mul3A_307 = arith.constant 16 : i32
        %mul3A_308 = arith.muli %add3A_306, %mul3A_307 : i32
        %get3A_309 = arith.index_cast %mul3A_308 : i32 to index
        %get3A_310 = tpu.vector_load %arg6[%get3A_309] {strides = array<i32>} : memref<16384xf32, #tpu.memory_space<vmem>>, vector<16xf32>,
        %bitcast3A_311 = vector.bitcast %get3A_310 : vector<16xf32> to vector<16xi32>
        %ge3A_312 = vector.broadcast %or3A : i32 to vector<16xi32>
        %ge3A_313 = arith.cmpi sge, %bitcast3A_311, %ge3A_312 : vector<16xi32>
        %jit3A_314 = arith.constant 1 : i32
        %jit3A_315 = arith.constant 0 : i32
        %broadcast_in_dim3A_316 = vector.broadcast %jit3A_314 : i32 to vector<16xi32>
        %broadcast_in_dim3A_317 = vector.broadcast %jit3A_315 : i32 to vector<16xi32>
        %select_n3A_318 = arith.select %ge3A_313, %broadcast_in_dim3A_316, %broadcast_in_dim3A_317 : vector<16xi1>, vector<16xi32>
        %add3A_319 = arith.addi %add3A_302, %select_n3A_318 : vector<16xi32>
        %mul3A_320 = arith.constant 4 : i32
        %mul3A_321 = arith.muli %scan3A_270, %mul3A_320 : i32
        %add3A_322 = arith.constant 3 : i32
        %add3A_323 = arith.addi %mul3A_321, %add3A_322 : i32
        %mul3A_324 = arith.constant 16 : i32
        %mul3A_325 = arith.muli %add3A_323, %mul3A_324 : i32
        %get3A_326 = arith.index_cast %mul3A_325 : i32 to index
        %get3A_327 = tpu.vector_load %arg6[%get3A_326] {strides = array<i32>} : memref<16384xf32, #tpu.memory_space<vmem>>, vector<16xf32>,
        %bitcast3A_328 = vector.bitcast %get3A_327 : vector<16xf32> to vector<16xi32>
        %ge3A_329 = vector.broadcast %or3A : i32 to vector<16xi32>
        %ge3A_330 = arith.cmpi sge, %bitcast3A_328, %ge3A_329 : vector<16xi32>
        %jit3A_331 = arith.constant 1 : i32
        %jit3A_332 = arith.constant 0 : i32
        %broadcast_in_dim3A_333 = vector.broadcast %jit3A_331 : i32 to vector<16xi32>
        %broadcast_in_dim3A_334 = vector.broadcast %jit3A_332 : i32 to vector<16xi32>
        %select_n3A_335 = arith.select %ge3A_330, %broadcast_in_dim3A_333, %broadcast_in_dim3A_334 : vector<16xi1>, vector<16xi32>
        %add3A_336 = arith.addi %add3A_319, %select_n3A_335 : vector<16xi32>
        scf.yield %add3A_336 : vector<16xi32>
      }
      %scan3A_264 = arith.constant 256 : i32
      %reduce_sum3A_265 = arith.constant true
      %reduce_sum3A_266 = vector.broadcast %reduce_sum3A_265 : i1 to vector<16xi1>
      %reduce_sum3A_267 = tpu.scan <sum>, %scan3A_263 masked %reduce_sum3A_266 : vector<16xi32>, vector<16xi1> -> vector<16xi32>
      %reduce_sum3A_268 = vector.extract %reduce_sum3A_267[15] : i32 from vector<16xi32>
      %ge3A = arith.constant 2048 : i32
      %ge3A_269 = arith.cmpi sge, %reduce_sum3A_268, %ge3A : i32
      %select_n3A = arith.select %ge3A_269, %or3A, %scan3A_253 : i32
      scf.yield %select_n3A : i32
    }
    %scan3A_8 = arith.constant 30 : i32
    %add3A_9 = arith.constant 1 : i32
    %add3A_10 = arith.addi %scan3A_7, %add3A_9 : i32
    %broadcast_in_dim3A = arith.constant 0 : i32
    %broadcast_in_dim3A_11 = vector.broadcast %broadcast_in_dim3A : i32 to vector<16xi32>
    %scan3A_12 = arith.constant 0 : i32
    %scan3A_13 = arith.constant 256 : i32
    %scan3A_14 = arith.addi %scan3A_12, %scan3A_13 : i32
    %scan3A_15 = arith.constant 1 : i32
    %scan3A_16 = scf.for %scan3A_252 = %scan3A_12 to %scan3A_14 step %scan3A_15 iter_args(%scan3A_253 = %broadcast_in_dim3A_11) -> (vector<16xi32>)  : i32 {
      %mul3A_254 = arith.constant 4 : i32
      %mul3A_255 = arith.muli %scan3A_252, %mul3A_254 : i32
      %add3A_256 = arith.constant 0 : i32
      %add3A_257 = arith.addi %mul3A_255, %add3A_256 : i32
      %mul3A_258 = arith.constant 16 : i32
      %mul3A_259 = arith.muli %add3A_257, %mul3A_258 : i32
      %get3A = arith.index_cast %mul3A_259 : i32 to index
      %get3A_260 = tpu.vector_load %arg6[%get3A] {strides = array<i32>} : memref<16384xf32, #tpu.memory_space<vmem>>, vector<16xf32>,
      %bitcast3A = vector.bitcast %get3A_260 : vector<16xf32> to vector<16xi32>
      %ge3A = vector.broadcast %add3A_10 : i32 to vector<16xi32>
      %ge3A_261 = arith.cmpi sge, %bitcast3A, %ge3A : vector<16xi32>
      %jit3A = arith.constant 1 : i32
      %jit3A_262 = arith.constant 0 : i32
      %broadcast_in_dim3A_263 = vector.broadcast %jit3A : i32 to vector<16xi32>
      %broadcast_in_dim3A_264 = vector.broadcast %jit3A_262 : i32 to vector<16xi32>
      %select_n3A = arith.select %ge3A_261, %broadcast_in_dim3A_263, %broadcast_in_dim3A_264 : vector<16xi1>, vector<16xi32>
      %add3A_265 = arith.addi %scan3A_253, %select_n3A : vector<16xi32>
      %mul3A_266 = arith.constant 4 : i32
      %mul3A_267 = arith.muli %scan3A_252, %mul3A_266 : i32
      %add3A_268 = arith.constant 1 : i32
      %add3A_269 = arith.addi %mul3A_267, %add3A_268 : i32
      %mul3A_270 = arith.constant 16 : i32
      %mul3A_271 = arith.muli %add3A_269, %mul3A_270 : i32
      %get3A_272 = arith.index_cast %mul3A_271 : i32 to index
      %get3A_273 = tpu.vector_load %arg6[%get3A_272] {strides = array<i32>} : memref<16384xf32, #tpu.memory_space<vmem>>, vector<16xf32>,
      %bitcast3A_274 = vector.bitcast %get3A_273 : vector<16xf32> to vector<16xi32>
      %ge3A_275 = vector.broadcast %add3A_10 : i32 to vector<16xi32>
      %ge3A_276 = arith.cmpi sge, %bitcast3A_274, %ge3A_275 : vector<16xi32>
      %jit3A_277 = arith.constant 1 : i32
      %jit3A_278 = arith.constant 0 : i32
      %broadcast_in_dim3A_279 = vector.broadcast %jit3A_277 : i32 to vector<16xi32>
      %broadcast_in_dim3A_280 = vector.broadcast %jit3A_278 : i32 to vector<16xi32>
      %select_n3A_281 = arith.select %ge3A_276, %broadcast_in_dim3A_279, %broadcast_in_dim3A_280 : vector<16xi1>, vector<16xi32>
      %add3A_282 = arith.addi %add3A_265, %select_n3A_281 : vector<16xi32>
      %mul3A_283 = arith.constant 4 : i32
      %mul3A_284 = arith.muli %scan3A_252, %mul3A_283 : i32
      %add3A_285 = arith.constant 2 : i32
      %add3A_286 = arith.addi %mul3A_284, %add3A_285 : i32
      %mul3A_287 = arith.constant 16 : i32
      %mul3A_288 = arith.muli %add3A_286, %mul3A_287 : i32
      %get3A_289 = arith.index_cast %mul3A_288 : i32 to index
      %get3A_290 = tpu.vector_load %arg6[%get3A_289] {strides = array<i32>} : memref<16384xf32, #tpu.memory_space<vmem>>, vector<16xf32>,
      %bitcast3A_291 = vector.bitcast %get3A_290 : vector<16xf32> to vector<16xi32>
      %ge3A_292 = vector.broadcast %add3A_10 : i32 to vector<16xi32>
      %ge3A_293 = arith.cmpi sge, %bitcast3A_291, %ge3A_292 : vector<16xi32>
      %jit3A_294 = arith.constant 1 : i32
      %jit3A_295 = arith.constant 0 : i32
      %broadcast_in_dim3A_296 = vector.broadcast %jit3A_294 : i32 to vector<16xi32>
      %broadcast_in_dim3A_297 = vector.broadcast %jit3A_295 : i32 to vector<16xi32>
      %select_n3A_298 = arith.select %ge3A_293, %broadcast_in_dim3A_296, %broadcast_in_dim3A_297 : vector<16xi1>, vector<16xi32>
      %add3A_299 = arith.addi %add3A_282, %select_n3A_298 : vector<16xi32>
      %mul3A_300 = arith.constant 4 : i32
      %mul3A_301 = arith.muli %scan3A_252, %mul3A_300 : i32
      %add3A_302 = arith.constant 3 : i32
      %add3A_303 = arith.addi %mul3A_301, %add3A_302 : i32
      %mul3A_304 = arith.constant 16 : i32
      %mul3A_305 = arith.muli %add3A_303, %mul3A_304 : i32
      %get3A_306 = arith.index_cast %mul3A_305 : i32 to index
      %get3A_307 = tpu.vector_load %arg6[%get3A_306] {strides = array<i32>} : memref<16384xf32, #tpu.memory_space<vmem>>, vector<16xf32>,
      %bitcast3A_308 = vector.bitcast %get3A_307 : vector<16xf32> to vector<16xi32>
      %ge3A_309 = vector.broadcast %add3A_10 : i32 to vector<16xi32>
      %ge3A_310 = arith.cmpi sge, %bitcast3A_308, %ge3A_309 : vector<16xi32>
      %jit3A_311 = arith.constant 1 : i32
      %jit3A_312 = arith.constant 0 : i32
      %broadcast_in_dim3A_313 = vector.broadcast %jit3A_311 : i32 to vector<16xi32>
      %broadcast_in_dim3A_314 = vector.broadcast %jit3A_312 : i32 to vector<16xi32>
      %select_n3A_315 = arith.select %ge3A_310, %broadcast_in_dim3A_313, %broadcast_in_dim3A_314 : vector<16xi1>, vector<16xi32>
      %add3A_316 = arith.addi %add3A_299, %select_n3A_315 : vector<16xi32>
      scf.yield %add3A_316 : vector<16xi32>
    }
    %scan3A_17 = arith.constant 256 : i32
    %reduce_sum3A = arith.constant true
    %reduce_sum3A_18 = vector.broadcast %reduce_sum3A : i1 to vector<16xi1>
    %reduce_sum3A_19 = tpu.scan <sum>, %scan3A_16 masked %reduce_sum3A_18 : vector<16xi32>, vector<16xi1> -> vector<16xi32>
    %reduce_sum3A_20 = vector.extract %reduce_sum3A_19[15] : i32 from vector<16xi32>
    %sub3A = arith.constant 2048 : i32
    %sub3A_21 = arith.subi %sub3A, %reduce_sum3A_20 : i32
    %scan3A_22 = arith.constant 0 : i32
    %scan3A_23 = arith.constant 0 : i32
    %scan3A_24 = arith.constant 0 : i32
    %scan3A_25 = arith.constant 1024 : i32
    %scan3A_26 = arith.addi %scan3A_24, %scan3A_25 : i32
    %scan3A_27 = arith.constant 1 : i32
    %scan3A_28:2 = scf.for %scan3A_252 = %scan3A_24 to %scan3A_26 step %scan3A_27 iter_args(%scan3A_253 = %scan3A_22, %scan3A_254 = %scan3A_23) -> (i32, i32)  : i32 {
      %mul3A_255 = arith.constant 16 : i32
      %mul3A_256 = arith.muli %scan3A_252, %mul3A_255 : i32
      %get3A = arith.index_cast %mul3A_256 : i32 to index
      %get3A_257 = tpu.vector_load %arg6[%get3A] {strides = array<i32>} : memref<16384xf32, #tpu.memory_space<vmem>>, vector<16xf32>,
      %bitcast3A = vector.bitcast %get3A_257 : vector<16xf32> to vector<16xi32>
      %iota3A = tpu.iota {dimensions = array<i32: 0>} : vector<16xi32>
      %add3A_258 = vector.broadcast %mul3A_256 : i32 to vector<16xi32>
      %add3A_259 = arith.addi %iota3A, %add3A_258 : vector<16xi32>
      %gt3A = vector.broadcast %scan3A_7 : i32 to vector<16xi32>
      %gt3A_260 = arith.cmpi sgt, %bitcast3A, %gt3A : vector<16xi32>
      %eq3A = vector.broadcast %scan3A_7 : i32 to vector<16xi32>
      %eq3A_261 = arith.cmpi eq, %bitcast3A, %eq3A : vector<16xi32>
      %jit3A = arith.constant 1 : i32
      %jit3A_262 = arith.constant 0 : i32
      %broadcast_in_dim3A_263 = vector.broadcast %jit3A : i32 to vector<16xi32>
      %broadcast_in_dim3A_264 = vector.broadcast %jit3A_262 : i32 to vector<16xi32>
      %select_n3A = arith.select %eq3A_261, %broadcast_in_dim3A_263, %broadcast_in_dim3A_264 : vector<16xi1>, vector<16xi32>
      %broadcast_in_dim3A_265 = arith.constant true
      %broadcast_in_dim3A_266 = vector.broadcast %broadcast_in_dim3A_265 : i1 to vector<16xi1>
      %masked_cumsum3A = tpu.scan <sum>, %select_n3A masked %broadcast_in_dim3A_266 : vector<16xi32>, vector<16xi1> -> vector<16xi32>
      %add3A_267 = vector.broadcast %scan3A_254 : i32 to vector<16xi32>
      %add3A_268 = arith.addi %add3A_267, %masked_cumsum3A : vector<16xi32>
      %le3A = vector.broadcast %sub3A_21 : i32 to vector<16xi32>
      %le3A_269 = arith.cmpi sle, %add3A_268, %le3A : vector<16xi32>
      %and3A = arith.andi %eq3A_261, %le3A_269 : vector<16xi1>
      %or3A = arith.ori %gt3A_260, %and3A : vector<16xi1>
      %swap3A = arith.index_cast %scan3A_253 : i32 to index
      %swap3A_270 = tpu.vector_load %arg8[%swap3A] masked %or3A {strides = array<i32>} : memref<2064xi32, #tpu.memory_space<vmem>>, vector<16xi32>, vector<16xi1>
      tpu.vector_store %arg8[%swap3A], %add3A_259 masked %or3A {strides = array<i32>} : memref<2064xi32, #tpu.memory_space<vmem>>, vector<16xi32>, vector<16xi1>
      %add3A_271 = vector.broadcast %mul3A_2 : i32 to vector<16xi32>
      %add3A_272 = arith.addi %add3A_259, %add3A_271 : vector<16xi32>
      %swap3A_273 = arith.index_cast %scan3A_253 : i32 to index
      %swap3A_274 = tpu.vector_load %arg7[%swap3A_273] masked %or3A {strides = array<i32>} : memref<2064xi32, #tpu.memory_space<vmem>>, vector<16xi32>, vector<16xi1>
      tpu.vector_store %arg7[%swap3A_273], %add3A_272 masked %or3A {strides = array<i32>} : memref<2064xi32, #tpu.memory_space<vmem>>, vector<16xi32>, vector<16xi1>
      %all_reduce_population_count3A = tpu.all_reduce %or3A {dim = 0 : i64, kind = #tpu.reduction_kind<sum>} : vector<16xi1> -> vector<16xi32>
      %slice3A = vector.extract_strided_slice %all_reduce_population_count3A {offsets = [0], sizes = [1], strides = [1]} : vector<16xi32> to vector<1xi32>
      %squeeze3A = vector.extract %slice3A[0] : i32 from vector<1xi32>
      %all_reduce_population_count3A_275 = tpu.all_reduce %eq3A_261 {dim = 0 : i64, kind = #tpu.reduction_kind<sum>} : vector<16xi1> -> vector<16xi32>
      %slice3A_276 = vector.extract_strided_slice %all_reduce_population_count3A_275 {offsets = [0], sizes = [1], strides = [1]} : vector<16xi32> to vector<1xi32>
      %squeeze3A_277 = vector.extract %slice3A_276[0] : i32 from vector<1xi32>
      %add3A_278 = arith.addi %scan3A_253, %squeeze3A : i32
      %add3A_279 = arith.addi %scan3A_254, %squeeze3A_277 : i32
      scf.yield %add3A_278, %add3A_279 : i32, i32
    }
    %scan3A_29 = arith.constant 1024 : i32
    "tpu.region"() ({
      %run_scoped3A = tpu.sem_alloc : memref<!tpu.dma_semaphore, #tpu.memory_space<semaphore_mem>>
      %dma_start3A_252 = arith.constant 0 : i32
      %dma_start3A_253 = tpu.memref_slice %arg8[%dma_start3A_252] : memref<2064xi32, #tpu.memory_space<vmem>> -> memref<2048xi32, #tpu.memory_space<vmem>>
      %dma_start3A_254 = arith.constant 0 : i32
      %dma_start3A_255 = tpu.memref_slice %arg5[%add3A, %dma_start3A_254] : memref<32x2048xi32, #tpu.memory_space<hbm>> -> memref<1x2048xi32, #tpu.memory_space<hbm>>
      %dma_start3A_256 = tpu.memref_squeeze %dma_start3A_255 : memref<1x2048xi32, #tpu.memory_space<hbm>> -> memref<2048xi32, #tpu.memory_space<hbm>>
      %dma_start3A_257 = arith.constant 0 : i32
      %dma_start3A_258 = tpu.memref_slice %arg5[%add3A, %dma_start3A_257] : memref<32x2048xi32, #tpu.memory_space<hbm>> -> memref<1x2048xi32, #tpu.memory_space<hbm>>
      %dma_start3A_259 = tpu.memref_squeeze %dma_start3A_258 : memref<1x2048xi32, #tpu.memory_space<hbm>> -> memref<2048xi32, #tpu.memory_space<hbm>>
      %dma_start3A_260 = arith.constant 0 : i32
      %dma_start3A_261 = tpu.memref_slice %arg8[%dma_start3A_260] : memref<2064xi32, #tpu.memory_space<vmem>> -> memref<2048xi32, #tpu.memory_space<vmem>>
      tpu.enqueue_dma source(%dma_start3A_261 : memref<2048xi32, #tpu.memory_space<vmem>>) target(%dma_start3A_259 : memref<2048xi32, #tpu.memory_space<hbm>>) target_semaphore(%run_scoped3A : memref<!tpu.dma_semaphore, #tpu.memory_space<semaphore_mem>>)
      %dma_wait3A_262 = arith.constant 0 : i32
      %dma_wait3A_263 = tpu.memref_slice %arg8[%dma_wait3A_262] : memref<2064xi32, #tpu.memory_space<vmem>> -> memref<2048xi32, #tpu.memory_space<vmem>>
      %dma_wait3A_264 = arith.constant 0 : i32
      %dma_wait3A_265 = tpu.memref_slice %arg5[%add3A, %dma_wait3A_264] : memref<32x2048xi32, #tpu.memory_space<hbm>> -> memref<1x2048xi32, #tpu.memory_space<hbm>>
      %dma_wait3A_266 = tpu.memref_squeeze %dma_wait3A_265 : memref<1x2048xi32, #tpu.memory_space<hbm>> -> memref<2048xi32, #tpu.memory_space<hbm>>
      %dma_wait3A_267 = arith.constant 0 : i32
      %dma_wait3A_268 = tpu.memref_slice %arg5[%add3A, %dma_wait3A_267] : memref<32x2048xi32, #tpu.memory_space<hbm>> -> memref<1x2048xi32, #tpu.memory_space<hbm>>
      %dma_wait3A_269 = tpu.memref_squeeze %dma_wait3A_268 : memref<1x2048xi32, #tpu.memory_space<hbm>> -> memref<2048xi32, #tpu.memory_space<hbm>>
      %dma_wait3A_270 = arith.constant 0 : i32
      %dma_wait3A_271 = tpu.memref_slice %arg8[%dma_wait3A_270] : memref<2064xi32, #tpu.memory_space<vmem>> -> memref<2048xi32, #tpu.memory_space<vmem>>
      tpu.wait_dma2 semaphore(%run_scoped3A : memref<!tpu.dma_semaphore, #tpu.memory_space<semaphore_mem>>) src(%dma_wait3A_271 : memref<2048xi32, #tpu.memory_space<vmem>>) dst(%dma_wait3A_269 : memref<2048xi32, #tpu.memory_space<hbm>>)
      tpu.yield
    }) : () -> ()
    %dma_start3A = arith.constant 0 : i32
    %dma_start3A_30 = tpu.memref_slice %arg7[%dma_start3A] : memref<2064xi32, #tpu.memory_space<vmem>> -> memref<128xi32, #tpu.memory_space<vmem>>
    %dma_start3A_31 = arith.constant 0 : i32
    %dma_start3A_32 = arith.constant 0 : i32
    %dma_start3A_33 = tpu.memref_slice %arg3[%dma_start3A_31, %dma_start3A_32] : memref<32768x128xf32, #tpu.memory_space<hbm>> -> memref<32768x128xf32, #tpu.memory_space<hbm>>
    tpu.enqueue_indirect_dma source(%dma_start3A_33 : memref<32768x128xf32, #tpu.memory_space<hbm>>) target(%arg9 : memref<128x128xf32, #tpu.memory_space<vmem>>) offsets(%dma_start3A_30 : memref<128xi32, #tpu.memory_space<vmem>>) semaphore(%arg11 : memref<!tpu.dma_semaphore, #tpu.memory_space<semaphore_mem>>)
    %dma_start3A_34 = arith.constant 128 : i32
    %dma_start3A_35 = tpu.memref_slice %arg7[%dma_start3A_34] : memref<2064xi32, #tpu.memory_space<vmem>> -> memref<128xi32, #tpu.memory_space<vmem>>
    %dma_start3A_36 = arith.constant 0 : i32
    %dma_start3A_37 = arith.constant 0 : i32
    %dma_start3A_38 = tpu.memref_slice %arg3[%dma_start3A_36, %dma_start3A_37] : memref<32768x128xf32, #tpu.memory_space<hbm>> -> memref<32768x128xf32, #tpu.memory_space<hbm>>
    tpu.enqueue_indirect_dma source(%dma_start3A_38 : memref<32768x128xf32, #tpu.memory_space<hbm>>) target(%arg10 : memref<128x128xf32, #tpu.memory_space<vmem>>) offsets(%dma_start3A_35 : memref<128xi32, #tpu.memory_space<vmem>>) semaphore(%arg12 : memref<!tpu.dma_semaphore, #tpu.memory_space<semaphore_mem>>)
    %dma_wait3A = arith.constant 0 : i32
    %dma_wait3A_39 = tpu.memref_slice %arg7[%dma_wait3A] : memref<2064xi32, #tpu.memory_space<vmem>> -> memref<128xi32, #tpu.memory_space<vmem>>
    %dma_wait3A_40 = arith.constant 0 : i32
    %dma_wait3A_41 = arith.constant 0 : i32
    %dma_wait3A_42 = tpu.memref_slice %arg3[%dma_wait3A_40, %dma_wait3A_41] : memref<32768x128xf32, #tpu.memory_space<hbm>> -> memref<32768x128xf32, #tpu.memory_space<hbm>>
    tpu.wait_indirect_dma semaphore(%arg11 : memref<!tpu.dma_semaphore, #tpu.memory_space<semaphore_mem>>) src(%dma_wait3A_42 : memref<32768x128xf32, #tpu.memory_space<hbm>>) dst(%arg9 : memref<128x128xf32, #tpu.memory_space<vmem>>)
    %mul3A_43 = arith.constant 2048 : i32
    %mul3A_44 = arith.muli %add3A, %mul3A_43 : i32
    %add3A_45 = arith.constant 0 : i32
    %add3A_46 = arith.addi %mul3A_44, %add3A_45 : i32
    "tpu.region"() ({
      %run_scoped3A = tpu.sem_alloc : memref<!tpu.dma_semaphore, #tpu.memory_space<semaphore_mem>>
      %dma_start3A_252 = arith.constant 0 : i32
      %dma_start3A_253 = tpu.memref_slice %arg4[%add3A_46, %dma_start3A_252] : memref<65536x128xf32, #tpu.memory_space<hbm>> -> memref<128x128xf32, #tpu.memory_space<hbm>>
      %dma_start3A_254 = arith.constant 0 : i32
      %dma_start3A_255 = tpu.memref_slice %arg4[%add3A_46, %dma_start3A_254] : memref<65536x128xf32, #tpu.memory_space<hbm>> -> memref<128x128xf32, #tpu.memory_space<hbm>>
      tpu.enqueue_dma source(%arg9 : memref<128x128xf32, #tpu.memory_space<vmem>>) target(%dma_start3A_255 : memref<128x128xf32, #tpu.memory_space<hbm>>) target_semaphore(%run_scoped3A : memref<!tpu.dma_semaphore, #tpu.memory_space<semaphore_mem>>)
      %dma_wait3A_256 = arith.constant 0 : i32
      %dma_wait3A_257 = tpu.memref_slice %arg4[%add3A_46, %dma_wait3A_256] : memref<65536x128xf32, #tpu.memory_space<hbm>> -> memref<128x128xf32, #tpu.memory_space<hbm>>
      %dma_wait3A_258 = arith.constant 0 : i32
      %dma_wait3A_259 = tpu.memref_slice %arg4[%add3A_46, %dma_wait3A_258] : memref<65536x128xf32, #tpu.memory_space<hbm>> -> memref<128x128xf32, #tpu.memory_space<hbm>>
      tpu.wait_dma2 semaphore(%run_scoped3A : memref<!tpu.dma_semaphore, #tpu.memory_space<semaphore_mem>>) src(%arg9 : memref<128x128xf32, #tpu.memory_space<vmem>>) dst(%dma_wait3A_259 : memref<128x128xf32, #tpu.memory_space<hbm>>)
      tpu.yield
    }) : () -> ()
    %dma_start3A_47 = arith.constant 256 : i32
    %dma_start3A_48 = tpu.memref_slice %arg7[%dma_start3A_47] : memref<2064xi32, #tpu.memory_space<vmem>> -> memref<128xi32, #tpu.memory_space<vmem>>
    %dma_start3A_49 = arith.constant 0 : i32
    %dma_start3A_50 = arith.constant 0 : i32
    %dma_start3A_51 = tpu.memref_slice %arg3[%dma_start3A_49, %dma_start3A_50] : memref<32768x128xf32, #tpu.memory_space<hbm>> -> memref<32768x128xf32, #tpu.memory_space<hbm>>
    tpu.enqueue_indirect_dma source(%dma_start3A_51 : memref<32768x128xf32, #tpu.memory_space<hbm>>) target(%arg9 : memref<128x128xf32, #tpu.memory_space<vmem>>) offsets(%dma_start3A_48 : memref<128xi32, #tpu.memory_space<vmem>>) semaphore(%arg11 : memref<!tpu.dma_semaphore, #tpu.memory_space<semaphore_mem>>)
    %dma_wait3A_52 = arith.constant 128 : i32
    %dma_wait3A_53 = tpu.memref_slice %arg7[%dma_wait3A_52] : memref<2064xi32, #tpu.memory_space<vmem>> -> memref<128xi32, #tpu.memory_space<vmem>>
    %dma_wait3A_54 = arith.constant 0 : i32
    %dma_wait3A_55 = arith.constant 0 : i32
    %dma_wait3A_56 = tpu.memref_slice %arg3[%dma_wait3A_54, %dma_wait3A_55] : memref<32768x128xf32, #tpu.memory_space<hbm>> -> memref<32768x128xf32, #tpu.memory_space<hbm>>
    tpu.wait_indirect_dma semaphore(%arg12 : memref<!tpu.dma_semaphore, #tpu.memory_space<semaphore_mem>>) src(%dma_wait3A_56 : memref<32768x128xf32, #tpu.memory_space<hbm>>) dst(%arg10 : memref<128x128xf32, #tpu.memory_space<vmem>>)
    %mul3A_57 = arith.constant 2048 : i32
    %mul3A_58 = arith.muli %add3A, %mul3A_57 : i32
    %add3A_59 = arith.constant 128 : i32
    %add3A_60 = arith.addi %mul3A_58, %add3A_59 : i32
    "tpu.region"() ({
      %run_scoped3A = tpu.sem_alloc : memref<!tpu.dma_semaphore, #tpu.memory_space<semaphore_mem>>
      %dma_start3A_252 = arith.constant 0 : i32
      %dma_start3A_253 = tpu.memref_slice %arg4[%add3A_60, %dma_start3A_252] : memref<65536x128xf32, #tpu.memory_space<hbm>> -> memref<128x128xf32, #tpu.memory_space<hbm>>
      %dma_start3A_254 = arith.constant 0 : i32
      %dma_start3A_255 = tpu.memref_slice %arg4[%add3A_60, %dma_start3A_254] : memref<65536x128xf32, #tpu.memory_space<hbm>> -> memref<128x128xf32, #tpu.memory_space<hbm>>
      tpu.enqueue_dma source(%arg10 : memref<128x128xf32, #tpu.memory_space<vmem>>) target(%dma_start3A_255 : memref<128x128xf32, #tpu.memory_space<hbm>>) target_semaphore(%run_scoped3A : memref<!tpu.dma_semaphore, #tpu.memory_space<semaphore_mem>>)
      %dma_wait3A_256 = arith.constant 0 : i32
      %dma_wait3A_257 = tpu.memref_slice %arg4[%add3A_60, %dma_wait3A_256] : memref<65536x128xf32, #tpu.memory_space<hbm>> -> memref<128x128xf32, #tpu.memory_space<hbm>>
      %dma_wait3A_258 = arith.constant 0 : i32
      %dma_wait3A_259 = tpu.memref_slice %arg4[%add3A_60, %dma_wait3A_258] : memref<65536x128xf32, #tpu.memory_space<hbm>> -> memref<128x128xf32, #tpu.memory_space<hbm>>
      tpu.wait_dma2 semaphore(%run_scoped3A : memref<!tpu.dma_semaphore, #tpu.memory_space<semaphore_mem>>) src(%arg10 : memref<128x128xf32, #tpu.memory_space<vmem>>) dst(%dma_wait3A_259 : memref<128x128xf32, #tpu.memory_space<hbm>>)
      tpu.yield
    }) : () -> ()
    %dma_start3A_61 = arith.constant 384 : i32
    %dma_start3A_62 = tpu.memref_slice %arg7[%dma_start3A_61] : memref<2064xi32, #tpu.memory_space<vmem>> -> memref<128xi32, #tpu.memory_space<vmem>>
    %dma_start3A_63 = arith.constant 0 : i32
    %dma_start3A_64 = arith.constant 0 : i32
    %dma_start3A_65 = tpu.memref_slice %arg3[%dma_start3A_63, %dma_start3A_64] : memref<32768x128xf32, #tpu.memory_space<hbm>> -> memref<32768x128xf32, #tpu.memory_space<hbm>>
    tpu.enqueue_indirect_dma source(%dma_start3A_65 : memref<32768x128xf32, #tpu.memory_space<hbm>>) target(%arg10 : memref<128x128xf32, #tpu.memory_space<vmem>>) offsets(%dma_start3A_62 : memref<128xi32, #tpu.memory_space<vmem>>) semaphore(%arg12 : memref<!tpu.dma_semaphore, #tpu.memory_space<semaphore_mem>>)
    %dma_wait3A_66 = arith.constant 256 : i32
    %dma_wait3A_67 = tpu.memref_slice %arg7[%dma_wait3A_66] : memref<2064xi32, #tpu.memory_space<vmem>> -> memref<128xi32, #tpu.memory_space<vmem>>
    %dma_wait3A_68 = arith.constant 0 : i32
    %dma_wait3A_69 = arith.constant 0 : i32
    %dma_wait3A_70 = tpu.memref_slice %arg3[%dma_wait3A_68, %dma_wait3A_69] : memref<32768x128xf32, #tpu.memory_space<hbm>> -> memref<32768x128xf32, #tpu.memory_space<hbm>>
    tpu.wait_indirect_dma semaphore(%arg11 : memref<!tpu.dma_semaphore, #tpu.memory_space<semaphore_mem>>) src(%dma_wait3A_70 : memref<32768x128xf32, #tpu.memory_space<hbm>>) dst(%arg9 : memref<128x128xf32, #tpu.memory_space<vmem>>)
    %mul3A_71 = arith.constant 2048 : i32
    %mul3A_72 = arith.muli %add3A, %mul3A_71 : i32
    %add3A_73 = arith.constant 256 : i32
    %add3A_74 = arith.addi %mul3A_72, %add3A_73 : i32
    "tpu.region"() ({
      %run_scoped3A = tpu.sem_alloc : memref<!tpu.dma_semaphore, #tpu.memory_space<semaphore_mem>>
      %dma_start3A_252 = arith.constant 0 : i32
      %dma_start3A_253 = tpu.memref_slice %arg4[%add3A_74, %dma_start3A_252] : memref<65536x128xf32, #tpu.memory_space<hbm>> -> memref<128x128xf32, #tpu.memory_space<hbm>>
      %dma_start3A_254 = arith.constant 0 : i32
      %dma_start3A_255 = tpu.memref_slice %arg4[%add3A_74, %dma_start3A_254] : memref<65536x128xf32, #tpu.memory_space<hbm>> -> memref<128x128xf32, #tpu.memory_space<hbm>>
      tpu.enqueue_dma source(%arg9 : memref<128x128xf32, #tpu.memory_space<vmem>>) target(%dma_start3A_255 : memref<128x128xf32, #tpu.memory_space<hbm>>) target_semaphore(%run_scoped3A : memref<!tpu.dma_semaphore, #tpu.memory_space<semaphore_mem>>)
      %dma_wait3A_256 = arith.constant 0 : i32
      %dma_wait3A_257 = tpu.memref_slice %arg4[%add3A_74, %dma_wait3A_256] : memref<65536x128xf32, #tpu.memory_space<hbm>> -> memref<128x128xf32, #tpu.memory_space<hbm>>
      %dma_wait3A_258 = arith.constant 0 : i32
      %dma_wait3A_259 = tpu.memref_slice %arg4[%add3A_74, %dma_wait3A_258] : memref<65536x128xf32, #tpu.memory_space<hbm>> -> memref<128x128xf32, #tpu.memory_space<hbm>>
      tpu.wait_dma2 semaphore(%run_scoped3A : memref<!tpu.dma_semaphore, #tpu.memory_space<semaphore_mem>>) src(%arg9 : memref<128x128xf32, #tpu.memory_space<vmem>>) dst(%dma_wait3A_259 : memref<128x128xf32, #tpu.memory_space<hbm>>)
      tpu.yield
    }) : () -> ()
    %dma_start3A_75 = arith.constant 512 : i32
    %dma_start3A_76 = tpu.memref_slice %arg7[%dma_start3A_75] : memref<2064xi32, #tpu.memory_space<vmem>> -> memref<128xi32, #tpu.memory_space<vmem>>
    %dma_start3A_77 = arith.constant 0 : i32
    %dma_start3A_78 = arith.constant 0 : i32
    %dma_start3A_79 = tpu.memref_slice %arg3[%dma_start3A_77, %dma_start3A_78] : memref<32768x128xf32, #tpu.memory_space<hbm>> -> memref<32768x128xf32, #tpu.memory_space<hbm>>
    tpu.enqueue_indirect_dma source(%dma_start3A_79 : memref<32768x128xf32, #tpu.memory_space<hbm>>) target(%arg9 : memref<128x128xf32, #tpu.memory_space<vmem>>) offsets(%dma_start3A_76 : memref<128xi32, #tpu.memory_space<vmem>>) semaphore(%arg11 : memref<!tpu.dma_semaphore, #tpu.memory_space<semaphore_mem>>)
    %dma_wait3A_80 = arith.constant 384 : i32
    %dma_wait3A_81 = tpu.memref_slice %arg7[%dma_wait3A_80] : memref<2064xi32, #tpu.memory_space<vmem>> -> memref<128xi32, #tpu.memory_space<vmem>>
    %dma_wait3A_82 = arith.constant 0 : i32
    %dma_wait3A_83 = arith.constant 0 : i32
    %dma_wait3A_84 = tpu.memref_slice %arg3[%dma_wait3A_82, %dma_wait3A_83] : memref<32768x128xf32, #tpu.memory_space<hbm>> -> memref<32768x128xf32, #tpu.memory_space<hbm>>
    tpu.wait_indirect_dma semaphore(%arg12 : memref<!tpu.dma_semaphore, #tpu.memory_space<semaphore_mem>>) src(%dma_wait3A_84 : memref<32768x128xf32, #tpu.memory_space<hbm>>) dst(%arg10 : memref<128x128xf32, #tpu.memory_space<vmem>>)
    %mul3A_85 = arith.constant 2048 : i32
    %mul3A_86 = arith.muli %add3A, %mul3A_85 : i32
    %add3A_87 = arith.constant 384 : i32
    %add3A_88 = arith.addi %mul3A_86, %add3A_87 : i32
    "tpu.region"() ({
      %run_scoped3A = tpu.sem_alloc : memref<!tpu.dma_semaphore, #tpu.memory_space<semaphore_mem>>
      %dma_start3A_252 = arith.constant 0 : i32
      %dma_start3A_253 = tpu.memref_slice %arg4[%add3A_88, %dma_start3A_252] : memref<65536x128xf32, #tpu.memory_space<hbm>> -> memref<128x128xf32, #tpu.memory_space<hbm>>
      %dma_start3A_254 = arith.constant 0 : i32
      %dma_start3A_255 = tpu.memref_slice %arg4[%add3A_88, %dma_start3A_254] : memref<65536x128xf32, #tpu.memory_space<hbm>> -> memref<128x128xf32, #tpu.memory_space<hbm>>
      tpu.enqueue_dma source(%arg10 : memref<128x128xf32, #tpu.memory_space<vmem>>) target(%dma_start3A_255 : memref<128x128xf32, #tpu.memory_space<hbm>>) target_semaphore(%run_scoped3A : memref<!tpu.dma_semaphore, #tpu.memory_space<semaphore_mem>>)
      %dma_wait3A_256 = arith.constant 0 : i32
      %dma_wait3A_257 = tpu.memref_slice %arg4[%add3A_88, %dma_wait3A_256] : memref<65536x128xf32, #tpu.memory_space<hbm>> -> memref<128x128xf32, #tpu.memory_space<hbm>>
      %dma_wait3A_258 = arith.constant 0 : i32
      %dma_wait3A_259 = tpu.memref_slice %arg4[%add3A_88, %dma_wait3A_258] : memref<65536x128xf32, #tpu.memory_space<hbm>> -> memref<128x128xf32, #tpu.memory_space<hbm>>
      tpu.wait_dma2 semaphore(%run_scoped3A : memref<!tpu.dma_semaphore, #tpu.memory_space<semaphore_mem>>) src(%arg10 : memref<128x128xf32, #tpu.memory_space<vmem>>) dst(%dma_wait3A_259 : memref<128x128xf32, #tpu.memory_space<hbm>>)
      tpu.yield
    }) : () -> ()
    %dma_start3A_89 = arith.constant 640 : i32
    %dma_start3A_90 = tpu.memref_slice %arg7[%dma_start3A_89] : memref<2064xi32, #tpu.memory_space<vmem>> -> memref<128xi32, #tpu.memory_space<vmem>>
    %dma_start3A_91 = arith.constant 0 : i32
    %dma_start3A_92 = arith.constant 0 : i32
    %dma_start3A_93 = tpu.memref_slice %arg3[%dma_start3A_91, %dma_start3A_92] : memref<32768x128xf32, #tpu.memory_space<hbm>> -> memref<32768x128xf32, #tpu.memory_space<hbm>>
    tpu.enqueue_indirect_dma source(%dma_start3A_93 : memref<32768x128xf32, #tpu.memory_space<hbm>>) target(%arg10 : memref<128x128xf32, #tpu.memory_space<vmem>>) offsets(%dma_start3A_90 : memref<128xi32, #tpu.memory_space<vmem>>) semaphore(%arg12 : memref<!tpu.dma_semaphore, #tpu.memory_space<semaphore_mem>>)
    %dma_wait3A_94 = arith.constant 512 : i32
    %dma_wait3A_95 = tpu.memref_slice %arg7[%dma_wait3A_94] : memref<2064xi32, #tpu.memory_space<vmem>> -> memref<128xi32, #tpu.memory_space<vmem>>
    %dma_wait3A_96 = arith.constant 0 : i32
    %dma_wait3A_97 = arith.constant 0 : i32
    %dma_wait3A_98 = tpu.memref_slice %arg3[%dma_wait3A_96, %dma_wait3A_97] : memref<32768x128xf32, #tpu.memory_space<hbm>> -> memref<32768x128xf32, #tpu.memory_space<hbm>>
    tpu.wait_indirect_dma semaphore(%arg11 : memref<!tpu.dma_semaphore, #tpu.memory_space<semaphore_mem>>) src(%dma_wait3A_98 : memref<32768x128xf32, #tpu.memory_space<hbm>>) dst(%arg9 : memref<128x128xf32, #tpu.memory_space<vmem>>)
    %mul3A_99 = arith.constant 2048 : i32
    %mul3A_100 = arith.muli %add3A, %mul3A_99 : i32
    %add3A_101 = arith.constant 512 : i32
    %add3A_102 = arith.addi %mul3A_100, %add3A_101 : i32
    "tpu.region"() ({
      %run_scoped3A = tpu.sem_alloc : memref<!tpu.dma_semaphore, #tpu.memory_space<semaphore_mem>>
      %dma_start3A_252 = arith.constant 0 : i32
      %dma_start3A_253 = tpu.memref_slice %arg4[%add3A_102, %dma_start3A_252] : memref<65536x128xf32, #tpu.memory_space<hbm>> -> memref<128x128xf32, #tpu.memory_space<hbm>>
      %dma_start3A_254 = arith.constant 0 : i32
      %dma_start3A_255 = tpu.memref_slice %arg4[%add3A_102, %dma_start3A_254] : memref<65536x128xf32, #tpu.memory_space<hbm>> -> memref<128x128xf32, #tpu.memory_space<hbm>>
      tpu.enqueue_dma source(%arg9 : memref<128x128xf32, #tpu.memory_space<vmem>>) target(%dma_start3A_255 : memref<128x128xf32, #tpu.memory_space<hbm>>) target_semaphore(%run_scoped3A : memref<!tpu.dma_semaphore, #tpu.memory_space<semaphore_mem>>)
      %dma_wait3A_256 = arith.constant 0 : i32
      %dma_wait3A_257 = tpu.memref_slice %arg4[%add3A_102, %dma_wait3A_256] : memref<65536x128xf32, #tpu.memory_space<hbm>> -> memref<128x128xf32, #tpu.memory_space<hbm>>
      %dma_wait3A_258 = arith.constant 0 : i32
      %dma_wait3A_259 = tpu.memref_slice %arg4[%add3A_102, %dma_wait3A_258] : memref<65536x128xf32, #tpu.memory_space<hbm>> -> memref<128x128xf32, #tpu.memory_space<hbm>>
      tpu.wait_dma2 semaphore(%run_scoped3A : memref<!tpu.dma_semaphore, #tpu.memory_space<semaphore_mem>>) src(%arg9 : memref<128x128xf32, #tpu.memory_space<vmem>>) dst(%dma_wait3A_259 : memref<128x128xf32, #tpu.memory_space<hbm>>)
      tpu.yield
    }) : () -> ()
    %dma_start3A_103 = arith.constant 768 : i32
    %dma_start3A_104 = tpu.memref_slice %arg7[%dma_start3A_103] : memref<2064xi32, #tpu.memory_space<vmem>> -> memref<128xi32, #tpu.memory_space<vmem>>
    %dma_start3A_105 = arith.constant 0 : i32
    %dma_start3A_106 = arith.constant 0 : i32
    %dma_start3A_107 = tpu.memref_slice %arg3[%dma_start3A_105, %dma_start3A_106] : memref<32768x128xf32, #tpu.memory_space<hbm>> -> memref<32768x128xf32, #tpu.memory_space<hbm>>
    tpu.enqueue_indirect_dma source(%dma_start3A_107 : memref<32768x128xf32, #tpu.memory_space<hbm>>) target(%arg9 : memref<128x128xf32, #tpu.memory_space<vmem>>) offsets(%dma_start3A_104 : memref<128xi32, #tpu.memory_space<vmem>>) semaphore(%arg11 : memref<!tpu.dma_semaphore, #tpu.memory_space<semaphore_mem>>)
    %dma_wait3A_108 = arith.constant 640 : i32
    %dma_wait3A_109 = tpu.memref_slice %arg7[%dma_wait3A_108] : memref<2064xi32, #tpu.memory_space<vmem>> -> memref<128xi32, #tpu.memory_space<vmem>>
    %dma_wait3A_110 = arith.constant 0 : i32
    %dma_wait3A_111 = arith.constant 0 : i32
    %dma_wait3A_112 = tpu.memref_slice %arg3[%dma_wait3A_110, %dma_wait3A_111] : memref<32768x128xf32, #tpu.memory_space<hbm>> -> memref<32768x128xf32, #tpu.memory_space<hbm>>
    tpu.wait_indirect_dma semaphore(%arg12 : memref<!tpu.dma_semaphore, #tpu.memory_space<semaphore_mem>>) src(%dma_wait3A_112 : memref<32768x128xf32, #tpu.memory_space<hbm>>) dst(%arg10 : memref<128x128xf32, #tpu.memory_space<vmem>>)
    %mul3A_113 = arith.constant 2048 : i32
    %mul3A_114 = arith.muli %add3A, %mul3A_113 : i32
    %add3A_115 = arith.constant 640 : i32
    %add3A_116 = arith.addi %mul3A_114, %add3A_115 : i32
    "tpu.region"() ({
      %run_scoped3A = tpu.sem_alloc : memref<!tpu.dma_semaphore, #tpu.memory_space<semaphore_mem>>
      %dma_start3A_252 = arith.constant 0 : i32
      %dma_start3A_253 = tpu.memref_slice %arg4[%add3A_116, %dma_start3A_252] : memref<65536x128xf32, #tpu.memory_space<hbm>> -> memref<128x128xf32, #tpu.memory_space<hbm>>
      %dma_start3A_254 = arith.constant 0 : i32
      %dma_start3A_255 = tpu.memref_slice %arg4[%add3A_116, %dma_start3A_254] : memref<65536x128xf32, #tpu.memory_space<hbm>> -> memref<128x128xf32, #tpu.memory_space<hbm>>
      tpu.enqueue_dma source(%arg10 : memref<128x128xf32, #tpu.memory_space<vmem>>) target(%dma_start3A_255 : memref<128x128xf32, #tpu.memory_space<hbm>>) target_semaphore(%run_scoped3A : memref<!tpu.dma_semaphore, #tpu.memory_space<semaphore_mem>>)
      %dma_wait3A_256 = arith.constant 0 : i32
      %dma_wait3A_257 = tpu.memref_slice %arg4[%add3A_116, %dma_wait3A_256] : memref<65536x128xf32, #tpu.memory_space<hbm>> -> memref<128x128xf32, #tpu.memory_space<hbm>>
      %dma_wait3A_258 = arith.constant 0 : i32
      %dma_wait3A_259 = tpu.memref_slice %arg4[%add3A_116, %dma_wait3A_258] : memref<65536x128xf32, #tpu.memory_space<hbm>> -> memref<128x128xf32, #tpu.memory_space<hbm>>
      tpu.wait_dma2 semaphore(%run_scoped3A : memref<!tpu.dma_semaphore, #tpu.memory_space<semaphore_mem>>) src(%arg10 : memref<128x128xf32, #tpu.memory_space<vmem>>) dst(%dma_wait3A_259 : memref<128x128xf32, #tpu.memory_space<hbm>>)
      tpu.yield
    }) : () -> ()
    %dma_start3A_117 = arith.constant 896 : i32
    %dma_start3A_118 = tpu.memref_slice %arg7[%dma_start3A_117] : memref<2064xi32, #tpu.memory_space<vmem>> -> memref<128xi32, #tpu.memory_space<vmem>>
    %dma_start3A_119 = arith.constant 0 : i32
    %dma_start3A_120 = arith.constant 0 : i32
    %dma_start3A_121 = tpu.memref_slice %arg3[%dma_start3A_119, %dma_start3A_120] : memref<32768x128xf32, #tpu.memory_space<hbm>> -> memref<32768x128xf32, #tpu.memory_space<hbm>>
    tpu.enqueue_indirect_dma source(%dma_start3A_121 : memref<32768x128xf32, #tpu.memory_space<hbm>>) target(%arg10 : memref<128x128xf32, #tpu.memory_space<vmem>>) offsets(%dma_start3A_118 : memref<128xi32, #tpu.memory_space<vmem>>) semaphore(%arg12 : memref<!tpu.dma_semaphore, #tpu.memory_space<semaphore_mem>>)
    %dma_wait3A_122 = arith.constant 768 : i32
    %dma_wait3A_123 = tpu.memref_slice %arg7[%dma_wait3A_122] : memref<2064xi32, #tpu.memory_space<vmem>> -> memref<128xi32, #tpu.memory_space<vmem>>
    %dma_wait3A_124 = arith.constant 0 : i32
    %dma_wait3A_125 = arith.constant 0 : i32
    %dma_wait3A_126 = tpu.memref_slice %arg3[%dma_wait3A_124, %dma_wait3A_125] : memref<32768x128xf32, #tpu.memory_space<hbm>> -> memref<32768x128xf32, #tpu.memory_space<hbm>>
    tpu.wait_indirect_dma semaphore(%arg11 : memref<!tpu.dma_semaphore, #tpu.memory_space<semaphore_mem>>) src(%dma_wait3A_126 : memref<32768x128xf32, #tpu.memory_space<hbm>>) dst(%arg9 : memref<128x128xf32, #tpu.memory_space<vmem>>)
    %mul3A_127 = arith.constant 2048 : i32
    %mul3A_128 = arith.muli %add3A, %mul3A_127 : i32
    %add3A_129 = arith.constant 768 : i32
    %add3A_130 = arith.addi %mul3A_128, %add3A_129 : i32
    "tpu.region"() ({
      %run_scoped3A = tpu.sem_alloc : memref<!tpu.dma_semaphore, #tpu.memory_space<semaphore_mem>>
      %dma_start3A_252 = arith.constant 0 : i32
      %dma_start3A_253 = tpu.memref_slice %arg4[%add3A_130, %dma_start3A_252] : memref<65536x128xf32, #tpu.memory_space<hbm>> -> memref<128x128xf32, #tpu.memory_space<hbm>>
      %dma_start3A_254 = arith.constant 0 : i32
      %dma_start3A_255 = tpu.memref_slice %arg4[%add3A_130, %dma_start3A_254] : memref<65536x128xf32, #tpu.memory_space<hbm>> -> memref<128x128xf32, #tpu.memory_space<hbm>>
      tpu.enqueue_dma source(%arg9 : memref<128x128xf32, #tpu.memory_space<vmem>>) target(%dma_start3A_255 : memref<128x128xf32, #tpu.memory_space<hbm>>) target_semaphore(%run_scoped3A : memref<!tpu.dma_semaphore, #tpu.memory_space<semaphore_mem>>)
      %dma_wait3A_256 = arith.constant 0 : i32
      %dma_wait3A_257 = tpu.memref_slice %arg4[%add3A_130, %dma_wait3A_256] : memref<65536x128xf32, #tpu.memory_space<hbm>> -> memref<128x128xf32, #tpu.memory_space<hbm>>
      %dma_wait3A_258 = arith.constant 0 : i32
      %dma_wait3A_259 = tpu.memref_slice %arg4[%add3A_130, %dma_wait3A_258] : memref<65536x128xf32, #tpu.memory_space<hbm>> -> memref<128x128xf32, #tpu.memory_space<hbm>>
      tpu.wait_dma2 semaphore(%run_scoped3A : memref<!tpu.dma_semaphore, #tpu.memory_space<semaphore_mem>>) src(%arg9 : memref<128x128xf32, #tpu.memory_space<vmem>>) dst(%dma_wait3A_259 : memref<128x128xf32, #tpu.memory_space<hbm>>)
      tpu.yield
    }) : () -> ()
    %dma_start3A_131 = arith.constant 1024 : i32
    %dma_start3A_132 = tpu.memref_slice %arg7[%dma_start3A_131] : memref<2064xi32, #tpu.memory_space<vmem>> -> memref<128xi32, #tpu.memory_space<vmem>>
    %dma_start3A_133 = arith.constant 0 : i32
    %dma_start3A_134 = arith.constant 0 : i32
    %dma_start3A_135 = tpu.memref_slice %arg3[%dma_start3A_133, %dma_start3A_134] : memref<32768x128xf32, #tpu.memory_space<hbm>> -> memref<32768x128xf32, #tpu.memory_space<hbm>>
    tpu.enqueue_indirect_dma source(%dma_start3A_135 : memref<32768x128xf32, #tpu.memory_space<hbm>>) target(%arg9 : memref<128x128xf32, #tpu.memory_space<vmem>>) offsets(%dma_start3A_132 : memref<128xi32, #tpu.memory_space<vmem>>) semaphore(%arg11 : memref<!tpu.dma_semaphore, #tpu.memory_space<semaphore_mem>>)
    %dma_wait3A_136 = arith.constant 896 : i32
    %dma_wait3A_137 = tpu.memref_slice %arg7[%dma_wait3A_136] : memref<2064xi32, #tpu.memory_space<vmem>> -> memref<128xi32, #tpu.memory_space<vmem>>
    %dma_wait3A_138 = arith.constant 0 : i32
    %dma_wait3A_139 = arith.constant 0 : i32
    %dma_wait3A_140 = tpu.memref_slice %arg3[%dma_wait3A_138, %dma_wait3A_139] : memref<32768x128xf32, #tpu.memory_space<hbm>> -> memref<32768x128xf32, #tpu.memory_space<hbm>>
    tpu.wait_indirect_dma semaphore(%arg12 : memref<!tpu.dma_semaphore, #tpu.memory_space<semaphore_mem>>) src(%dma_wait3A_140 : memref<32768x128xf32, #tpu.memory_space<hbm>>) dst(%arg10 : memref<128x128xf32, #tpu.memory_space<vmem>>)
    %mul3A_141 = arith.constant 2048 : i32
    %mul3A_142 = arith.muli %add3A, %mul3A_141 : i32
    %add3A_143 = arith.constant 896 : i32
    %add3A_144 = arith.addi %mul3A_142, %add3A_143 : i32
    "tpu.region"() ({
      %run_scoped3A = tpu.sem_alloc : memref<!tpu.dma_semaphore, #tpu.memory_space<semaphore_mem>>
      %dma_start3A_252 = arith.constant 0 : i32
      %dma_start3A_253 = tpu.memref_slice %arg4[%add3A_144, %dma_start3A_252] : memref<65536x128xf32, #tpu.memory_space<hbm>> -> memref<128x128xf32, #tpu.memory_space<hbm>>
      %dma_start3A_254 = arith.constant 0 : i32
      %dma_start3A_255 = tpu.memref_slice %arg4[%add3A_144, %dma_start3A_254] : memref<65536x128xf32, #tpu.memory_space<hbm>> -> memref<128x128xf32, #tpu.memory_space<hbm>>
      tpu.enqueue_dma source(%arg10 : memref<128x128xf32, #tpu.memory_space<vmem>>) target(%dma_start3A_255 : memref<128x128xf32, #tpu.memory_space<hbm>>) target_semaphore(%run_scoped3A : memref<!tpu.dma_semaphore, #tpu.memory_space<semaphore_mem>>)
      %dma_wait3A_256 = arith.constant 0 : i32
      %dma_wait3A_257 = tpu.memref_slice %arg4[%add3A_144, %dma_wait3A_256] : memref<65536x128xf32, #tpu.memory_space<hbm>> -> memref<128x128xf32, #tpu.memory_space<hbm>>
      %dma_wait3A_258 = arith.constant 0 : i32
      %dma_wait3A_259 = tpu.memref_slice %arg4[%add3A_144, %dma_wait3A_258] : memref<65536x128xf32, #tpu.memory_space<hbm>> -> memref<128x128xf32, #tpu.memory_space<hbm>>
      tpu.wait_dma2 semaphore(%run_scoped3A : memref<!tpu.dma_semaphore, #tpu.memory_space<semaphore_mem>>) src(%arg10 : memref<128x128xf32, #tpu.memory_space<vmem>>) dst(%dma_wait3A_259 : memref<128x128xf32, #tpu.memory_space<hbm>>)
      tpu.yield
    }) : () -> ()
    %dma_start3A_145 = arith.constant 1152 : i32
    %dma_start3A_146 = tpu.memref_slice %arg7[%dma_start3A_145] : memref<2064xi32, #tpu.memory_space<vmem>> -> memref<128xi32, #tpu.memory_space<vmem>>
    %dma_start3A_147 = arith.constant 0 : i32
    %dma_start3A_148 = arith.constant 0 : i32
    %dma_start3A_149 = tpu.memref_slice %arg3[%dma_start3A_147, %dma_start3A_148] : memref<32768x128xf32, #tpu.memory_space<hbm>> -> memref<32768x128xf32, #tpu.memory_space<hbm>>
    tpu.enqueue_indirect_dma source(%dma_start3A_149 : memref<32768x128xf32, #tpu.memory_space<hbm>>) target(%arg10 : memref<128x128xf32, #tpu.memory_space<vmem>>) offsets(%dma_start3A_146 : memref<128xi32, #tpu.memory_space<vmem>>) semaphore(%arg12 : memref<!tpu.dma_semaphore, #tpu.memory_space<semaphore_mem>>)
    %dma_wait3A_150 = arith.constant 1024 : i32
    %dma_wait3A_151 = tpu.memref_slice %arg7[%dma_wait3A_150] : memref<2064xi32, #tpu.memory_space<vmem>> -> memref<128xi32, #tpu.memory_space<vmem>>
    %dma_wait3A_152 = arith.constant 0 : i32
    %dma_wait3A_153 = arith.constant 0 : i32
    %dma_wait3A_154 = tpu.memref_slice %arg3[%dma_wait3A_152, %dma_wait3A_153] : memref<32768x128xf32, #tpu.memory_space<hbm>> -> memref<32768x128xf32, #tpu.memory_space<hbm>>
    tpu.wait_indirect_dma semaphore(%arg11 : memref<!tpu.dma_semaphore, #tpu.memory_space<semaphore_mem>>) src(%dma_wait3A_154 : memref<32768x128xf32, #tpu.memory_space<hbm>>) dst(%arg9 : memref<128x128xf32, #tpu.memory_space<vmem>>)
    %mul3A_155 = arith.constant 2048 : i32
    %mul3A_156 = arith.muli %add3A, %mul3A_155 : i32
    %add3A_157 = arith.constant 1024 : i32
    %add3A_158 = arith.addi %mul3A_156, %add3A_157 : i32
    "tpu.region"() ({
      %run_scoped3A = tpu.sem_alloc : memref<!tpu.dma_semaphore, #tpu.memory_space<semaphore_mem>>
      %dma_start3A_252 = arith.constant 0 : i32
      %dma_start3A_253 = tpu.memref_slice %arg4[%add3A_158, %dma_start3A_252] : memref<65536x128xf32, #tpu.memory_space<hbm>> -> memref<128x128xf32, #tpu.memory_space<hbm>>
      %dma_start3A_254 = arith.constant 0 : i32
      %dma_start3A_255 = tpu.memref_slice %arg4[%add3A_158, %dma_start3A_254] : memref<65536x128xf32, #tpu.memory_space<hbm>> -> memref<128x128xf32, #tpu.memory_space<hbm>>
      tpu.enqueue_dma source(%arg9 : memref<128x128xf32, #tpu.memory_space<vmem>>) target(%dma_start3A_255 : memref<128x128xf32, #tpu.memory_space<hbm>>) target_semaphore(%run_scoped3A : memref<!tpu.dma_semaphore, #tpu.memory_space<semaphore_mem>>)
      %dma_wait3A_256 = arith.constant 0 : i32
      %dma_wait3A_257 = tpu.memref_slice %arg4[%add3A_158, %dma_wait3A_256] : memref<65536x128xf32, #tpu.memory_space<hbm>> -> memref<128x128xf32, #tpu.memory_space<hbm>>
      %dma_wait3A_258 = arith.constant 0 : i32
      %dma_wait3A_259 = tpu.memref_slice %arg4[%add3A_158, %dma_wait3A_258] : memref<65536x128xf32, #tpu.memory_space<hbm>> -> memref<128x128xf32, #tpu.memory_space<hbm>>
      tpu.wait_dma2 semaphore(%run_scoped3A : memref<!tpu.dma_semaphore, #tpu.memory_space<semaphore_mem>>) src(%arg9 : memref<128x128xf32, #tpu.memory_space<vmem>>) dst(%dma_wait3A_259 : memref<128x128xf32, #tpu.memory_space<hbm>>)
      tpu.yield
    }) : () -> ()
    %dma_start3A_159 = arith.constant 1280 : i32
    %dma_start3A_160 = tpu.memref_slice %arg7[%dma_start3A_159] : memref<2064xi32, #tpu.memory_space<vmem>> -> memref<128xi32, #tpu.memory_space<vmem>>
    %dma_start3A_161 = arith.constant 0 : i32
    %dma_start3A_162 = arith.constant 0 : i32
    %dma_start3A_163 = tpu.memref_slice %arg3[%dma_start3A_161, %dma_start3A_162] : memref<32768x128xf32, #tpu.memory_space<hbm>> -> memref<32768x128xf32, #tpu.memory_space<hbm>>
    tpu.enqueue_indirect_dma source(%dma_start3A_163 : memref<32768x128xf32, #tpu.memory_space<hbm>>) target(%arg9 : memref<128x128xf32, #tpu.memory_space<vmem>>) offsets(%dma_start3A_160 : memref<128xi32, #tpu.memory_space<vmem>>) semaphore(%arg11 : memref<!tpu.dma_semaphore, #tpu.memory_space<semaphore_mem>>)
    %dma_wait3A_164 = arith.constant 1152 : i32
    %dma_wait3A_165 = tpu.memref_slice %arg7[%dma_wait3A_164] : memref<2064xi32, #tpu.memory_space<vmem>> -> memref<128xi32, #tpu.memory_space<vmem>>
    %dma_wait3A_166 = arith.constant 0 : i32
    %dma_wait3A_167 = arith.constant 0 : i32
    %dma_wait3A_168 = tpu.memref_slice %arg3[%dma_wait3A_166, %dma_wait3A_167] : memref<32768x128xf32, #tpu.memory_space<hbm>> -> memref<32768x128xf32, #tpu.memory_space<hbm>>
    tpu.wait_indirect_dma semaphore(%arg12 : memref<!tpu.dma_semaphore, #tpu.memory_space<semaphore_mem>>) src(%dma_wait3A_168 : memref<32768x128xf32, #tpu.memory_space<hbm>>) dst(%arg10 : memref<128x128xf32, #tpu.memory_space<vmem>>)
    %mul3A_169 = arith.constant 2048 : i32
    %mul3A_170 = arith.muli %add3A, %mul3A_169 : i32
    %add3A_171 = arith.constant 1152 : i32
    %add3A_172 = arith.addi %mul3A_170, %add3A_171 : i32
    "tpu.region"() ({
      %run_scoped3A = tpu.sem_alloc : memref<!tpu.dma_semaphore, #tpu.memory_space<semaphore_mem>>
      %dma_start3A_252 = arith.constant 0 : i32
      %dma_start3A_253 = tpu.memref_slice %arg4[%add3A_172, %dma_start3A_252] : memref<65536x128xf32, #tpu.memory_space<hbm>> -> memref<128x128xf32, #tpu.memory_space<hbm>>
      %dma_start3A_254 = arith.constant 0 : i32
      %dma_start3A_255 = tpu.memref_slice %arg4[%add3A_172, %dma_start3A_254] : memref<65536x128xf32, #tpu.memory_space<hbm>> -> memref<128x128xf32, #tpu.memory_space<hbm>>
      tpu.enqueue_dma source(%arg10 : memref<128x128xf32, #tpu.memory_space<vmem>>) target(%dma_start3A_255 : memref<128x128xf32, #tpu.memory_space<hbm>>) target_semaphore(%run_scoped3A : memref<!tpu.dma_semaphore, #tpu.memory_space<semaphore_mem>>)
      %dma_wait3A_256 = arith.constant 0 : i32
      %dma_wait3A_257 = tpu.memref_slice %arg4[%add3A_172, %dma_wait3A_256] : memref<65536x128xf32, #tpu.memory_space<hbm>> -> memref<128x128xf32, #tpu.memory_space<hbm>>
      %dma_wait3A_258 = arith.constant 0 : i32
      %dma_wait3A_259 = tpu.memref_slice %arg4[%add3A_172, %dma_wait3A_258] : memref<65536x128xf32, #tpu.memory_space<hbm>> -> memref<128x128xf32, #tpu.memory_space<hbm>>
      tpu.wait_dma2 semaphore(%run_scoped3A : memref<!tpu.dma_semaphore, #tpu.memory_space<semaphore_mem>>) src(%arg10 : memref<128x128xf32, #tpu.memory_space<vmem>>) dst(%dma_wait3A_259 : memref<128x128xf32, #tpu.memory_space<hbm>>)
      tpu.yield
    }) : () -> ()
    %dma_start3A_173 = arith.constant 1408 : i32
    %dma_start3A_174 = tpu.memref_slice %arg7[%dma_start3A_173] : memref<2064xi32, #tpu.memory_space<vmem>> -> memref<128xi32, #tpu.memory_space<vmem>>
    %dma_start3A_175 = arith.constant 0 : i32
    %dma_start3A_176 = arith.constant 0 : i32
    %dma_start3A_177 = tpu.memref_slice %arg3[%dma_start3A_175, %dma_start3A_176] : memref<32768x128xf32, #tpu.memory_space<hbm>> -> memref<32768x128xf32, #tpu.memory_space<hbm>>
    tpu.enqueue_indirect_dma source(%dma_start3A_177 : memref<32768x128xf32, #tpu.memory_space<hbm>>) target(%arg10 : memref<128x128xf32, #tpu.memory_space<vmem>>) offsets(%dma_start3A_174 : memref<128xi32, #tpu.memory_space<vmem>>) semaphore(%arg12 : memref<!tpu.dma_semaphore, #tpu.memory_space<semaphore_mem>>)
    %dma_wait3A_178 = arith.constant 1280 : i32
    %dma_wait3A_179 = tpu.memref_slice %arg7[%dma_wait3A_178] : memref<2064xi32, #tpu.memory_space<vmem>> -> memref<128xi32, #tpu.memory_space<vmem>>
    %dma_wait3A_180 = arith.constant 0 : i32
    %dma_wait3A_181 = arith.constant 0 : i32
    %dma_wait3A_182 = tpu.memref_slice %arg3[%dma_wait3A_180, %dma_wait3A_181] : memref<32768x128xf32, #tpu.memory_space<hbm>> -> memref<32768x128xf32, #tpu.memory_space<hbm>>
    tpu.wait_indirect_dma semaphore(%arg11 : memref<!tpu.dma_semaphore, #tpu.memory_space<semaphore_mem>>) src(%dma_wait3A_182 : memref<32768x128xf32, #tpu.memory_space<hbm>>) dst(%arg9 : memref<128x128xf32, #tpu.memory_space<vmem>>)
    %mul3A_183 = arith.constant 2048 : i32
    %mul3A_184 = arith.muli %add3A, %mul3A_183 : i32
    %add3A_185 = arith.constant 1280 : i32
    %add3A_186 = arith.addi %mul3A_184, %add3A_185 : i32
    "tpu.region"() ({
      %run_scoped3A = tpu.sem_alloc : memref<!tpu.dma_semaphore, #tpu.memory_space<semaphore_mem>>
      %dma_start3A_252 = arith.constant 0 : i32
      %dma_start3A_253 = tpu.memref_slice %arg4[%add3A_186, %dma_start3A_252] : memref<65536x128xf32, #tpu.memory_space<hbm>> -> memref<128x128xf32, #tpu.memory_space<hbm>>
      %dma_start3A_254 = arith.constant 0 : i32
      %dma_start3A_255 = tpu.memref_slice %arg4[%add3A_186, %dma_start3A_254] : memref<65536x128xf32, #tpu.memory_space<hbm>> -> memref<128x128xf32, #tpu.memory_space<hbm>>
      tpu.enqueue_dma source(%arg9 : memref<128x128xf32, #tpu.memory_space<vmem>>) target(%dma_start3A_255 : memref<128x128xf32, #tpu.memory_space<hbm>>) target_semaphore(%run_scoped3A : memref<!tpu.dma_semaphore, #tpu.memory_space<semaphore_mem>>)
      %dma_wait3A_256 = arith.constant 0 : i32
      %dma_wait3A_257 = tpu.memref_slice %arg4[%add3A_186, %dma_wait3A_256] : memref<65536x128xf32, #tpu.memory_space<hbm>> -> memref<128x128xf32, #tpu.memory_space<hbm>>
      %dma_wait3A_258 = arith.constant 0 : i32
      %dma_wait3A_259 = tpu.memref_slice %arg4[%add3A_186, %dma_wait3A_258] : memref<65536x128xf32, #tpu.memory_space<hbm>> -> memref<128x128xf32, #tpu.memory_space<hbm>>
      tpu.wait_dma2 semaphore(%run_scoped3A : memref<!tpu.dma_semaphore, #tpu.memory_space<semaphore_mem>>) src(%arg9 : memref<128x128xf32, #tpu.memory_space<vmem>>) dst(%dma_wait3A_259 : memref<128x128xf32, #tpu.memory_space<hbm>>)
      tpu.yield
    }) : () -> ()
    %dma_start3A_187 = arith.constant 1536 : i32
    %dma_start3A_188 = tpu.memref_slice %arg7[%dma_start3A_187] : memref<2064xi32, #tpu.memory_space<vmem>> -> memref<128xi32, #tpu.memory_space<vmem>>
    %dma_start3A_189 = arith.constant 0 : i32
    %dma_start3A_190 = arith.constant 0 : i32
    %dma_start3A_191 = tpu.memref_slice %arg3[%dma_start3A_189, %dma_start3A_190] : memref<32768x128xf32, #tpu.memory_space<hbm>> -> memref<32768x128xf32, #tpu.memory_space<hbm>>
    tpu.enqueue_indirect_dma source(%dma_start3A_191 : memref<32768x128xf32, #tpu.memory_space<hbm>>) target(%arg9 : memref<128x128xf32, #tpu.memory_space<vmem>>) offsets(%dma_start3A_188 : memref<128xi32, #tpu.memory_space<vmem>>) semaphore(%arg11 : memref<!tpu.dma_semaphore, #tpu.memory_space<semaphore_mem>>)
    %dma_wait3A_192 = arith.constant 1408 : i32
    %dma_wait3A_193 = tpu.memref_slice %arg7[%dma_wait3A_192] : memref<2064xi32, #tpu.memory_space<vmem>> -> memref<128xi32, #tpu.memory_space<vmem>>
    %dma_wait3A_194 = arith.constant 0 : i32
    %dma_wait3A_195 = arith.constant 0 : i32
    %dma_wait3A_196 = tpu.memref_slice %arg3[%dma_wait3A_194, %dma_wait3A_195] : memref<32768x128xf32, #tpu.memory_space<hbm>> -> memref<32768x128xf32, #tpu.memory_space<hbm>>
    tpu.wait_indirect_dma semaphore(%arg12 : memref<!tpu.dma_semaphore, #tpu.memory_space<semaphore_mem>>) src(%dma_wait3A_196 : memref<32768x128xf32, #tpu.memory_space<hbm>>) dst(%arg10 : memref<128x128xf32, #tpu.memory_space<vmem>>)
    %mul3A_197 = arith.constant 2048 : i32
    %mul3A_198 = arith.muli %add3A, %mul3A_197 : i32
    %add3A_199 = arith.constant 1408 : i32
    %add3A_200 = arith.addi %mul3A_198, %add3A_199 : i32
    "tpu.region"() ({
      %run_scoped3A = tpu.sem_alloc : memref<!tpu.dma_semaphore, #tpu.memory_space<semaphore_mem>>
      %dma_start3A_252 = arith.constant 0 : i32
      %dma_start3A_253 = tpu.memref_slice %arg4[%add3A_200, %dma_start3A_252] : memref<65536x128xf32, #tpu.memory_space<hbm>> -> memref<128x128xf32, #tpu.memory_space<hbm>>
      %dma_start3A_254 = arith.constant 0 : i32
      %dma_start3A_255 = tpu.memref_slice %arg4[%add3A_200, %dma_start3A_254] : memref<65536x128xf32, #tpu.memory_space<hbm>> -> memref<128x128xf32, #tpu.memory_space<hbm>>
      tpu.enqueue_dma source(%arg10 : memref<128x128xf32, #tpu.memory_space<vmem>>) target(%dma_start3A_255 : memref<128x128xf32, #tpu.memory_space<hbm>>) target_semaphore(%run_scoped3A : memref<!tpu.dma_semaphore, #tpu.memory_space<semaphore_mem>>)
      %dma_wait3A_256 = arith.constant 0 : i32
      %dma_wait3A_257 = tpu.memref_slice %arg4[%add3A_200, %dma_wait3A_256] : memref<65536x128xf32, #tpu.memory_space<hbm>> -> memref<128x128xf32, #tpu.memory_space<hbm>>
      %dma_wait3A_258 = arith.constant 0 : i32
      %dma_wait3A_259 = tpu.memref_slice %arg4[%add3A_200, %dma_wait3A_258] : memref<65536x128xf32, #tpu.memory_space<hbm>> -> memref<128x128xf32, #tpu.memory_space<hbm>>
      tpu.wait_dma2 semaphore(%run_scoped3A : memref<!tpu.dma_semaphore, #tpu.memory_space<semaphore_mem>>) src(%arg10 : memref<128x128xf32, #tpu.memory_space<vmem>>) dst(%dma_wait3A_259 : memref<128x128xf32, #tpu.memory_space<hbm>>)
      tpu.yield
    }) : () -> ()
    %dma_start3A_201 = arith.constant 1664 : i32
    %dma_start3A_202 = tpu.memref_slice %arg7[%dma_start3A_201] : memref<2064xi32, #tpu.memory_space<vmem>> -> memref<128xi32, #tpu.memory_space<vmem>>
    %dma_start3A_203 = arith.constant 0 : i32
    %dma_start3A_204 = arith.constant 0 : i32
    %dma_start3A_205 = tpu.memref_slice %arg3[%dma_start3A_203, %dma_start3A_204] : memref<32768x128xf32, #tpu.memory_space<hbm>> -> memref<32768x128xf32, #tpu.memory_space<hbm>>
    tpu.enqueue_indirect_dma source(%dma_start3A_205 : memref<32768x128xf32, #tpu.memory_space<hbm>>) target(%arg10 : memref<128x128xf32, #tpu.memory_space<vmem>>) offsets(%dma_start3A_202 : memref<128xi32, #tpu.memory_space<vmem>>) semaphore(%arg12 : memref<!tpu.dma_semaphore, #tpu.memory_space<semaphore_mem>>)
    %dma_wait3A_206 = arith.constant 1536 : i32
    %dma_wait3A_207 = tpu.memref_slice %arg7[%dma_wait3A_206] : memref<2064xi32, #tpu.memory_space<vmem>> -> memref<128xi32, #tpu.memory_space<vmem>>
    %dma_wait3A_208 = arith.constant 0 : i32
    %dma_wait3A_209 = arith.constant 0 : i32
    %dma_wait3A_210 = tpu.memref_slice %arg3[%dma_wait3A_208, %dma_wait3A_209] : memref<32768x128xf32, #tpu.memory_space<hbm>> -> memref<32768x128xf32, #tpu.memory_space<hbm>>
    tpu.wait_indirect_dma semaphore(%arg11 : memref<!tpu.dma_semaphore, #tpu.memory_space<semaphore_mem>>) src(%dma_wait3A_210 : memref<32768x128xf32, #tpu.memory_space<hbm>>) dst(%arg9 : memref<128x128xf32, #tpu.memory_space<vmem>>)
    %mul3A_211 = arith.constant 2048 : i32
    %mul3A_212 = arith.muli %add3A, %mul3A_211 : i32
    %add3A_213 = arith.constant 1536 : i32
    %add3A_214 = arith.addi %mul3A_212, %add3A_213 : i32
    "tpu.region"() ({
      %run_scoped3A = tpu.sem_alloc : memref<!tpu.dma_semaphore, #tpu.memory_space<semaphore_mem>>
      %dma_start3A_252 = arith.constant 0 : i32
      %dma_start3A_253 = tpu.memref_slice %arg4[%add3A_214, %dma_start3A_252] : memref<65536x128xf32, #tpu.memory_space<hbm>> -> memref<128x128xf32, #tpu.memory_space<hbm>>
      %dma_start3A_254 = arith.constant 0 : i32
      %dma_start3A_255 = tpu.memref_slice %arg4[%add3A_214, %dma_start3A_254] : memref<65536x128xf32, #tpu.memory_space<hbm>> -> memref<128x128xf32, #tpu.memory_space<hbm>>
      tpu.enqueue_dma source(%arg9 : memref<128x128xf32, #tpu.memory_space<vmem>>) target(%dma_start3A_255 : memref<128x128xf32, #tpu.memory_space<hbm>>) target_semaphore(%run_scoped3A : memref<!tpu.dma_semaphore, #tpu.memory_space<semaphore_mem>>)
      %dma_wait3A_256 = arith.constant 0 : i32
      %dma_wait3A_257 = tpu.memref_slice %arg4[%add3A_214, %dma_wait3A_256] : memref<65536x128xf32, #tpu.memory_space<hbm>> -> memref<128x128xf32, #tpu.memory_space<hbm>>
      %dma_wait3A_258 = arith.constant 0 : i32
      %dma_wait3A_259 = tpu.memref_slice %arg4[%add3A_214, %dma_wait3A_258] : memref<65536x128xf32, #tpu.memory_space<hbm>> -> memref<128x128xf32, #tpu.memory_space<hbm>>
      tpu.wait_dma2 semaphore(%run_scoped3A : memref<!tpu.dma_semaphore, #tpu.memory_space<semaphore_mem>>) src(%arg9 : memref<128x128xf32, #tpu.memory_space<vmem>>) dst(%dma_wait3A_259 : memref<128x128xf32, #tpu.memory_space<hbm>>)
      tpu.yield
    }) : () -> ()
    %dma_start3A_215 = arith.constant 1792 : i32
    %dma_start3A_216 = tpu.memref_slice %arg7[%dma_start3A_215] : memref<2064xi32, #tpu.memory_space<vmem>> -> memref<128xi32, #tpu.memory_space<vmem>>
    %dma_start3A_217 = arith.constant 0 : i32
    %dma_start3A_218 = arith.constant 0 : i32
    %dma_start3A_219 = tpu.memref_slice %arg3[%dma_start3A_217, %dma_start3A_218] : memref<32768x128xf32, #tpu.memory_space<hbm>> -> memref<32768x128xf32, #tpu.memory_space<hbm>>
    tpu.enqueue_indirect_dma source(%dma_start3A_219 : memref<32768x128xf32, #tpu.memory_space<hbm>>) target(%arg9 : memref<128x128xf32, #tpu.memory_space<vmem>>) offsets(%dma_start3A_216 : memref<128xi32, #tpu.memory_space<vmem>>) semaphore(%arg11 : memref<!tpu.dma_semaphore, #tpu.memory_space<semaphore_mem>>)
    %dma_wait3A_220 = arith.constant 1664 : i32
    %dma_wait3A_221 = tpu.memref_slice %arg7[%dma_wait3A_220] : memref<2064xi32, #tpu.memory_space<vmem>> -> memref<128xi32, #tpu.memory_space<vmem>>
    %dma_wait3A_222 = arith.constant 0 : i32
    %dma_wait3A_223 = arith.constant 0 : i32
    %dma_wait3A_224 = tpu.memref_slice %arg3[%dma_wait3A_222, %dma_wait3A_223] : memref<32768x128xf32, #tpu.memory_space<hbm>> -> memref<32768x128xf32, #tpu.memory_space<hbm>>
    tpu.wait_indirect_dma semaphore(%arg12 : memref<!tpu.dma_semaphore, #tpu.memory_space<semaphore_mem>>) src(%dma_wait3A_224 : memref<32768x128xf32, #tpu.memory_space<hbm>>) dst(%arg10 : memref<128x128xf32, #tpu.memory_space<vmem>>)
    %mul3A_225 = arith.constant 2048 : i32
    %mul3A_226 = arith.muli %add3A, %mul3A_225 : i32
    %add3A_227 = arith.constant 1664 : i32
    %add3A_228 = arith.addi %mul3A_226, %add3A_227 : i32
    "tpu.region"() ({
      %run_scoped3A = tpu.sem_alloc : memref<!tpu.dma_semaphore, #tpu.memory_space<semaphore_mem>>
      %dma_start3A_252 = arith.constant 0 : i32
      %dma_start3A_253 = tpu.memref_slice %arg4[%add3A_228, %dma_start3A_252] : memref<65536x128xf32, #tpu.memory_space<hbm>> -> memref<128x128xf32, #tpu.memory_space<hbm>>
      %dma_start3A_254 = arith.constant 0 : i32
      %dma_start3A_255 = tpu.memref_slice %arg4[%add3A_228, %dma_start3A_254] : memref<65536x128xf32, #tpu.memory_space<hbm>> -> memref<128x128xf32, #tpu.memory_space<hbm>>
      tpu.enqueue_dma source(%arg10 : memref<128x128xf32, #tpu.memory_space<vmem>>) target(%dma_start3A_255 : memref<128x128xf32, #tpu.memory_space<hbm>>) target_semaphore(%run_scoped3A : memref<!tpu.dma_semaphore, #tpu.memory_space<semaphore_mem>>)
      %dma_wait3A_256 = arith.constant 0 : i32
      %dma_wait3A_257 = tpu.memref_slice %arg4[%add3A_228, %dma_wait3A_256] : memref<65536x128xf32, #tpu.memory_space<hbm>> -> memref<128x128xf32, #tpu.memory_space<hbm>>
      %dma_wait3A_258 = arith.constant 0 : i32
      %dma_wait3A_259 = tpu.memref_slice %arg4[%add3A_228, %dma_wait3A_258] : memref<65536x128xf32, #tpu.memory_space<hbm>> -> memref<128x128xf32, #tpu.memory_space<hbm>>
      tpu.wait_dma2 semaphore(%run_scoped3A : memref<!tpu.dma_semaphore, #tpu.memory_space<semaphore_mem>>) src(%arg10 : memref<128x128xf32, #tpu.memory_space<vmem>>) dst(%dma_wait3A_259 : memref<128x128xf32, #tpu.memory_space<hbm>>)
      tpu.yield
    }) : () -> ()
    %dma_start3A_229 = arith.constant 1920 : i32
    %dma_start3A_230 = tpu.memref_slice %arg7[%dma_start3A_229] : memref<2064xi32, #tpu.memory_space<vmem>> -> memref<128xi32, #tpu.memory_space<vmem>>
    %dma_start3A_231 = arith.constant 0 : i32
    %dma_start3A_232 = arith.constant 0 : i32
    %dma_start3A_233 = tpu.memref_slice %arg3[%dma_start3A_231, %dma_start3A_232] : memref<32768x128xf32, #tpu.memory_space<hbm>> -> memref<32768x128xf32, #tpu.memory_space<hbm>>
    tpu.enqueue_indirect_dma source(%dma_start3A_233 : memref<32768x128xf32, #tpu.memory_space<hbm>>) target(%arg10 : memref<128x128xf32, #tpu.memory_space<vmem>>) offsets(%dma_start3A_230 : memref<128xi32, #tpu.memory_space<vmem>>) semaphore(%arg12 : memref<!tpu.dma_semaphore, #tpu.memory_space<semaphore_mem>>)
    %dma_wait3A_234 = arith.constant 1792 : i32
    %dma_wait3A_235 = tpu.memref_slice %arg7[%dma_wait3A_234] : memref<2064xi32, #tpu.memory_space<vmem>> -> memref<128xi32, #tpu.memory_space<vmem>>
    %dma_wait3A_236 = arith.constant 0 : i32
    %dma_wait3A_237 = arith.constant 0 : i32
    %dma_wait3A_238 = tpu.memref_slice %arg3[%dma_wait3A_236, %dma_wait3A_237] : memref<32768x128xf32, #tpu.memory_space<hbm>> -> memref<32768x128xf32, #tpu.memory_space<hbm>>
    tpu.wait_indirect_dma semaphore(%arg11 : memref<!tpu.dma_semaphore, #tpu.memory_space<semaphore_mem>>) src(%dma_wait3A_238 : memref<32768x128xf32, #tpu.memory_space<hbm>>) dst(%arg9 : memref<128x128xf32, #tpu.memory_space<vmem>>)
    %mul3A_239 = arith.constant 2048 : i32
    %mul3A_240 = arith.muli %add3A, %mul3A_239 : i32
    %add3A_241 = arith.constant 1792 : i32
    %add3A_242 = arith.addi %mul3A_240, %add3A_241 : i32
    "tpu.region"() ({
      %run_scoped3A = tpu.sem_alloc : memref<!tpu.dma_semaphore, #tpu.memory_space<semaphore_mem>>
      %dma_start3A_252 = arith.constant 0 : i32
      %dma_start3A_253 = tpu.memref_slice %arg4[%add3A_242, %dma_start3A_252] : memref<65536x128xf32, #tpu.memory_space<hbm>> -> memref<128x128xf32, #tpu.memory_space<hbm>>
      %dma_start3A_254 = arith.constant 0 : i32
      %dma_start3A_255 = tpu.memref_slice %arg4[%add3A_242, %dma_start3A_254] : memref<65536x128xf32, #tpu.memory_space<hbm>> -> memref<128x128xf32, #tpu.memory_space<hbm>>
      tpu.enqueue_dma source(%arg9 : memref<128x128xf32, #tpu.memory_space<vmem>>) target(%dma_start3A_255 : memref<128x128xf32, #tpu.memory_space<hbm>>) target_semaphore(%run_scoped3A : memref<!tpu.dma_semaphore, #tpu.memory_space<semaphore_mem>>)
      %dma_wait3A_256 = arith.constant 0 : i32
      %dma_wait3A_257 = tpu.memref_slice %arg4[%add3A_242, %dma_wait3A_256] : memref<65536x128xf32, #tpu.memory_space<hbm>> -> memref<128x128xf32, #tpu.memory_space<hbm>>
      %dma_wait3A_258 = arith.constant 0 : i32
      %dma_wait3A_259 = tpu.memref_slice %arg4[%add3A_242, %dma_wait3A_258] : memref<65536x128xf32, #tpu.memory_space<hbm>> -> memref<128x128xf32, #tpu.memory_space<hbm>>
      tpu.wait_dma2 semaphore(%run_scoped3A : memref<!tpu.dma_semaphore, #tpu.memory_space<semaphore_mem>>) src(%arg9 : memref<128x128xf32, #tpu.memory_space<vmem>>) dst(%dma_wait3A_259 : memref<128x128xf32, #tpu.memory_space<hbm>>)
      tpu.yield
    }) : () -> ()
    %dma_wait3A_243 = arith.constant 1920 : i32
    %dma_wait3A_244 = tpu.memref_slice %arg7[%dma_wait3A_243] : memref<2064xi32, #tpu.memory_space<vmem>> -> memref<128xi32, #tpu.memory_space<vmem>>
    %dma_wait3A_245 = arith.constant 0 : i32
    %dma_wait3A_246 = arith.constant 0 : i32
    %dma_wait3A_247 = tpu.memref_slice %arg3[%dma_wait3A_245, %dma_wait3A_246] : memref<32768x128xf32, #tpu.memory_space<hbm>> -> memref<32768x128xf32, #tpu.memory_space<hbm>>
    tpu.wait_indirect_dma semaphore(%arg12 : memref<!tpu.dma_semaphore, #tpu.memory_space<semaphore_mem>>) src(%dma_wait3A_247 : memref<32768x128xf32, #tpu.memory_space<hbm>>) dst(%arg10 : memref<128x128xf32, #tpu.memory_space<vmem>>)
    %mul3A_248 = arith.constant 2048 : i32
    %mul3A_249 = arith.muli %add3A, %mul3A_248 : i32
    %add3A_250 = arith.constant 1920 : i32
    %add3A_251 = arith.addi %mul3A_249, %add3A_250 : i32
    "tpu.region"() ({
      %run_scoped3A = tpu.sem_alloc : memref<!tpu.dma_semaphore, #tpu.memory_space<semaphore_mem>>
      %dma_start3A_252 = arith.constant 0 : i32
      %dma_start3A_253 = tpu.memref_slice %arg4[%add3A_251, %dma_start3A_252] : memref<65536x128xf32, #tpu.memory_space<hbm>> -> memref<128x128xf32, #tpu.memory_space<hbm>>
      %dma_start3A_254 = arith.constant 0 : i32
      %dma_start3A_255 = tpu.memref_slice %arg4[%add3A_251, %dma_start3A_254] : memref<65536x128xf32, #tpu.memory_space<hbm>> -> memref<128x128xf32, #tpu.memory_space<hbm>>
      tpu.enqueue_dma source(%arg10 : memref<128x128xf32, #tpu.memory_space<vmem>>) target(%dma_start3A_255 : memref<128x128xf32, #tpu.memory_space<hbm>>) target_semaphore(%run_scoped3A : memref<!tpu.dma_semaphore, #tpu.memory_space<semaphore_mem>>)
      %dma_wait3A_256 = arith.constant 0 : i32
      %dma_wait3A_257 = tpu.memref_slice %arg4[%add3A_251, %dma_wait3A_256] : memref<65536x128xf32, #tpu.memory_space<hbm>> -> memref<128x128xf32, #tpu.memory_space<hbm>>
      %dma_wait3A_258 = arith.constant 0 : i32
      %dma_wait3A_259 = tpu.memref_slice %arg4[%add3A_251, %dma_wait3A_258] : memref<65536x128xf32, #tpu.memory_space<hbm>> -> memref<128x128xf32, #tpu.memory_space<hbm>>
      tpu.wait_dma2 semaphore(%run_scoped3A : memref<!tpu.dma_semaphore, #tpu.memory_space<semaphore_mem>>) src(%arg10 : memref<128x128xf32, #tpu.memory_space<vmem>>) dst(%dma_wait3A_259 : memref<128x128xf32, #tpu.memory_space<hbm>>)
      tpu.yield
    }) : () -> ()
    return
  }
}

#map = affine_map<(d0, d1) -> (0, 0)>
module attributes {stable_mosaic.version = 14 : i64} {
  func.func @k(%arg0: i32, %arg1: i32, %arg2: memref<65536x128xf32, #tpu.memory_space<hbm>>, %arg3: memref<32x2048xi32, #tpu.memory_space<hbm>>, %arg4: memref<32768x128xf32, #tpu.memory_space<hbm>>, %arg5: memref<8320x128xf32, #tpu.memory_space<vmem_shared>>, %arg6: memref<2048xi32, #tpu.memory_space<vmem>>, %arg7: memref<128xi32, #tpu.memory_space<vmem>>, %arg8: memref<128x128xf32, #tpu.memory_space<vmem>>, %arg9: memref<40x128xf32, #tpu.memory_space<vmem>>) attributes {dimension_semantics = [#tpu.dimension_semantics<core_parallel>, #tpu.dimension_semantics<subcore_parallel>], iteration_bounds = array<i64: 2, 16>, scalar_prefetch = 0 : i64, scratch_operands = 5 : i64, tpu.core_type = #tpu.core_type<sc_vector_subcore>, window_params = [{transform_indices = #map}, {transform_indices = #map}, {transform_indices = #map}]} {
    %mul3A = arith.constant 16 : i32
    %mul3A_0 = arith.muli %arg0, %mul3A : i32
    %add3A = arith.addi %mul3A_0, %arg1 : i32
    "tpu.region"() ({
      %run_scoped3A = tpu.sem_alloc : memref<!tpu.dma_semaphore, #tpu.memory_space<semaphore_mem>>
      %dma_start3A = arith.constant 0 : i32
      %dma_start3A_123 = tpu.memref_slice %arg3[%add3A, %dma_start3A] : memref<32x2048xi32, #tpu.memory_space<hbm>> -> memref<1x2048xi32, #tpu.memory_space<hbm>>
      %dma_start3A_124 = tpu.memref_squeeze %dma_start3A_123 : memref<1x2048xi32, #tpu.memory_space<hbm>> -> memref<2048xi32, #tpu.memory_space<hbm>>
      %dma_start3A_125 = arith.constant 0 : i32
      %dma_start3A_126 = tpu.memref_slice %arg3[%add3A, %dma_start3A_125] : memref<32x2048xi32, #tpu.memory_space<hbm>> -> memref<1x2048xi32, #tpu.memory_space<hbm>>
      %dma_start3A_127 = tpu.memref_squeeze %dma_start3A_126 : memref<1x2048xi32, #tpu.memory_space<hbm>> -> memref<2048xi32, #tpu.memory_space<hbm>>
      tpu.enqueue_dma source(%dma_start3A_127 : memref<2048xi32, #tpu.memory_space<hbm>>) target(%arg6 : memref<2048xi32, #tpu.memory_space<vmem>>) target_semaphore(%run_scoped3A : memref<!tpu.dma_semaphore, #tpu.memory_space<semaphore_mem>>)
      %dma_wait3A = arith.constant 0 : i32
      %dma_wait3A_128 = tpu.memref_slice %arg3[%add3A, %dma_wait3A] : memref<32x2048xi32, #tpu.memory_space<hbm>> -> memref<1x2048xi32, #tpu.memory_space<hbm>>
      %dma_wait3A_129 = tpu.memref_squeeze %dma_wait3A_128 : memref<1x2048xi32, #tpu.memory_space<hbm>> -> memref<2048xi32, #tpu.memory_space<hbm>>
      %dma_wait3A_130 = arith.constant 0 : i32
      %dma_wait3A_131 = tpu.memref_slice %arg3[%add3A, %dma_wait3A_130] : memref<32x2048xi32, #tpu.memory_space<hbm>> -> memref<1x2048xi32, #tpu.memory_space<hbm>>
      %dma_wait3A_132 = tpu.memref_squeeze %dma_wait3A_131 : memref<1x2048xi32, #tpu.memory_space<hbm>> -> memref<2048xi32, #tpu.memory_space<hbm>>
      tpu.wait_dma2 semaphore(%run_scoped3A : memref<!tpu.dma_semaphore, #tpu.memory_space<semaphore_mem>>) src(%dma_wait3A_132 : memref<2048xi32, #tpu.memory_space<hbm>>) dst(%arg6 : memref<2048xi32, #tpu.memory_space<vmem>>)
      tpu.yield
    }) : () -> ()
    %broadcast_in_dim3A = arith.constant 0 : i32
    %broadcast_in_dim3A_1 = vector.broadcast %broadcast_in_dim3A : i32 to vector<16xi32>
    %scan3A = arith.constant 0 : i32
    %scan3A_2 = arith.constant 128 : i32
    %scan3A_3 = arith.addi %scan3A, %scan3A_2 : i32
    %scan3A_4 = arith.constant 1 : i32
    %scan3A_5 = scf.for %scan3A_123 = %scan3A to %scan3A_3 step %scan3A_4 iter_args(%scan3A_124 = %broadcast_in_dim3A_1) -> (vector<16xi32>)  : i32 {
      %mul3A_125 = arith.constant 16 : i32
      %mul3A_126 = arith.muli %scan3A_123, %mul3A_125 : i32
      %get3A = arith.index_cast %mul3A_126 : i32 to index
      %get3A_127 = tpu.vector_load %arg6[%get3A] {strides = array<i32>} : memref<2048xi32, #tpu.memory_space<vmem>>, vector<16xi32>,
      %lt3A = arith.constant 8192 : i32
      %lt3A_128 = vector.broadcast %lt3A : i32 to vector<16xi32>
      %lt3A_129 = arith.cmpi slt, %get3A_127, %lt3A_128 : vector<16xi32>
      %jit3A_130 = arith.constant 1 : i32
      %jit3A_131 = arith.constant 0 : i32
      %broadcast_in_dim3A_132 = vector.broadcast %jit3A_130 : i32 to vector<16xi32>
      %broadcast_in_dim3A_133 = vector.broadcast %jit3A_131 : i32 to vector<16xi32>
      %select_n3A_134 = arith.select %lt3A_129, %broadcast_in_dim3A_132, %broadcast_in_dim3A_133 : vector<16xi1>, vector<16xi32>
      %add3A_135 = arith.addi %scan3A_124, %select_n3A_134 : vector<16xi32>
      scf.yield %add3A_135 : vector<16xi32>
    }
    %scan3A_6 = arith.constant 128 : i32
    %reduce_sum3A = arith.constant true
    %reduce_sum3A_7 = vector.broadcast %reduce_sum3A : i1 to vector<16xi1>
    %reduce_sum3A_8 = tpu.scan <sum>, %scan3A_5 masked %reduce_sum3A_7 : vector<16xi32>, vector<16xi1> -> vector<16xi32>
    %reduce_sum3A_9 = vector.extract %reduce_sum3A_8[15] : i32 from vector<16xi32>
    %broadcast_in_dim3A_10 = arith.constant 0.000000e+00 : f32
    %broadcast_in_dim3A_11 = vector.broadcast %broadcast_in_dim3A_10 : f32 to vector<16xf32>
    %scan3A_12 = arith.constant 0 : i32
    %scan3A_13 = arith.constant 0 : i32
    %scan3A_14 = arith.constant 320 : i32
    %scan3A_15 = arith.addi %scan3A_13, %scan3A_14 : i32
    %scan3A_16 = arith.constant 1 : i32
    %scan3A_17 = scf.for %scan3A_123 = %scan3A_13 to %scan3A_15 step %scan3A_16 iter_args(%scan3A_124 = %scan3A_12) -> (i32)  : i32 {
      %jit3A_125 = arith.constant 8 : i32
      %div3A_126 = arith.divsi %scan3A_123, %jit3A_125 : i32
      %sign3A_127 = arith.constant 0 : i32
      %sign3A_128 = arith.cmpi sgt, %scan3A_123, %sign3A_127 : i32
      %sign3A_129 = arith.extui %sign3A_128 : i1 to i32
      %sign3A_130 = arith.constant 0 : i32
      %sign3A_131 = arith.cmpi slt, %scan3A_123, %sign3A_130 : i32
      %sign3A_132 = arith.extui %sign3A_131 : i1 to i32
      %sign3A_133 = arith.subi %sign3A_129, %sign3A_132 : i32
      %sign3A_134 = arith.constant 0 : i32
      %sign3A_135 = arith.cmpi sgt, %jit3A_125, %sign3A_134 : i32
      %sign3A_136 = arith.extui %sign3A_135 : i1 to i32
      %sign3A_137 = arith.constant 0 : i32
      %sign3A_138 = arith.cmpi slt, %jit3A_125, %sign3A_137 : i32
      %sign3A_139 = arith.extui %sign3A_138 : i1 to i32
      %sign3A_140 = arith.subi %sign3A_136, %sign3A_139 : i32
      %ne3A_141 = arith.cmpi ne, %sign3A_133, %sign3A_140 : i32
      %rem3A_142 = arith.remsi %scan3A_123, %jit3A_125 : i32
      %ne3A_143 = arith.constant 0 : i32
      %ne3A_144 = arith.cmpi ne, %rem3A_142, %ne3A_143 : i32
      %and3A_145 = arith.andi %ne3A_141, %ne3A_144 : i1
      %sub3A_146 = arith.constant 1 : i32
      %sub3A_147 = arith.subi %div3A_126, %sub3A_146 : i32
      %select_n3A_148 = arith.select %and3A_145, %sub3A_147, %div3A_126 : i32
      %jit3A_149 = arith.constant 8 : i32
      %eq3A = arith.constant 0 : i32
      %eq3A_150 = arith.cmpi eq, %jit3A_149, %eq3A : i32
      %jit3A_151 = arith.constant 1 : i32
      %select_n3A_152 = arith.select %eq3A_150, %jit3A_151, %jit3A_149 : i32
      %rem3A_153 = arith.remsi %scan3A_123, %select_n3A_152 : i32
      %ne3A_154 = arith.constant 0 : i32
      %ne3A_155 = arith.cmpi ne, %rem3A_153, %ne3A_154 : i32
      %lt3A = arith.constant 0 : i32
      %lt3A_156 = arith.cmpi slt, %rem3A_153, %lt3A : i32
      %lt3A_157 = arith.constant 0 : i32
      %lt3A_158 = arith.cmpi slt, %select_n3A_152, %lt3A_157 : i32
      %ne3A_159 = arith.xori %lt3A_156, %lt3A_158 : i1
      %and3A_160 = arith.andi %ne3A_159, %ne3A_155 : i1
      %add3A_161 = arith.addi %rem3A_153, %select_n3A_152 : i32
      %select_n3A_162 = arith.select %and3A_160, %add3A_161, %rem3A_153 : i32
      %mul3A_163 = arith.constant 16 : i32
      %mul3A_164 = arith.muli %select_n3A_162, %mul3A_163 : i32
      %swap3A = arith.index_cast %select_n3A_148 : i32 to index
      %swap3A_165 = arith.index_cast %mul3A_164 : i32 to index
      %swap3A_166 = tpu.vector_load %arg9[%swap3A, %swap3A_165] {strides = array<i32>} : memref<40x128xf32, #tpu.memory_space<vmem>>, vector<16xf32>,
      tpu.vector_store %arg9[%swap3A, %swap3A_165], %broadcast_in_dim3A_11 {strides = array<i32>} : memref<40x128xf32, #tpu.memory_space<vmem>>, vector<16xf32>,
      %scan3A_167 = arith.constant 0 : i32
      scf.yield %scan3A_167 : i32
    }
    %scan3A_18 = arith.constant 320 : i32
    %scan3A_19 = arith.constant 0 : i32
    %scan3A_20 = arith.constant 0 : i32
    %scan3A_21 = arith.constant 13 : i32
    %scan3A_22 = arith.addi %scan3A_20, %scan3A_21 : i32
    %scan3A_23 = arith.constant 1 : i32
    %scan3A_24 = scf.for %scan3A_123 = %scan3A_20 to %scan3A_22 step %scan3A_23 iter_args(%scan3A_124 = %scan3A_19) -> (i32)  : i32 {
      %mul3A_125 = arith.constant 520 : i32
      %mul3A_126 = arith.muli %arg1, %mul3A_125 : i32
      %mul3A_127 = arith.constant 40 : i32
      %mul3A_128 = arith.muli %scan3A_123, %mul3A_127 : i32
      %add3A_129 = arith.addi %mul3A_126, %mul3A_128 : i32
      "tpu.region"() ({
        %run_scoped3A = tpu.sem_alloc : memref<!tpu.dma_semaphore, #tpu.memory_space<semaphore_mem>>
        %dma_start3A = arith.constant 0 : i32
        %dma_start3A_131 = tpu.memref_slice %arg5[%add3A_129, %dma_start3A] : memref<8320x128xf32, #tpu.memory_space<vmem_shared>> -> memref<40x128xf32, #tpu.memory_space<vmem_shared>>
        %dma_start3A_132 = arith.constant 0 : i32
        %dma_start3A_133 = tpu.memref_slice %arg5[%add3A_129, %dma_start3A_132] : memref<8320x128xf32, #tpu.memory_space<vmem_shared>> -> memref<40x128xf32, #tpu.memory_space<vmem_shared>>
        tpu.enqueue_dma source(%arg9 : memref<40x128xf32, #tpu.memory_space<vmem>>) target(%dma_start3A_133 : memref<40x128xf32, #tpu.memory_space<vmem_shared>>) target_semaphore(%run_scoped3A : memref<!tpu.dma_semaphore, #tpu.memory_space<semaphore_mem>>)
        %dma_wait3A = arith.constant 0 : i32
        %dma_wait3A_134 = tpu.memref_slice %arg5[%add3A_129, %dma_wait3A] : memref<8320x128xf32, #tpu.memory_space<vmem_shared>> -> memref<40x128xf32, #tpu.memory_space<vmem_shared>>
        %dma_wait3A_135 = arith.constant 0 : i32
        %dma_wait3A_136 = tpu.memref_slice %arg5[%add3A_129, %dma_wait3A_135] : memref<8320x128xf32, #tpu.memory_space<vmem_shared>> -> memref<40x128xf32, #tpu.memory_space<vmem_shared>>
        tpu.wait_dma2 semaphore(%run_scoped3A : memref<!tpu.dma_semaphore, #tpu.memory_space<semaphore_mem>>) src(%arg9 : memref<40x128xf32, #tpu.memory_space<vmem>>) dst(%dma_wait3A_136 : memref<40x128xf32, #tpu.memory_space<vmem_shared>>)
        tpu.yield
      }) : () -> ()
      %scan3A_130 = arith.constant 0 : i32
      scf.yield %scan3A_130 : i32
    }
    %scan3A_25 = arith.constant 13 : i32
    %barrier3A = arith.constant 0 : index
    tpu.barrier barrier_id(%barrier3A)
    %add3A_26 = arith.constant 128 : i32
    %add3A_27 = arith.addi %reduce_sum3A_9, %add3A_26 : i32
    %sub3A = arith.constant 1 : i32
    %sub3A_28 = arith.subi %add3A_27, %sub3A : i32
    %jit3A = arith.constant 128 : i32
    %div3A = arith.divsi %sub3A_28, %jit3A : i32
    %sign3A = arith.constant 0 : i32
    %sign3A_29 = arith.cmpi sgt, %sub3A_28, %sign3A : i32
    %sign3A_30 = arith.extui %sign3A_29 : i1 to i32
    %sign3A_31 = arith.constant 0 : i32
    %sign3A_32 = arith.cmpi slt, %sub3A_28, %sign3A_31 : i32
    %sign3A_33 = arith.extui %sign3A_32 : i1 to i32
    %sign3A_34 = arith.subi %sign3A_30, %sign3A_33 : i32
    %sign3A_35 = arith.constant 0 : i32
    %sign3A_36 = arith.cmpi sgt, %jit3A, %sign3A_35 : i32
    %sign3A_37 = arith.extui %sign3A_36 : i1 to i32
    %sign3A_38 = arith.constant 0 : i32
    %sign3A_39 = arith.cmpi slt, %jit3A, %sign3A_38 : i32
    %sign3A_40 = arith.extui %sign3A_39 : i1 to i32
    %sign3A_41 = arith.subi %sign3A_37, %sign3A_40 : i32
    %ne3A = arith.cmpi ne, %sign3A_34, %sign3A_41 : i32
    %rem3A = arith.remsi %sub3A_28, %jit3A : i32
    %ne3A_42 = arith.constant 0 : i32
    %ne3A_43 = arith.cmpi ne, %rem3A, %ne3A_42 : i32
    %and3A = arith.andi %ne3A, %ne3A_43 : i1
    %sub3A_44 = arith.constant 1 : i32
    %sub3A_45 = arith.subi %div3A, %sub3A_44 : i32
    %select_n3A = arith.select %and3A, %sub3A_45, %div3A : i32
    %while3A = arith.constant 0 : i32
    %while3A_46 = arith.constant 0 : i32
    %while3A_47 = arith.subi %select_n3A, %while3A : i32
    %while3A_48 = arith.addi %while3A, %while3A_47 : i32
    %while3A_49 = arith.constant 1 : i32
    %while3A_50 = arith.divsi %while3A_47, %while3A_49 : i32
    %while3A_51 = arith.muli %while3A_50, %while3A_49 : i32
    %while3A_52 = arith.addi %while3A, %while3A_51 : i32
    %while3A_53 = arith.constant 1 : i32
    %while3A_54 = scf.for %while3A_123 = %while3A to %while3A_52 step %while3A_53 iter_args(%while3A_124 = %while3A_46) -> (i32)  : i32 {
      %mul3A_125 = arith.constant 2048 : i32
      %mul3A_126 = arith.muli %add3A, %mul3A_125 : i32
      %mul3A_127 = arith.constant 128 : i32
      %mul3A_128 = arith.muli %while3A_123, %mul3A_127 : i32
      %add3A_129 = arith.addi %mul3A_126, %mul3A_128 : i32
      "tpu.region"() ({
        %run_scoped3A = tpu.sem_alloc : memref<!tpu.dma_semaphore, #tpu.memory_space<semaphore_mem>>
        %dma_start3A = arith.constant 0 : i32
        %dma_start3A_295 = tpu.memref_slice %arg2[%add3A_129, %dma_start3A] : memref<65536x128xf32, #tpu.memory_space<hbm>> -> memref<128x128xf32, #tpu.memory_space<hbm>>
        %dma_start3A_296 = arith.constant 0 : i32
        %dma_start3A_297 = tpu.memref_slice %arg2[%add3A_129, %dma_start3A_296] : memref<65536x128xf32, #tpu.memory_space<hbm>> -> memref<128x128xf32, #tpu.memory_space<hbm>>
        tpu.enqueue_dma source(%dma_start3A_297 : memref<128x128xf32, #tpu.memory_space<hbm>>) target(%arg8 : memref<128x128xf32, #tpu.memory_space<vmem>>) target_semaphore(%run_scoped3A : memref<!tpu.dma_semaphore, #tpu.memory_space<semaphore_mem>>)
        %dma_wait3A = arith.constant 0 : i32
        %dma_wait3A_298 = tpu.memref_slice %arg2[%add3A_129, %dma_wait3A] : memref<65536x128xf32, #tpu.memory_space<hbm>> -> memref<128x128xf32, #tpu.memory_space<hbm>>
        %dma_wait3A_299 = arith.constant 0 : i32
        %dma_wait3A_300 = tpu.memref_slice %arg2[%add3A_129, %dma_wait3A_299] : memref<65536x128xf32, #tpu.memory_space<hbm>> -> memref<128x128xf32, #tpu.memory_space<hbm>>
        tpu.wait_dma2 semaphore(%run_scoped3A : memref<!tpu.dma_semaphore, #tpu.memory_space<semaphore_mem>>) src(%dma_wait3A_300 : memref<128x128xf32, #tpu.memory_space<hbm>>) dst(%arg8 : memref<128x128xf32, #tpu.memory_space<vmem>>)
        tpu.yield
      }) : () -> ()
      %mul3A_130 = arith.constant 128 : i32
      %mul3A_131 = arith.muli %while3A_123, %mul3A_130 : i32
      %add3A_132 = arith.constant 0 : i32
      %add3A_133 = arith.addi %mul3A_131, %add3A_132 : i32
      %get3A = arith.index_cast %add3A_133 : i32 to index
      %get3A_134 = tpu.vector_load %arg6[%get3A] {strides = array<i32>} : memref<2048xi32, #tpu.memory_space<vmem>>, vector<16xi32>,
      %sub3A_135 = arith.constant 0 : i32
      %sub3A_136 = vector.broadcast %sub3A_135 : i32 to vector<16xi32>
      %sub3A_137 = arith.subi %get3A_134, %sub3A_136 : vector<16xi32>
      %ge3A = arith.constant 0 : i32
      %ge3A_138 = vector.broadcast %ge3A : i32 to vector<16xi32>
      %ge3A_139 = arith.cmpi sge, %sub3A_137, %ge3A_138 : vector<16xi32>
      %lt3A = arith.constant 8192 : i32
      %lt3A_140 = vector.broadcast %lt3A : i32 to vector<16xi32>
      %lt3A_141 = arith.cmpi slt, %sub3A_137, %lt3A_140 : vector<16xi32>
      %and3A_142 = arith.andi %ge3A_139, %lt3A_141 : vector<16xi1>
      %jit3A_143 = arith.constant 8192 : i32
      %broadcast_in_dim3A_144 = vector.broadcast %jit3A_143 : i32 to vector<16xi32>
      %select_n3A_145 = arith.select %and3A_142, %sub3A_137, %broadcast_in_dim3A_144 : vector<16xi1>, vector<16xi32>
      %swap3A = arith.constant 0 : index
      %swap3A_146 = tpu.vector_load %arg7[%swap3A] {strides = array<i32>} : memref<128xi32, #tpu.memory_space<vmem>>, vector<16xi32>,
      tpu.vector_store %arg7[%swap3A], %select_n3A_145 {strides = array<i32>} : memref<128xi32, #tpu.memory_space<vmem>>, vector<16xi32>,
      %mul3A_147 = arith.constant 128 : i32
      %mul3A_148 = arith.muli %while3A_123, %mul3A_147 : i32
      %add3A_149 = arith.constant 16 : i32
      %add3A_150 = arith.addi %mul3A_148, %add3A_149 : i32
      %get3A_151 = arith.index_cast %add3A_150 : i32 to index
      %get3A_152 = tpu.vector_load %arg6[%get3A_151] {strides = array<i32>} : memref<2048xi32, #tpu.memory_space<vmem>>, vector<16xi32>,
      %sub3A_153 = arith.constant 0 : i32
      %sub3A_154 = vector.broadcast %sub3A_153 : i32 to vector<16xi32>
      %sub3A_155 = arith.subi %get3A_152, %sub3A_154 : vector<16xi32>
      %ge3A_156 = arith.constant 0 : i32
      %ge3A_157 = vector.broadcast %ge3A_156 : i32 to vector<16xi32>
      %ge3A_158 = arith.cmpi sge, %sub3A_155, %ge3A_157 : vector<16xi32>
      %lt3A_159 = arith.constant 8192 : i32
      %lt3A_160 = vector.broadcast %lt3A_159 : i32 to vector<16xi32>
      %lt3A_161 = arith.cmpi slt, %sub3A_155, %lt3A_160 : vector<16xi32>
      %and3A_162 = arith.andi %ge3A_158, %lt3A_161 : vector<16xi1>
      %jit3A_163 = arith.constant 8192 : i32
      %broadcast_in_dim3A_164 = vector.broadcast %jit3A_163 : i32 to vector<16xi32>
      %select_n3A_165 = arith.select %and3A_162, %sub3A_155, %broadcast_in_dim3A_164 : vector<16xi1>, vector<16xi32>
      %swap3A_166 = arith.constant 16 : index
      %swap3A_167 = tpu.vector_load %arg7[%swap3A_166] {strides = array<i32>} : memref<128xi32, #tpu.memory_space<vmem>>, vector<16xi32>,
      tpu.vector_store %arg7[%swap3A_166], %select_n3A_165 {strides = array<i32>} : memref<128xi32, #tpu.memory_space<vmem>>, vector<16xi32>,
      %mul3A_168 = arith.constant 128 : i32
      %mul3A_169 = arith.muli %while3A_123, %mul3A_168 : i32
      %add3A_170 = arith.constant 32 : i32
      %add3A_171 = arith.addi %mul3A_169, %add3A_170 : i32
      %get3A_172 = arith.index_cast %add3A_171 : i32 to index
      %get3A_173 = tpu.vector_load %arg6[%get3A_172] {strides = array<i32>} : memref<2048xi32, #tpu.memory_space<vmem>>, vector<16xi32>,
      %sub3A_174 = arith.constant 0 : i32
      %sub3A_175 = vector.broadcast %sub3A_174 : i32 to vector<16xi32>
      %sub3A_176 = arith.subi %get3A_173, %sub3A_175 : vector<16xi32>
      %ge3A_177 = arith.constant 0 : i32
      %ge3A_178 = vector.broadcast %ge3A_177 : i32 to vector<16xi32>
      %ge3A_179 = arith.cmpi sge, %sub3A_176, %ge3A_178 : vector<16xi32>
      %lt3A_180 = arith.constant 8192 : i32
      %lt3A_181 = vector.broadcast %lt3A_180 : i32 to vector<16xi32>
      %lt3A_182 = arith.cmpi slt, %sub3A_176, %lt3A_181 : vector<16xi32>
      %and3A_183 = arith.andi %ge3A_179, %lt3A_182 : vector<16xi1>
      %jit3A_184 = arith.constant 8192 : i32
      %broadcast_in_dim3A_185 = vector.broadcast %jit3A_184 : i32 to vector<16xi32>
      %select_n3A_186 = arith.select %and3A_183, %sub3A_176, %broadcast_in_dim3A_185 : vector<16xi1>, vector<16xi32>
      %swap3A_187 = arith.constant 32 : index
      %swap3A_188 = tpu.vector_load %arg7[%swap3A_187] {strides = array<i32>} : memref<128xi32, #tpu.memory_space<vmem>>, vector<16xi32>,
      tpu.vector_store %arg7[%swap3A_187], %select_n3A_186 {strides = array<i32>} : memref<128xi32, #tpu.memory_space<vmem>>, vector<16xi32>,
      %mul3A_189 = arith.constant 128 : i32
      %mul3A_190 = arith.muli %while3A_123, %mul3A_189 : i32
      %add3A_191 = arith.constant 48 : i32
      %add3A_192 = arith.addi %mul3A_190, %add3A_191 : i32
      %get3A_193 = arith.index_cast %add3A_192 : i32 to index
      %get3A_194 = tpu.vector_load %arg6[%get3A_193] {strides = array<i32>} : memref<2048xi32, #tpu.memory_space<vmem>>, vector<16xi32>,
      %sub3A_195 = arith.constant 0 : i32
      %sub3A_196 = vector.broadcast %sub3A_195 : i32 to vector<16xi32>
      %sub3A_197 = arith.subi %get3A_194, %sub3A_196 : vector<16xi32>
      %ge3A_198 = arith.constant 0 : i32
      %ge3A_199 = vector.broadcast %ge3A_198 : i32 to vector<16xi32>
      %ge3A_200 = arith.cmpi sge, %sub3A_197, %ge3A_199 : vector<16xi32>
      %lt3A_201 = arith.constant 8192 : i32
      %lt3A_202 = vector.broadcast %lt3A_201 : i32 to vector<16xi32>
      %lt3A_203 = arith.cmpi slt, %sub3A_197, %lt3A_202 : vector<16xi32>
      %and3A_204 = arith.andi %ge3A_200, %lt3A_203 : vector<16xi1>
      %jit3A_205 = arith.constant 8192 : i32
      %broadcast_in_dim3A_206 = vector.broadcast %jit3A_205 : i32 to vector<16xi32>
      %select_n3A_207 = arith.select %and3A_204, %sub3A_197, %broadcast_in_dim3A_206 : vector<16xi1>, vector<16xi32>
      %swap3A_208 = arith.constant 48 : index
      %swap3A_209 = tpu.vector_load %arg7[%swap3A_208] {strides = array<i32>} : memref<128xi32, #tpu.memory_space<vmem>>, vector<16xi32>,
      tpu.vector_store %arg7[%swap3A_208], %select_n3A_207 {strides = array<i32>} : memref<128xi32, #tpu.memory_space<vmem>>, vector<16xi32>,
      %mul3A_210 = arith.constant 128 : i32
      %mul3A_211 = arith.muli %while3A_123, %mul3A_210 : i32
      %add3A_212 = arith.constant 64 : i32
      %add3A_213 = arith.addi %mul3A_211, %add3A_212 : i32
      %get3A_214 = arith.index_cast %add3A_213 : i32 to index
      %get3A_215 = tpu.vector_load %arg6[%get3A_214] {strides = array<i32>} : memref<2048xi32, #tpu.memory_space<vmem>>, vector<16xi32>,
      %sub3A_216 = arith.constant 0 : i32
      %sub3A_217 = vector.broadcast %sub3A_216 : i32 to vector<16xi32>
      %sub3A_218 = arith.subi %get3A_215, %sub3A_217 : vector<16xi32>
      %ge3A_219 = arith.constant 0 : i32
      %ge3A_220 = vector.broadcast %ge3A_219 : i32 to vector<16xi32>
      %ge3A_221 = arith.cmpi sge, %sub3A_218, %ge3A_220 : vector<16xi32>
      %lt3A_222 = arith.constant 8192 : i32
      %lt3A_223 = vector.broadcast %lt3A_222 : i32 to vector<16xi32>
      %lt3A_224 = arith.cmpi slt, %sub3A_218, %lt3A_223 : vector<16xi32>
      %and3A_225 = arith.andi %ge3A_221, %lt3A_224 : vector<16xi1>
      %jit3A_226 = arith.constant 8192 : i32
      %broadcast_in_dim3A_227 = vector.broadcast %jit3A_226 : i32 to vector<16xi32>
      %select_n3A_228 = arith.select %and3A_225, %sub3A_218, %broadcast_in_dim3A_227 : vector<16xi1>, vector<16xi32>
      %swap3A_229 = arith.constant 64 : index
      %swap3A_230 = tpu.vector_load %arg7[%swap3A_229] {strides = array<i32>} : memref<128xi32, #tpu.memory_space<vmem>>, vector<16xi32>,
      tpu.vector_store %arg7[%swap3A_229], %select_n3A_228 {strides = array<i32>} : memref<128xi32, #tpu.memory_space<vmem>>, vector<16xi32>,
      %mul3A_231 = arith.constant 128 : i32
      %mul3A_232 = arith.muli %while3A_123, %mul3A_231 : i32
      %add3A_233 = arith.constant 80 : i32
      %add3A_234 = arith.addi %mul3A_232, %add3A_233 : i32
      %get3A_235 = arith.index_cast %add3A_234 : i32 to index
      %get3A_236 = tpu.vector_load %arg6[%get3A_235] {strides = array<i32>} : memref<2048xi32, #tpu.memory_space<vmem>>, vector<16xi32>,
      %sub3A_237 = arith.constant 0 : i32
      %sub3A_238 = vector.broadcast %sub3A_237 : i32 to vector<16xi32>
      %sub3A_239 = arith.subi %get3A_236, %sub3A_238 : vector<16xi32>
      %ge3A_240 = arith.constant 0 : i32
      %ge3A_241 = vector.broadcast %ge3A_240 : i32 to vector<16xi32>
      %ge3A_242 = arith.cmpi sge, %sub3A_239, %ge3A_241 : vector<16xi32>
      %lt3A_243 = arith.constant 8192 : i32
      %lt3A_244 = vector.broadcast %lt3A_243 : i32 to vector<16xi32>
      %lt3A_245 = arith.cmpi slt, %sub3A_239, %lt3A_244 : vector<16xi32>
      %and3A_246 = arith.andi %ge3A_242, %lt3A_245 : vector<16xi1>
      %jit3A_247 = arith.constant 8192 : i32
      %broadcast_in_dim3A_248 = vector.broadcast %jit3A_247 : i32 to vector<16xi32>
      %select_n3A_249 = arith.select %and3A_246, %sub3A_239, %broadcast_in_dim3A_248 : vector<16xi1>, vector<16xi32>
      %swap3A_250 = arith.constant 80 : index
      %swap3A_251 = tpu.vector_load %arg7[%swap3A_250] {strides = array<i32>} : memref<128xi32, #tpu.memory_space<vmem>>, vector<16xi32>,
      tpu.vector_store %arg7[%swap3A_250], %select_n3A_249 {strides = array<i32>} : memref<128xi32, #tpu.memory_space<vmem>>, vector<16xi32>,
      %mul3A_252 = arith.constant 128 : i32
      %mul3A_253 = arith.muli %while3A_123, %mul3A_252 : i32
      %add3A_254 = arith.constant 96 : i32
      %add3A_255 = arith.addi %mul3A_253, %add3A_254 : i32
      %get3A_256 = arith.index_cast %add3A_255 : i32 to index
      %get3A_257 = tpu.vector_load %arg6[%get3A_256] {strides = array<i32>} : memref<2048xi32, #tpu.memory_space<vmem>>, vector<16xi32>,
      %sub3A_258 = arith.constant 0 : i32
      %sub3A_259 = vector.broadcast %sub3A_258 : i32 to vector<16xi32>
      %sub3A_260 = arith.subi %get3A_257, %sub3A_259 : vector<16xi32>
      %ge3A_261 = arith.constant 0 : i32
      %ge3A_262 = vector.broadcast %ge3A_261 : i32 to vector<16xi32>
      %ge3A_263 = arith.cmpi sge, %sub3A_260, %ge3A_262 : vector<16xi32>
      %lt3A_264 = arith.constant 8192 : i32
      %lt3A_265 = vector.broadcast %lt3A_264 : i32 to vector<16xi32>
      %lt3A_266 = arith.cmpi slt, %sub3A_260, %lt3A_265 : vector<16xi32>
      %and3A_267 = arith.andi %ge3A_263, %lt3A_266 : vector<16xi1>
      %jit3A_268 = arith.constant 8192 : i32
      %broadcast_in_dim3A_269 = vector.broadcast %jit3A_268 : i32 to vector<16xi32>
      %select_n3A_270 = arith.select %and3A_267, %sub3A_260, %broadcast_in_dim3A_269 : vector<16xi1>, vector<16xi32>
      %swap3A_271 = arith.constant 96 : index
      %swap3A_272 = tpu.vector_load %arg7[%swap3A_271] {strides = array<i32>} : memref<128xi32, #tpu.memory_space<vmem>>, vector<16xi32>,
      tpu.vector_store %arg7[%swap3A_271], %select_n3A_270 {strides = array<i32>} : memref<128xi32, #tpu.memory_space<vmem>>, vector<16xi32>,
      %mul3A_273 = arith.constant 128 : i32
      %mul3A_274 = arith.muli %while3A_123, %mul3A_273 : i32
      %add3A_275 = arith.constant 112 : i32
      %add3A_276 = arith.addi %mul3A_274, %add3A_275 : i32
      %get3A_277 = arith.index_cast %add3A_276 : i32 to index
      %get3A_278 = tpu.vector_load %arg6[%get3A_277] {strides = array<i32>} : memref<2048xi32, #tpu.memory_space<vmem>>, vector<16xi32>,
      %sub3A_279 = arith.constant 0 : i32
      %sub3A_280 = vector.broadcast %sub3A_279 : i32 to vector<16xi32>
      %sub3A_281 = arith.subi %get3A_278, %sub3A_280 : vector<16xi32>
      %ge3A_282 = arith.constant 0 : i32
      %ge3A_283 = vector.broadcast %ge3A_282 : i32 to vector<16xi32>
      %ge3A_284 = arith.cmpi sge, %sub3A_281, %ge3A_283 : vector<16xi32>
      %lt3A_285 = arith.constant 8192 : i32
      %lt3A_286 = vector.broadcast %lt3A_285 : i32 to vector<16xi32>
      %lt3A_287 = arith.cmpi slt, %sub3A_281, %lt3A_286 : vector<16xi32>
      %and3A_288 = arith.andi %ge3A_284, %lt3A_287 : vector<16xi1>
      %jit3A_289 = arith.constant 8192 : i32
      %broadcast_in_dim3A_290 = vector.broadcast %jit3A_289 : i32 to vector<16xi32>
      %select_n3A_291 = arith.select %and3A_288, %sub3A_281, %broadcast_in_dim3A_290 : vector<16xi1>, vector<16xi32>
      %swap3A_292 = arith.constant 112 : index
      %swap3A_293 = tpu.vector_load %arg7[%swap3A_292] {strides = array<i32>} : memref<128xi32, #tpu.memory_space<vmem>>, vector<16xi32>,
      tpu.vector_store %arg7[%swap3A_292], %select_n3A_291 {strides = array<i32>} : memref<128xi32, #tpu.memory_space<vmem>>, vector<16xi32>,
      "tpu.region"() ({
        %run_scoped3A = tpu.sem_alloc : memref<!tpu.dma_semaphore, #tpu.memory_space<semaphore_mem>>
        %dma_start3A = arith.constant 0 : i32
        %dma_start3A_295 = arith.constant 0 : i32
        %dma_start3A_296 = tpu.memref_slice %arg5[%dma_start3A, %dma_start3A_295] : memref<8320x128xf32, #tpu.memory_space<vmem_shared>> -> memref<8320x128xf32, #tpu.memory_space<vmem_shared>>
        tpu.enqueue_indirect_dma source(%arg8 : memref<128x128xf32, #tpu.memory_space<vmem>>) target(%dma_start3A_296 : memref<8320x128xf32, #tpu.memory_space<vmem_shared>>) offsets(%arg7 : memref<128xi32, #tpu.memory_space<vmem>>) semaphore(%run_scoped3A : memref<!tpu.dma_semaphore, #tpu.memory_space<semaphore_mem>>) {add = true}
        %dma_wait3A = arith.constant 0 : i32
        %dma_wait3A_297 = arith.constant 0 : i32
        %dma_wait3A_298 = tpu.memref_slice %arg5[%dma_wait3A, %dma_wait3A_297] : memref<8320x128xf32, #tpu.memory_space<vmem_shared>> -> memref<8320x128xf32, #tpu.memory_space<vmem_shared>>
        tpu.wait_indirect_dma semaphore(%run_scoped3A : memref<!tpu.dma_semaphore, #tpu.memory_space<semaphore_mem>>) src(%arg8 : memref<128x128xf32, #tpu.memory_space<vmem>>) dst(%dma_wait3A_298 : memref<8320x128xf32, #tpu.memory_space<vmem_shared>>)
        tpu.yield
      }) : () -> ()
      %while3A_294 = arith.constant 0 : i32
      scf.yield %while3A_294 : i32
    }
    %while3A_55 = arith.constant 1 : i32
    %while3A_56 = scf.for %while3A_123 = %while3A_52 to %while3A_48 step %while3A_55 iter_args(%while3A_124 = %while3A_54) -> (i32)  : i32 {
      %mul3A_125 = arith.constant 2048 : i32
      %mul3A_126 = arith.muli %add3A, %mul3A_125 : i32
      %mul3A_127 = arith.constant 128 : i32
      %mul3A_128 = arith.muli %while3A_123, %mul3A_127 : i32
      %add3A_129 = arith.addi %mul3A_126, %mul3A_128 : i32
      "tpu.region"() ({
        %run_scoped3A = tpu.sem_alloc : memref<!tpu.dma_semaphore, #tpu.memory_space<semaphore_mem>>
        %dma_start3A = arith.constant 0 : i32
        %dma_start3A_295 = tpu.memref_slice %arg2[%add3A_129, %dma_start3A] : memref<65536x128xf32, #tpu.memory_space<hbm>> -> memref<128x128xf32, #tpu.memory_space<hbm>>
        %dma_start3A_296 = arith.constant 0 : i32
        %dma_start3A_297 = tpu.memref_slice %arg2[%add3A_129, %dma_start3A_296] : memref<65536x128xf32, #tpu.memory_space<hbm>> -> memref<128x128xf32, #tpu.memory_space<hbm>>
        tpu.enqueue_dma source(%dma_start3A_297 : memref<128x128xf32, #tpu.memory_space<hbm>>) target(%arg8 : memref<128x128xf32, #tpu.memory_space<vmem>>) target_semaphore(%run_scoped3A : memref<!tpu.dma_semaphore, #tpu.memory_space<semaphore_mem>>)
        %dma_wait3A = arith.constant 0 : i32
        %dma_wait3A_298 = tpu.memref_slice %arg2[%add3A_129, %dma_wait3A] : memref<65536x128xf32, #tpu.memory_space<hbm>> -> memref<128x128xf32, #tpu.memory_space<hbm>>
        %dma_wait3A_299 = arith.constant 0 : i32
        %dma_wait3A_300 = tpu.memref_slice %arg2[%add3A_129, %dma_wait3A_299] : memref<65536x128xf32, #tpu.memory_space<hbm>> -> memref<128x128xf32, #tpu.memory_space<hbm>>
        tpu.wait_dma2 semaphore(%run_scoped3A : memref<!tpu.dma_semaphore, #tpu.memory_space<semaphore_mem>>) src(%dma_wait3A_300 : memref<128x128xf32, #tpu.memory_space<hbm>>) dst(%arg8 : memref<128x128xf32, #tpu.memory_space<vmem>>)
        tpu.yield
      }) : () -> ()
      %mul3A_130 = arith.constant 128 : i32
      %mul3A_131 = arith.muli %while3A_123, %mul3A_130 : i32
      %add3A_132 = arith.constant 0 : i32
      %add3A_133 = arith.addi %mul3A_131, %add3A_132 : i32
      %get3A = arith.index_cast %add3A_133 : i32 to index
      %get3A_134 = tpu.vector_load %arg6[%get3A] {strides = array<i32>} : memref<2048xi32, #tpu.memory_space<vmem>>, vector<16xi32>,
      %sub3A_135 = arith.constant 0 : i32
      %sub3A_136 = vector.broadcast %sub3A_135 : i32 to vector<16xi32>
      %sub3A_137 = arith.subi %get3A_134, %sub3A_136 : vector<16xi32>
      %ge3A = arith.constant 0 : i32
      %ge3A_138 = vector.broadcast %ge3A : i32 to vector<16xi32>
      %ge3A_139 = arith.cmpi sge, %sub3A_137, %ge3A_138 : vector<16xi32>
      %lt3A = arith.constant 8192 : i32
      %lt3A_140 = vector.broadcast %lt3A : i32 to vector<16xi32>
      %lt3A_141 = arith.cmpi slt, %sub3A_137, %lt3A_140 : vector<16xi32>
      %and3A_142 = arith.andi %ge3A_139, %lt3A_141 : vector<16xi1>
      %jit3A_143 = arith.constant 8192 : i32
      %broadcast_in_dim3A_144 = vector.broadcast %jit3A_143 : i32 to vector<16xi32>
      %select_n3A_145 = arith.select %and3A_142, %sub3A_137, %broadcast_in_dim3A_144 : vector<16xi1>, vector<16xi32>
      %swap3A = arith.constant 0 : index
      %swap3A_146 = tpu.vector_load %arg7[%swap3A] {strides = array<i32>} : memref<128xi32, #tpu.memory_space<vmem>>, vector<16xi32>,
      tpu.vector_store %arg7[%swap3A], %select_n3A_145 {strides = array<i32>} : memref<128xi32, #tpu.memory_space<vmem>>, vector<16xi32>,
      %mul3A_147 = arith.constant 128 : i32
      %mul3A_148 = arith.muli %while3A_123, %mul3A_147 : i32
      %add3A_149 = arith.constant 16 : i32
      %add3A_150 = arith.addi %mul3A_148, %add3A_149 : i32
      %get3A_151 = arith.index_cast %add3A_150 : i32 to index
      %get3A_152 = tpu.vector_load %arg6[%get3A_151] {strides = array<i32>} : memref<2048xi32, #tpu.memory_space<vmem>>, vector<16xi32>,
      %sub3A_153 = arith.constant 0 : i32
      %sub3A_154 = vector.broadcast %sub3A_153 : i32 to vector<16xi32>
      %sub3A_155 = arith.subi %get3A_152, %sub3A_154 : vector<16xi32>
      %ge3A_156 = arith.constant 0 : i32
      %ge3A_157 = vector.broadcast %ge3A_156 : i32 to vector<16xi32>
      %ge3A_158 = arith.cmpi sge, %sub3A_155, %ge3A_157 : vector<16xi32>
      %lt3A_159 = arith.constant 8192 : i32
      %lt3A_160 = vector.broadcast %lt3A_159 : i32 to vector<16xi32>
      %lt3A_161 = arith.cmpi slt, %sub3A_155, %lt3A_160 : vector<16xi32>
      %and3A_162 = arith.andi %ge3A_158, %lt3A_161 : vector<16xi1>
      %jit3A_163 = arith.constant 8192 : i32
      %broadcast_in_dim3A_164 = vector.broadcast %jit3A_163 : i32 to vector<16xi32>
      %select_n3A_165 = arith.select %and3A_162, %sub3A_155, %broadcast_in_dim3A_164 : vector<16xi1>, vector<16xi32>
      %swap3A_166 = arith.constant 16 : index
      %swap3A_167 = tpu.vector_load %arg7[%swap3A_166] {strides = array<i32>} : memref<128xi32, #tpu.memory_space<vmem>>, vector<16xi32>,
      tpu.vector_store %arg7[%swap3A_166], %select_n3A_165 {strides = array<i32>} : memref<128xi32, #tpu.memory_space<vmem>>, vector<16xi32>,
      %mul3A_168 = arith.constant 128 : i32
      %mul3A_169 = arith.muli %while3A_123, %mul3A_168 : i32
      %add3A_170 = arith.constant 32 : i32
      %add3A_171 = arith.addi %mul3A_169, %add3A_170 : i32
      %get3A_172 = arith.index_cast %add3A_171 : i32 to index
      %get3A_173 = tpu.vector_load %arg6[%get3A_172] {strides = array<i32>} : memref<2048xi32, #tpu.memory_space<vmem>>, vector<16xi32>,
      %sub3A_174 = arith.constant 0 : i32
      %sub3A_175 = vector.broadcast %sub3A_174 : i32 to vector<16xi32>
      %sub3A_176 = arith.subi %get3A_173, %sub3A_175 : vector<16xi32>
      %ge3A_177 = arith.constant 0 : i32
      %ge3A_178 = vector.broadcast %ge3A_177 : i32 to vector<16xi32>
      %ge3A_179 = arith.cmpi sge, %sub3A_176, %ge3A_178 : vector<16xi32>
      %lt3A_180 = arith.constant 8192 : i32
      %lt3A_181 = vector.broadcast %lt3A_180 : i32 to vector<16xi32>
      %lt3A_182 = arith.cmpi slt, %sub3A_176, %lt3A_181 : vector<16xi32>
      %and3A_183 = arith.andi %ge3A_179, %lt3A_182 : vector<16xi1>
      %jit3A_184 = arith.constant 8192 : i32
      %broadcast_in_dim3A_185 = vector.broadcast %jit3A_184 : i32 to vector<16xi32>
      %select_n3A_186 = arith.select %and3A_183, %sub3A_176, %broadcast_in_dim3A_185 : vector<16xi1>, vector<16xi32>
      %swap3A_187 = arith.constant 32 : index
      %swap3A_188 = tpu.vector_load %arg7[%swap3A_187] {strides = array<i32>} : memref<128xi32, #tpu.memory_space<vmem>>, vector<16xi32>,
      tpu.vector_store %arg7[%swap3A_187], %select_n3A_186 {strides = array<i32>} : memref<128xi32, #tpu.memory_space<vmem>>, vector<16xi32>,
      %mul3A_189 = arith.constant 128 : i32
      %mul3A_190 = arith.muli %while3A_123, %mul3A_189 : i32
      %add3A_191 = arith.constant 48 : i32
      %add3A_192 = arith.addi %mul3A_190, %add3A_191 : i32
      %get3A_193 = arith.index_cast %add3A_192 : i32 to index
      %get3A_194 = tpu.vector_load %arg6[%get3A_193] {strides = array<i32>} : memref<2048xi32, #tpu.memory_space<vmem>>, vector<16xi32>,
      %sub3A_195 = arith.constant 0 : i32
      %sub3A_196 = vector.broadcast %sub3A_195 : i32 to vector<16xi32>
      %sub3A_197 = arith.subi %get3A_194, %sub3A_196 : vector<16xi32>
      %ge3A_198 = arith.constant 0 : i32
      %ge3A_199 = vector.broadcast %ge3A_198 : i32 to vector<16xi32>
      %ge3A_200 = arith.cmpi sge, %sub3A_197, %ge3A_199 : vector<16xi32>
      %lt3A_201 = arith.constant 8192 : i32
      %lt3A_202 = vector.broadcast %lt3A_201 : i32 to vector<16xi32>
      %lt3A_203 = arith.cmpi slt, %sub3A_197, %lt3A_202 : vector<16xi32>
      %and3A_204 = arith.andi %ge3A_200, %lt3A_203 : vector<16xi1>
      %jit3A_205 = arith.constant 8192 : i32
      %broadcast_in_dim3A_206 = vector.broadcast %jit3A_205 : i32 to vector<16xi32>
      %select_n3A_207 = arith.select %and3A_204, %sub3A_197, %broadcast_in_dim3A_206 : vector<16xi1>, vector<16xi32>
      %swap3A_208 = arith.constant 48 : index
      %swap3A_209 = tpu.vector_load %arg7[%swap3A_208] {strides = array<i32>} : memref<128xi32, #tpu.memory_space<vmem>>, vector<16xi32>,
      tpu.vector_store %arg7[%swap3A_208], %select_n3A_207 {strides = array<i32>} : memref<128xi32, #tpu.memory_space<vmem>>, vector<16xi32>,
      %mul3A_210 = arith.constant 128 : i32
      %mul3A_211 = arith.muli %while3A_123, %mul3A_210 : i32
      %add3A_212 = arith.constant 64 : i32
      %add3A_213 = arith.addi %mul3A_211, %add3A_212 : i32
      %get3A_214 = arith.index_cast %add3A_213 : i32 to index
      %get3A_215 = tpu.vector_load %arg6[%get3A_214] {strides = array<i32>} : memref<2048xi32, #tpu.memory_space<vmem>>, vector<16xi32>,
      %sub3A_216 = arith.constant 0 : i32
      %sub3A_217 = vector.broadcast %sub3A_216 : i32 to vector<16xi32>
      %sub3A_218 = arith.subi %get3A_215, %sub3A_217 : vector<16xi32>
      %ge3A_219 = arith.constant 0 : i32
      %ge3A_220 = vector.broadcast %ge3A_219 : i32 to vector<16xi32>
      %ge3A_221 = arith.cmpi sge, %sub3A_218, %ge3A_220 : vector<16xi32>
      %lt3A_222 = arith.constant 8192 : i32
      %lt3A_223 = vector.broadcast %lt3A_222 : i32 to vector<16xi32>
      %lt3A_224 = arith.cmpi slt, %sub3A_218, %lt3A_223 : vector<16xi32>
      %and3A_225 = arith.andi %ge3A_221, %lt3A_224 : vector<16xi1>
      %jit3A_226 = arith.constant 8192 : i32
      %broadcast_in_dim3A_227 = vector.broadcast %jit3A_226 : i32 to vector<16xi32>
      %select_n3A_228 = arith.select %and3A_225, %sub3A_218, %broadcast_in_dim3A_227 : vector<16xi1>, vector<16xi32>
      %swap3A_229 = arith.constant 64 : index
      %swap3A_230 = tpu.vector_load %arg7[%swap3A_229] {strides = array<i32>} : memref<128xi32, #tpu.memory_space<vmem>>, vector<16xi32>,
      tpu.vector_store %arg7[%swap3A_229], %select_n3A_228 {strides = array<i32>} : memref<128xi32, #tpu.memory_space<vmem>>, vector<16xi32>,
      %mul3A_231 = arith.constant 128 : i32
      %mul3A_232 = arith.muli %while3A_123, %mul3A_231 : i32
      %add3A_233 = arith.constant 80 : i32
      %add3A_234 = arith.addi %mul3A_232, %add3A_233 : i32
      %get3A_235 = arith.index_cast %add3A_234 : i32 to index
      %get3A_236 = tpu.vector_load %arg6[%get3A_235] {strides = array<i32>} : memref<2048xi32, #tpu.memory_space<vmem>>, vector<16xi32>,
      %sub3A_237 = arith.constant 0 : i32
      %sub3A_238 = vector.broadcast %sub3A_237 : i32 to vector<16xi32>
      %sub3A_239 = arith.subi %get3A_236, %sub3A_238 : vector<16xi32>
      %ge3A_240 = arith.constant 0 : i32
      %ge3A_241 = vector.broadcast %ge3A_240 : i32 to vector<16xi32>
      %ge3A_242 = arith.cmpi sge, %sub3A_239, %ge3A_241 : vector<16xi32>
      %lt3A_243 = arith.constant 8192 : i32
      %lt3A_244 = vector.broadcast %lt3A_243 : i32 to vector<16xi32>
      %lt3A_245 = arith.cmpi slt, %sub3A_239, %lt3A_244 : vector<16xi32>
      %and3A_246 = arith.andi %ge3A_242, %lt3A_245 : vector<16xi1>
      %jit3A_247 = arith.constant 8192 : i32
      %broadcast_in_dim3A_248 = vector.broadcast %jit3A_247 : i32 to vector<16xi32>
      %select_n3A_249 = arith.select %and3A_246, %sub3A_239, %broadcast_in_dim3A_248 : vector<16xi1>, vector<16xi32>
      %swap3A_250 = arith.constant 80 : index
      %swap3A_251 = tpu.vector_load %arg7[%swap3A_250] {strides = array<i32>} : memref<128xi32, #tpu.memory_space<vmem>>, vector<16xi32>,
      tpu.vector_store %arg7[%swap3A_250], %select_n3A_249 {strides = array<i32>} : memref<128xi32, #tpu.memory_space<vmem>>, vector<16xi32>,
      %mul3A_252 = arith.constant 128 : i32
      %mul3A_253 = arith.muli %while3A_123, %mul3A_252 : i32
      %add3A_254 = arith.constant 96 : i32
      %add3A_255 = arith.addi %mul3A_253, %add3A_254 : i32
      %get3A_256 = arith.index_cast %add3A_255 : i32 to index
      %get3A_257 = tpu.vector_load %arg6[%get3A_256] {strides = array<i32>} : memref<2048xi32, #tpu.memory_space<vmem>>, vector<16xi32>,
      %sub3A_258 = arith.constant 0 : i32
      %sub3A_259 = vector.broadcast %sub3A_258 : i32 to vector<16xi32>
      %sub3A_260 = arith.subi %get3A_257, %sub3A_259 : vector<16xi32>
      %ge3A_261 = arith.constant 0 : i32
      %ge3A_262 = vector.broadcast %ge3A_261 : i32 to vector<16xi32>
      %ge3A_263 = arith.cmpi sge, %sub3A_260, %ge3A_262 : vector<16xi32>
      %lt3A_264 = arith.constant 8192 : i32
      %lt3A_265 = vector.broadcast %lt3A_264 : i32 to vector<16xi32>
      %lt3A_266 = arith.cmpi slt, %sub3A_260, %lt3A_265 : vector<16xi32>
      %and3A_267 = arith.andi %ge3A_263, %lt3A_266 : vector<16xi1>
      %jit3A_268 = arith.constant 8192 : i32
      %broadcast_in_dim3A_269 = vector.broadcast %jit3A_268 : i32 to vector<16xi32>
      %select_n3A_270 = arith.select %and3A_267, %sub3A_260, %broadcast_in_dim3A_269 : vector<16xi1>, vector<16xi32>
      %swap3A_271 = arith.constant 96 : index
      %swap3A_272 = tpu.vector_load %arg7[%swap3A_271] {strides = array<i32>} : memref<128xi32, #tpu.memory_space<vmem>>, vector<16xi32>,
      tpu.vector_store %arg7[%swap3A_271], %select_n3A_270 {strides = array<i32>} : memref<128xi32, #tpu.memory_space<vmem>>, vector<16xi32>,
      %mul3A_273 = arith.constant 128 : i32
      %mul3A_274 = arith.muli %while3A_123, %mul3A_273 : i32
      %add3A_275 = arith.constant 112 : i32
      %add3A_276 = arith.addi %mul3A_274, %add3A_275 : i32
      %get3A_277 = arith.index_cast %add3A_276 : i32 to index
      %get3A_278 = tpu.vector_load %arg6[%get3A_277] {strides = array<i32>} : memref<2048xi32, #tpu.memory_space<vmem>>, vector<16xi32>,
      %sub3A_279 = arith.constant 0 : i32
      %sub3A_280 = vector.broadcast %sub3A_279 : i32 to vector<16xi32>
      %sub3A_281 = arith.subi %get3A_278, %sub3A_280 : vector<16xi32>
      %ge3A_282 = arith.constant 0 : i32
      %ge3A_283 = vector.broadcast %ge3A_282 : i32 to vector<16xi32>
      %ge3A_284 = arith.cmpi sge, %sub3A_281, %ge3A_283 : vector<16xi32>
      %lt3A_285 = arith.constant 8192 : i32
      %lt3A_286 = vector.broadcast %lt3A_285 : i32 to vector<16xi32>
      %lt3A_287 = arith.cmpi slt, %sub3A_281, %lt3A_286 : vector<16xi32>
      %and3A_288 = arith.andi %ge3A_284, %lt3A_287 : vector<16xi1>
      %jit3A_289 = arith.constant 8192 : i32
      %broadcast_in_dim3A_290 = vector.broadcast %jit3A_289 : i32 to vector<16xi32>
      %select_n3A_291 = arith.select %and3A_288, %sub3A_281, %broadcast_in_dim3A_290 : vector<16xi1>, vector<16xi32>
      %swap3A_292 = arith.constant 112 : index
      %swap3A_293 = tpu.vector_load %arg7[%swap3A_292] {strides = array<i32>} : memref<128xi32, #tpu.memory_space<vmem>>, vector<16xi32>,
      tpu.vector_store %arg7[%swap3A_292], %select_n3A_291 {strides = array<i32>} : memref<128xi32, #tpu.memory_space<vmem>>, vector<16xi32>,
      "tpu.region"() ({
        %run_scoped3A = tpu.sem_alloc : memref<!tpu.dma_semaphore, #tpu.memory_space<semaphore_mem>>
        %dma_start3A = arith.constant 0 : i32
        %dma_start3A_295 = arith.constant 0 : i32
        %dma_start3A_296 = tpu.memref_slice %arg5[%dma_start3A, %dma_start3A_295] : memref<8320x128xf32, #tpu.memory_space<vmem_shared>> -> memref<8320x128xf32, #tpu.memory_space<vmem_shared>>
        tpu.enqueue_indirect_dma source(%arg8 : memref<128x128xf32, #tpu.memory_space<vmem>>) target(%dma_start3A_296 : memref<8320x128xf32, #tpu.memory_space<vmem_shared>>) offsets(%arg7 : memref<128xi32, #tpu.memory_space<vmem>>) semaphore(%run_scoped3A : memref<!tpu.dma_semaphore, #tpu.memory_space<semaphore_mem>>) {add = true}
        %dma_wait3A = arith.constant 0 : i32
        %dma_wait3A_297 = arith.constant 0 : i32
        %dma_wait3A_298 = tpu.memref_slice %arg5[%dma_wait3A, %dma_wait3A_297] : memref<8320x128xf32, #tpu.memory_space<vmem_shared>> -> memref<8320x128xf32, #tpu.memory_space<vmem_shared>>
        tpu.wait_indirect_dma semaphore(%run_scoped3A : memref<!tpu.dma_semaphore, #tpu.memory_space<semaphore_mem>>) src(%arg8 : memref<128x128xf32, #tpu.memory_space<vmem>>) dst(%dma_wait3A_298 : memref<8320x128xf32, #tpu.memory_space<vmem_shared>>)
        tpu.yield
      }) : () -> ()
      %while3A_294 = arith.constant 0 : i32
      scf.yield %while3A_294 : i32
    }
    %barrier3A_57 = arith.constant 0 : index
    tpu.barrier barrier_id(%barrier3A_57)
    %mul3A_58 = arith.constant 512 : i32
    %mul3A_59 = arith.muli %arg1, %mul3A_58 : i32
    %mul3A_60 = arith.constant 16384 : i32
    %mul3A_61 = arith.muli %arg0, %mul3A_60 : i32
    %add3A_62 = arith.constant 0 : i32
    %add3A_63 = arith.addi %mul3A_61, %add3A_62 : i32
    %mul3A_64 = arith.constant 512 : i32
    %mul3A_65 = arith.muli %arg1, %mul3A_64 : i32
    %add3A_66 = arith.addi %add3A_63, %mul3A_65 : i32
    "tpu.region"() ({
      %run_scoped3A = tpu.sem_alloc : memref<!tpu.dma_semaphore, #tpu.memory_space<semaphore_mem>>
      %dma_start3A = arith.constant 0 : i32
      %dma_start3A_123 = tpu.memref_slice %arg4[%add3A_66, %dma_start3A] : memref<32768x128xf32, #tpu.memory_space<hbm>> -> memref<512x128xf32, #tpu.memory_space<hbm>>
      %dma_start3A_124 = arith.constant 0 : i32
      %dma_start3A_125 = tpu.memref_slice %arg5[%mul3A_59, %dma_start3A_124] : memref<8320x128xf32, #tpu.memory_space<vmem_shared>> -> memref<512x128xf32, #tpu.memory_space<vmem_shared>>
      tpu.enqueue_dma source(%dma_start3A_125 : memref<512x128xf32, #tpu.memory_space<vmem_shared>>) target(%dma_start3A_123 : memref<512x128xf32, #tpu.memory_space<hbm>>) target_semaphore(%run_scoped3A : memref<!tpu.dma_semaphore, #tpu.memory_space<semaphore_mem>>)
      %dma_wait3A = arith.constant 0 : i32
      %dma_wait3A_126 = tpu.memref_slice %arg4[%add3A_66, %dma_wait3A] : memref<32768x128xf32, #tpu.memory_space<hbm>> -> memref<512x128xf32, #tpu.memory_space<hbm>>
      %dma_wait3A_127 = arith.constant 0 : i32
      %dma_wait3A_128 = tpu.memref_slice %arg5[%mul3A_59, %dma_wait3A_127] : memref<8320x128xf32, #tpu.memory_space<vmem_shared>> -> memref<512x128xf32, #tpu.memory_space<vmem_shared>>
      tpu.wait_dma2 semaphore(%run_scoped3A : memref<!tpu.dma_semaphore, #tpu.memory_space<semaphore_mem>>) src(%dma_wait3A_128 : memref<512x128xf32, #tpu.memory_space<vmem_shared>>) dst(%dma_wait3A_126 : memref<512x128xf32, #tpu.memory_space<hbm>>)
      tpu.yield
    }) : () -> ()
    %barrier3A_67 = arith.constant 0 : index
    tpu.barrier barrier_id(%barrier3A_67)
    %scan3A_68 = arith.constant 0 : i32
    %scan3A_69 = arith.constant 0 : i32
    %scan3A_70 = arith.constant 13 : i32
    %scan3A_71 = arith.addi %scan3A_69, %scan3A_70 : i32
    %scan3A_72 = arith.constant 1 : i32
    %scan3A_73 = scf.for %scan3A_123 = %scan3A_69 to %scan3A_71 step %scan3A_72 iter_args(%scan3A_124 = %scan3A_68) -> (i32)  : i32 {
      %mul3A_125 = arith.constant 520 : i32
      %mul3A_126 = arith.muli %arg1, %mul3A_125 : i32
      %mul3A_127 = arith.constant 40 : i32
      %mul3A_128 = arith.muli %scan3A_123, %mul3A_127 : i32
      %add3A_129 = arith.addi %mul3A_126, %mul3A_128 : i32
      "tpu.region"() ({
        %run_scoped3A = tpu.sem_alloc : memref<!tpu.dma_semaphore, #tpu.memory_space<semaphore_mem>>
        %dma_start3A = arith.constant 0 : i32
        %dma_start3A_131 = tpu.memref_slice %arg5[%add3A_129, %dma_start3A] : memref<8320x128xf32, #tpu.memory_space<vmem_shared>> -> memref<40x128xf32, #tpu.memory_space<vmem_shared>>
        %dma_start3A_132 = arith.constant 0 : i32
        %dma_start3A_133 = tpu.memref_slice %arg5[%add3A_129, %dma_start3A_132] : memref<8320x128xf32, #tpu.memory_space<vmem_shared>> -> memref<40x128xf32, #tpu.memory_space<vmem_shared>>
        tpu.enqueue_dma source(%arg9 : memref<40x128xf32, #tpu.memory_space<vmem>>) target(%dma_start3A_133 : memref<40x128xf32, #tpu.memory_space<vmem_shared>>) target_semaphore(%run_scoped3A : memref<!tpu.dma_semaphore, #tpu.memory_space<semaphore_mem>>)
        %dma_wait3A = arith.constant 0 : i32
        %dma_wait3A_134 = tpu.memref_slice %arg5[%add3A_129, %dma_wait3A] : memref<8320x128xf32, #tpu.memory_space<vmem_shared>> -> memref<40x128xf32, #tpu.memory_space<vmem_shared>>
        %dma_wait3A_135 = arith.constant 0 : i32
        %dma_wait3A_136 = tpu.memref_slice %arg5[%add3A_129, %dma_wait3A_135] : memref<8320x128xf32, #tpu.memory_space<vmem_shared>> -> memref<40x128xf32, #tpu.memory_space<vmem_shared>>
        tpu.wait_dma2 semaphore(%run_scoped3A : memref<!tpu.dma_semaphore, #tpu.memory_space<semaphore_mem>>) src(%arg9 : memref<40x128xf32, #tpu.memory_space<vmem>>) dst(%dma_wait3A_136 : memref<40x128xf32, #tpu.memory_space<vmem_shared>>)
        tpu.yield
      }) : () -> ()
      %scan3A_130 = arith.constant 0 : i32
      scf.yield %scan3A_130 : i32
    }
    %scan3A_74 = arith.constant 13 : i32
    %barrier3A_75 = arith.constant 0 : index
    tpu.barrier barrier_id(%barrier3A_75)
    %jit3A_76 = arith.constant 128 : i32
    %div3A_77 = arith.divsi %reduce_sum3A_9, %jit3A_76 : i32
    %sign3A_78 = arith.constant 0 : i32
    %sign3A_79 = arith.cmpi sgt, %reduce_sum3A_9, %sign3A_78 : i32
    %sign3A_80 = arith.extui %sign3A_79 : i1 to i32
    %sign3A_81 = arith.constant 0 : i32
    %sign3A_82 = arith.cmpi slt, %reduce_sum3A_9, %sign3A_81 : i32
    %sign3A_83 = arith.extui %sign3A_82 : i1 to i32
    %sign3A_84 = arith.subi %sign3A_80, %sign3A_83 : i32
    %sign3A_85 = arith.constant 0 : i32
    %sign3A_86 = arith.cmpi sgt, %jit3A_76, %sign3A_85 : i32
    %sign3A_87 = arith.extui %sign3A_86 : i1 to i32
    %sign3A_88 = arith.constant 0 : i32
    %sign3A_89 = arith.cmpi slt, %jit3A_76, %sign3A_88 : i32
    %sign3A_90 = arith.extui %sign3A_89 : i1 to i32
    %sign3A_91 = arith.subi %sign3A_87, %sign3A_90 : i32
    %ne3A_92 = arith.cmpi ne, %sign3A_84, %sign3A_91 : i32
    %rem3A_93 = arith.remsi %reduce_sum3A_9, %jit3A_76 : i32
    %ne3A_94 = arith.constant 0 : i32
    %ne3A_95 = arith.cmpi ne, %rem3A_93, %ne3A_94 : i32
    %and3A_96 = arith.andi %ne3A_92, %ne3A_95 : i1
    %sub3A_97 = arith.constant 1 : i32
    %sub3A_98 = arith.subi %div3A_77, %sub3A_97 : i32
    %select_n3A_99 = arith.select %and3A_96, %sub3A_98, %div3A_77 : i32
    %while3A_100 = arith.constant 16 : i32
    %while3A_101 = arith.constant 0 : i32
    %while3A_102 = arith.subi %while3A_100, %select_n3A_99 : i32
    %while3A_103 = arith.addi %select_n3A_99, %while3A_102 : i32
    %while3A_104 = arith.constant 1 : i32
    %while3A_105 = arith.divsi %while3A_102, %while3A_104 : i32
    %while3A_106 = arith.muli %while3A_105, %while3A_104 : i32
    %while3A_107 = arith.addi %select_n3A_99, %while3A_106 : i32
    %while3A_108 = arith.constant 1 : i32
    %while3A_109 = scf.for %while3A_123 = %select_n3A_99 to %while3A_107 step %while3A_108 iter_args(%while3A_124 = %while3A_101) -> (i32)  : i32 {
      %mul3A_125 = arith.constant 2048 : i32
      %mul3A_126 = arith.muli %add3A, %mul3A_125 : i32
      %mul3A_127 = arith.constant 128 : i32
      %mul3A_128 = arith.muli %while3A_123, %mul3A_127 : i32
      %add3A_129 = arith.addi %mul3A_126, %mul3A_128 : i32
      "tpu.region"() ({
        %run_scoped3A = tpu.sem_alloc : memref<!tpu.dma_semaphore, #tpu.memory_space<semaphore_mem>>
        %dma_start3A = arith.constant 0 : i32
        %dma_start3A_295 = tpu.memref_slice %arg2[%add3A_129, %dma_start3A] : memref<65536x128xf32, #tpu.memory_space<hbm>> -> memref<128x128xf32, #tpu.memory_space<hbm>>
        %dma_start3A_296 = arith.constant 0 : i32
        %dma_start3A_297 = tpu.memref_slice %arg2[%add3A_129, %dma_start3A_296] : memref<65536x128xf32, #tpu.memory_space<hbm>> -> memref<128x128xf32, #tpu.memory_space<hbm>>
        tpu.enqueue_dma source(%dma_start3A_297 : memref<128x128xf32, #tpu.memory_space<hbm>>) target(%arg8 : memref<128x128xf32, #tpu.memory_space<vmem>>) target_semaphore(%run_scoped3A : memref<!tpu.dma_semaphore, #tpu.memory_space<semaphore_mem>>)
        %dma_wait3A = arith.constant 0 : i32
        %dma_wait3A_298 = tpu.memref_slice %arg2[%add3A_129, %dma_wait3A] : memref<65536x128xf32, #tpu.memory_space<hbm>> -> memref<128x128xf32, #tpu.memory_space<hbm>>
        %dma_wait3A_299 = arith.constant 0 : i32
        %dma_wait3A_300 = tpu.memref_slice %arg2[%add3A_129, %dma_wait3A_299] : memref<65536x128xf32, #tpu.memory_space<hbm>> -> memref<128x128xf32, #tpu.memory_space<hbm>>
        tpu.wait_dma2 semaphore(%run_scoped3A : memref<!tpu.dma_semaphore, #tpu.memory_space<semaphore_mem>>) src(%dma_wait3A_300 : memref<128x128xf32, #tpu.memory_space<hbm>>) dst(%arg8 : memref<128x128xf32, #tpu.memory_space<vmem>>)
        tpu.yield
      }) : () -> ()
      %mul3A_130 = arith.constant 128 : i32
      %mul3A_131 = arith.muli %while3A_123, %mul3A_130 : i32
      %add3A_132 = arith.constant 0 : i32
      %add3A_133 = arith.addi %mul3A_131, %add3A_132 : i32
      %get3A = arith.index_cast %add3A_133 : i32 to index
      %get3A_134 = tpu.vector_load %arg6[%get3A] {strides = array<i32>} : memref<2048xi32, #tpu.memory_space<vmem>>, vector<16xi32>,
      %sub3A_135 = arith.constant 8192 : i32
      %sub3A_136 = vector.broadcast %sub3A_135 : i32 to vector<16xi32>
      %sub3A_137 = arith.subi %get3A_134, %sub3A_136 : vector<16xi32>
      %ge3A = arith.constant 0 : i32
      %ge3A_138 = vector.broadcast %ge3A : i32 to vector<16xi32>
      %ge3A_139 = arith.cmpi sge, %sub3A_137, %ge3A_138 : vector<16xi32>
      %lt3A = arith.constant 8192 : i32
      %lt3A_140 = vector.broadcast %lt3A : i32 to vector<16xi32>
      %lt3A_141 = arith.cmpi slt, %sub3A_137, %lt3A_140 : vector<16xi32>
      %and3A_142 = arith.andi %ge3A_139, %lt3A_141 : vector<16xi1>
      %jit3A_143 = arith.constant 8192 : i32
      %broadcast_in_dim3A_144 = vector.broadcast %jit3A_143 : i32 to vector<16xi32>
      %select_n3A_145 = arith.select %and3A_142, %sub3A_137, %broadcast_in_dim3A_144 : vector<16xi1>, vector<16xi32>
      %swap3A = arith.constant 0 : index
      %swap3A_146 = tpu.vector_load %arg7[%swap3A] {strides = array<i32>} : memref<128xi32, #tpu.memory_space<vmem>>, vector<16xi32>,
      tpu.vector_store %arg7[%swap3A], %select_n3A_145 {strides = array<i32>} : memref<128xi32, #tpu.memory_space<vmem>>, vector<16xi32>,
      %mul3A_147 = arith.constant 128 : i32
      %mul3A_148 = arith.muli %while3A_123, %mul3A_147 : i32
      %add3A_149 = arith.constant 16 : i32
      %add3A_150 = arith.addi %mul3A_148, %add3A_149 : i32
      %get3A_151 = arith.index_cast %add3A_150 : i32 to index
      %get3A_152 = tpu.vector_load %arg6[%get3A_151] {strides = array<i32>} : memref<2048xi32, #tpu.memory_space<vmem>>, vector<16xi32>,
      %sub3A_153 = arith.constant 8192 : i32
      %sub3A_154 = vector.broadcast %sub3A_153 : i32 to vector<16xi32>
      %sub3A_155 = arith.subi %get3A_152, %sub3A_154 : vector<16xi32>
      %ge3A_156 = arith.constant 0 : i32
      %ge3A_157 = vector.broadcast %ge3A_156 : i32 to vector<16xi32>
      %ge3A_158 = arith.cmpi sge, %sub3A_155, %ge3A_157 : vector<16xi32>
      %lt3A_159 = arith.constant 8192 : i32
      %lt3A_160 = vector.broadcast %lt3A_159 : i32 to vector<16xi32>
      %lt3A_161 = arith.cmpi slt, %sub3A_155, %lt3A_160 : vector<16xi32>
      %and3A_162 = arith.andi %ge3A_158, %lt3A_161 : vector<16xi1>
      %jit3A_163 = arith.constant 8192 : i32
      %broadcast_in_dim3A_164 = vector.broadcast %jit3A_163 : i32 to vector<16xi32>
      %select_n3A_165 = arith.select %and3A_162, %sub3A_155, %broadcast_in_dim3A_164 : vector<16xi1>, vector<16xi32>
      %swap3A_166 = arith.constant 16 : index
      %swap3A_167 = tpu.vector_load %arg7[%swap3A_166] {strides = array<i32>} : memref<128xi32, #tpu.memory_space<vmem>>, vector<16xi32>,
      tpu.vector_store %arg7[%swap3A_166], %select_n3A_165 {strides = array<i32>} : memref<128xi32, #tpu.memory_space<vmem>>, vector<16xi32>,
      %mul3A_168 = arith.constant 128 : i32
      %mul3A_169 = arith.muli %while3A_123, %mul3A_168 : i32
      %add3A_170 = arith.constant 32 : i32
      %add3A_171 = arith.addi %mul3A_169, %add3A_170 : i32
      %get3A_172 = arith.index_cast %add3A_171 : i32 to index
      %get3A_173 = tpu.vector_load %arg6[%get3A_172] {strides = array<i32>} : memref<2048xi32, #tpu.memory_space<vmem>>, vector<16xi32>,
      %sub3A_174 = arith.constant 8192 : i32
      %sub3A_175 = vector.broadcast %sub3A_174 : i32 to vector<16xi32>
      %sub3A_176 = arith.subi %get3A_173, %sub3A_175 : vector<16xi32>
      %ge3A_177 = arith.constant 0 : i32
      %ge3A_178 = vector.broadcast %ge3A_177 : i32 to vector<16xi32>
      %ge3A_179 = arith.cmpi sge, %sub3A_176, %ge3A_178 : vector<16xi32>
      %lt3A_180 = arith.constant 8192 : i32
      %lt3A_181 = vector.broadcast %lt3A_180 : i32 to vector<16xi32>
      %lt3A_182 = arith.cmpi slt, %sub3A_176, %lt3A_181 : vector<16xi32>
      %and3A_183 = arith.andi %ge3A_179, %lt3A_182 : vector<16xi1>
      %jit3A_184 = arith.constant 8192 : i32
      %broadcast_in_dim3A_185 = vector.broadcast %jit3A_184 : i32 to vector<16xi32>
      %select_n3A_186 = arith.select %and3A_183, %sub3A_176, %broadcast_in_dim3A_185 : vector<16xi1>, vector<16xi32>
      %swap3A_187 = arith.constant 32 : index
      %swap3A_188 = tpu.vector_load %arg7[%swap3A_187] {strides = array<i32>} : memref<128xi32, #tpu.memory_space<vmem>>, vector<16xi32>,
      tpu.vector_store %arg7[%swap3A_187], %select_n3A_186 {strides = array<i32>} : memref<128xi32, #tpu.memory_space<vmem>>, vector<16xi32>,
      %mul3A_189 = arith.constant 128 : i32
      %mul3A_190 = arith.muli %while3A_123, %mul3A_189 : i32
      %add3A_191 = arith.constant 48 : i32
      %add3A_192 = arith.addi %mul3A_190, %add3A_191 : i32
      %get3A_193 = arith.index_cast %add3A_192 : i32 to index
      %get3A_194 = tpu.vector_load %arg6[%get3A_193] {strides = array<i32>} : memref<2048xi32, #tpu.memory_space<vmem>>, vector<16xi32>,
      %sub3A_195 = arith.constant 8192 : i32
      %sub3A_196 = vector.broadcast %sub3A_195 : i32 to vector<16xi32>
      %sub3A_197 = arith.subi %get3A_194, %sub3A_196 : vector<16xi32>
      %ge3A_198 = arith.constant 0 : i32
      %ge3A_199 = vector.broadcast %ge3A_198 : i32 to vector<16xi32>
      %ge3A_200 = arith.cmpi sge, %sub3A_197, %ge3A_199 : vector<16xi32>
      %lt3A_201 = arith.constant 8192 : i32
      %lt3A_202 = vector.broadcast %lt3A_201 : i32 to vector<16xi32>
      %lt3A_203 = arith.cmpi slt, %sub3A_197, %lt3A_202 : vector<16xi32>
      %and3A_204 = arith.andi %ge3A_200, %lt3A_203 : vector<16xi1>
      %jit3A_205 = arith.constant 8192 : i32
      %broadcast_in_dim3A_206 = vector.broadcast %jit3A_205 : i32 to vector<16xi32>
      %select_n3A_207 = arith.select %and3A_204, %sub3A_197, %broadcast_in_dim3A_206 : vector<16xi1>, vector<16xi32>
      %swap3A_208 = arith.constant 48 : index
      %swap3A_209 = tpu.vector_load %arg7[%swap3A_208] {strides = array<i32>} : memref<128xi32, #tpu.memory_space<vmem>>, vector<16xi32>,
      tpu.vector_store %arg7[%swap3A_208], %select_n3A_207 {strides = array<i32>} : memref<128xi32, #tpu.memory_space<vmem>>, vector<16xi32>,
      %mul3A_210 = arith.constant 128 : i32
      %mul3A_211 = arith.muli %while3A_123, %mul3A_210 : i32
      %add3A_212 = arith.constant 64 : i32
      %add3A_213 = arith.addi %mul3A_211, %add3A_212 : i32
      %get3A_214 = arith.index_cast %add3A_213 : i32 to index
      %get3A_215 = tpu.vector_load %arg6[%get3A_214] {strides = array<i32>} : memref<2048xi32, #tpu.memory_space<vmem>>, vector<16xi32>,
      %sub3A_216 = arith.constant 8192 : i32
      %sub3A_217 = vector.broadcast %sub3A_216 : i32 to vector<16xi32>
      %sub3A_218 = arith.subi %get3A_215, %sub3A_217 : vector<16xi32>
      %ge3A_219 = arith.constant 0 : i32
      %ge3A_220 = vector.broadcast %ge3A_219 : i32 to vector<16xi32>
      %ge3A_221 = arith.cmpi sge, %sub3A_218, %ge3A_220 : vector<16xi32>
      %lt3A_222 = arith.constant 8192 : i32
      %lt3A_223 = vector.broadcast %lt3A_222 : i32 to vector<16xi32>
      %lt3A_224 = arith.cmpi slt, %sub3A_218, %lt3A_223 : vector<16xi32>
      %and3A_225 = arith.andi %ge3A_221, %lt3A_224 : vector<16xi1>
      %jit3A_226 = arith.constant 8192 : i32
      %broadcast_in_dim3A_227 = vector.broadcast %jit3A_226 : i32 to vector<16xi32>
      %select_n3A_228 = arith.select %and3A_225, %sub3A_218, %broadcast_in_dim3A_227 : vector<16xi1>, vector<16xi32>
      %swap3A_229 = arith.constant 64 : index
      %swap3A_230 = tpu.vector_load %arg7[%swap3A_229] {strides = array<i32>} : memref<128xi32, #tpu.memory_space<vmem>>, vector<16xi32>,
      tpu.vector_store %arg7[%swap3A_229], %select_n3A_228 {strides = array<i32>} : memref<128xi32, #tpu.memory_space<vmem>>, vector<16xi32>,
      %mul3A_231 = arith.constant 128 : i32
      %mul3A_232 = arith.muli %while3A_123, %mul3A_231 : i32
      %add3A_233 = arith.constant 80 : i32
      %add3A_234 = arith.addi %mul3A_232, %add3A_233 : i32
      %get3A_235 = arith.index_cast %add3A_234 : i32 to index
      %get3A_236 = tpu.vector_load %arg6[%get3A_235] {strides = array<i32>} : memref<2048xi32, #tpu.memory_space<vmem>>, vector<16xi32>,
      %sub3A_237 = arith.constant 8192 : i32
      %sub3A_238 = vector.broadcast %sub3A_237 : i32 to vector<16xi32>
      %sub3A_239 = arith.subi %get3A_236, %sub3A_238 : vector<16xi32>
      %ge3A_240 = arith.constant 0 : i32
      %ge3A_241 = vector.broadcast %ge3A_240 : i32 to vector<16xi32>
      %ge3A_242 = arith.cmpi sge, %sub3A_239, %ge3A_241 : vector<16xi32>
      %lt3A_243 = arith.constant 8192 : i32
      %lt3A_244 = vector.broadcast %lt3A_243 : i32 to vector<16xi32>
      %lt3A_245 = arith.cmpi slt, %sub3A_239, %lt3A_244 : vector<16xi32>
      %and3A_246 = arith.andi %ge3A_242, %lt3A_245 : vector<16xi1>
      %jit3A_247 = arith.constant 8192 : i32
      %broadcast_in_dim3A_248 = vector.broadcast %jit3A_247 : i32 to vector<16xi32>
      %select_n3A_249 = arith.select %and3A_246, %sub3A_239, %broadcast_in_dim3A_248 : vector<16xi1>, vector<16xi32>
      %swap3A_250 = arith.constant 80 : index
      %swap3A_251 = tpu.vector_load %arg7[%swap3A_250] {strides = array<i32>} : memref<128xi32, #tpu.memory_space<vmem>>, vector<16xi32>,
      tpu.vector_store %arg7[%swap3A_250], %select_n3A_249 {strides = array<i32>} : memref<128xi32, #tpu.memory_space<vmem>>, vector<16xi32>,
      %mul3A_252 = arith.constant 128 : i32
      %mul3A_253 = arith.muli %while3A_123, %mul3A_252 : i32
      %add3A_254 = arith.constant 96 : i32
      %add3A_255 = arith.addi %mul3A_253, %add3A_254 : i32
      %get3A_256 = arith.index_cast %add3A_255 : i32 to index
      %get3A_257 = tpu.vector_load %arg6[%get3A_256] {strides = array<i32>} : memref<2048xi32, #tpu.memory_space<vmem>>, vector<16xi32>,
      %sub3A_258 = arith.constant 8192 : i32
      %sub3A_259 = vector.broadcast %sub3A_258 : i32 to vector<16xi32>
      %sub3A_260 = arith.subi %get3A_257, %sub3A_259 : vector<16xi32>
      %ge3A_261 = arith.constant 0 : i32
      %ge3A_262 = vector.broadcast %ge3A_261 : i32 to vector<16xi32>
      %ge3A_263 = arith.cmpi sge, %sub3A_260, %ge3A_262 : vector<16xi32>
      %lt3A_264 = arith.constant 8192 : i32
      %lt3A_265 = vector.broadcast %lt3A_264 : i32 to vector<16xi32>
      %lt3A_266 = arith.cmpi slt, %sub3A_260, %lt3A_265 : vector<16xi32>
      %and3A_267 = arith.andi %ge3A_263, %lt3A_266 : vector<16xi1>
      %jit3A_268 = arith.constant 8192 : i32
      %broadcast_in_dim3A_269 = vector.broadcast %jit3A_268 : i32 to vector<16xi32>
      %select_n3A_270 = arith.select %and3A_267, %sub3A_260, %broadcast_in_dim3A_269 : vector<16xi1>, vector<16xi32>
      %swap3A_271 = arith.constant 96 : index
      %swap3A_272 = tpu.vector_load %arg7[%swap3A_271] {strides = array<i32>} : memref<128xi32, #tpu.memory_space<vmem>>, vector<16xi32>,
      tpu.vector_store %arg7[%swap3A_271], %select_n3A_270 {strides = array<i32>} : memref<128xi32, #tpu.memory_space<vmem>>, vector<16xi32>,
      %mul3A_273 = arith.constant 128 : i32
      %mul3A_274 = arith.muli %while3A_123, %mul3A_273 : i32
      %add3A_275 = arith.constant 112 : i32
      %add3A_276 = arith.addi %mul3A_274, %add3A_275 : i32
      %get3A_277 = arith.index_cast %add3A_276 : i32 to index
      %get3A_278 = tpu.vector_load %arg6[%get3A_277] {strides = array<i32>} : memref<2048xi32, #tpu.memory_space<vmem>>, vector<16xi32>,
      %sub3A_279 = arith.constant 8192 : i32
      %sub3A_280 = vector.broadcast %sub3A_279 : i32 to vector<16xi32>
      %sub3A_281 = arith.subi %get3A_278, %sub3A_280 : vector<16xi32>
      %ge3A_282 = arith.constant 0 : i32
      %ge3A_283 = vector.broadcast %ge3A_282 : i32 to vector<16xi32>
      %ge3A_284 = arith.cmpi sge, %sub3A_281, %ge3A_283 : vector<16xi32>
      %lt3A_285 = arith.constant 8192 : i32
      %lt3A_286 = vector.broadcast %lt3A_285 : i32 to vector<16xi32>
      %lt3A_287 = arith.cmpi slt, %sub3A_281, %lt3A_286 : vector<16xi32>
      %and3A_288 = arith.andi %ge3A_284, %lt3A_287 : vector<16xi1>
      %jit3A_289 = arith.constant 8192 : i32
      %broadcast_in_dim3A_290 = vector.broadcast %jit3A_289 : i32 to vector<16xi32>
      %select_n3A_291 = arith.select %and3A_288, %sub3A_281, %broadcast_in_dim3A_290 : vector<16xi1>, vector<16xi32>
      %swap3A_292 = arith.constant 112 : index
      %swap3A_293 = tpu.vector_load %arg7[%swap3A_292] {strides = array<i32>} : memref<128xi32, #tpu.memory_space<vmem>>, vector<16xi32>,
      tpu.vector_store %arg7[%swap3A_292], %select_n3A_291 {strides = array<i32>} : memref<128xi32, #tpu.memory_space<vmem>>, vector<16xi32>,
      "tpu.region"() ({
        %run_scoped3A = tpu.sem_alloc : memref<!tpu.dma_semaphore, #tpu.memory_space<semaphore_mem>>
        %dma_start3A = arith.constant 0 : i32
        %dma_start3A_295 = arith.constant 0 : i32
        %dma_start3A_296 = tpu.memref_slice %arg5[%dma_start3A, %dma_start3A_295] : memref<8320x128xf32, #tpu.memory_space<vmem_shared>> -> memref<8320x128xf32, #tpu.memory_space<vmem_shared>>
        tpu.enqueue_indirect_dma source(%arg8 : memref<128x128xf32, #tpu.memory_space<vmem>>) target(%dma_start3A_296 : memref<8320x128xf32, #tpu.memory_space<vmem_shared>>) offsets(%arg7 : memref<128xi32, #tpu.memory_space<vmem>>) semaphore(%run_scoped3A : memref<!tpu.dma_semaphore, #tpu.memory_space<semaphore_mem>>) {add = true}
        %dma_wait3A = arith.constant 0 : i32
        %dma_wait3A_297 = arith.constant 0 : i32
        %dma_wait3A_298 = tpu.memref_slice %arg5[%dma_wait3A, %dma_wait3A_297] : memref<8320x128xf32, #tpu.memory_space<vmem_shared>> -> memref<8320x128xf32, #tpu.memory_space<vmem_shared>>
        tpu.wait_indirect_dma semaphore(%run_scoped3A : memref<!tpu.dma_semaphore, #tpu.memory_space<semaphore_mem>>) src(%arg8 : memref<128x128xf32, #tpu.memory_space<vmem>>) dst(%dma_wait3A_298 : memref<8320x128xf32, #tpu.memory_space<vmem_shared>>)
        tpu.yield
      }) : () -> ()
      %while3A_294 = arith.constant 0 : i32
      scf.yield %while3A_294 : i32
    }
    %while3A_110 = arith.constant 1 : i32
    %while3A_111 = scf.for %while3A_123 = %while3A_107 to %while3A_103 step %while3A_110 iter_args(%while3A_124 = %while3A_109) -> (i32)  : i32 {
      %mul3A_125 = arith.constant 2048 : i32
      %mul3A_126 = arith.muli %add3A, %mul3A_125 : i32
      %mul3A_127 = arith.constant 128 : i32
      %mul3A_128 = arith.muli %while3A_123, %mul3A_127 : i32
      %add3A_129 = arith.addi %mul3A_126, %mul3A_128 : i32
      "tpu.region"() ({
        %run_scoped3A = tpu.sem_alloc : memref<!tpu.dma_semaphore, #tpu.memory_space<semaphore_mem>>
        %dma_start3A = arith.constant 0 : i32
        %dma_start3A_295 = tpu.memref_slice %arg2[%add3A_129, %dma_start3A] : memref<65536x128xf32, #tpu.memory_space<hbm>> -> memref<128x128xf32, #tpu.memory_space<hbm>>
        %dma_start3A_296 = arith.constant 0 : i32
        %dma_start3A_297 = tpu.memref_slice %arg2[%add3A_129, %dma_start3A_296] : memref<65536x128xf32, #tpu.memory_space<hbm>> -> memref<128x128xf32, #tpu.memory_space<hbm>>
        tpu.enqueue_dma source(%dma_start3A_297 : memref<128x128xf32, #tpu.memory_space<hbm>>) target(%arg8 : memref<128x128xf32, #tpu.memory_space<vmem>>) target_semaphore(%run_scoped3A : memref<!tpu.dma_semaphore, #tpu.memory_space<semaphore_mem>>)
        %dma_wait3A = arith.constant 0 : i32
        %dma_wait3A_298 = tpu.memref_slice %arg2[%add3A_129, %dma_wait3A] : memref<65536x128xf32, #tpu.memory_space<hbm>> -> memref<128x128xf32, #tpu.memory_space<hbm>>
        %dma_wait3A_299 = arith.constant 0 : i32
        %dma_wait3A_300 = tpu.memref_slice %arg2[%add3A_129, %dma_wait3A_299] : memref<65536x128xf32, #tpu.memory_space<hbm>> -> memref<128x128xf32, #tpu.memory_space<hbm>>
        tpu.wait_dma2 semaphore(%run_scoped3A : memref<!tpu.dma_semaphore, #tpu.memory_space<semaphore_mem>>) src(%dma_wait3A_300 : memref<128x128xf32, #tpu.memory_space<hbm>>) dst(%arg8 : memref<128x128xf32, #tpu.memory_space<vmem>>)
        tpu.yield
      }) : () -> ()
      %mul3A_130 = arith.constant 128 : i32
      %mul3A_131 = arith.muli %while3A_123, %mul3A_130 : i32
      %add3A_132 = arith.constant 0 : i32
      %add3A_133 = arith.addi %mul3A_131, %add3A_132 : i32
      %get3A = arith.index_cast %add3A_133 : i32 to index
      %get3A_134 = tpu.vector_load %arg6[%get3A] {strides = array<i32>} : memref<2048xi32, #tpu.memory_space<vmem>>, vector<16xi32>,
      %sub3A_135 = arith.constant 8192 : i32
      %sub3A_136 = vector.broadcast %sub3A_135 : i32 to vector<16xi32>
      %sub3A_137 = arith.subi %get3A_134, %sub3A_136 : vector<16xi32>
      %ge3A = arith.constant 0 : i32
      %ge3A_138 = vector.broadcast %ge3A : i32 to vector<16xi32>
      %ge3A_139 = arith.cmpi sge, %sub3A_137, %ge3A_138 : vector<16xi32>
      %lt3A = arith.constant 8192 : i32
      %lt3A_140 = vector.broadcast %lt3A : i32 to vector<16xi32>
      %lt3A_141 = arith.cmpi slt, %sub3A_137, %lt3A_140 : vector<16xi32>
      %and3A_142 = arith.andi %ge3A_139, %lt3A_141 : vector<16xi1>
      %jit3A_143 = arith.constant 8192 : i32
      %broadcast_in_dim3A_144 = vector.broadcast %jit3A_143 : i32 to vector<16xi32>
      %select_n3A_145 = arith.select %and3A_142, %sub3A_137, %broadcast_in_dim3A_144 : vector<16xi1>, vector<16xi32>
      %swap3A = arith.constant 0 : index
      %swap3A_146 = tpu.vector_load %arg7[%swap3A] {strides = array<i32>} : memref<128xi32, #tpu.memory_space<vmem>>, vector<16xi32>,
      tpu.vector_store %arg7[%swap3A], %select_n3A_145 {strides = array<i32>} : memref<128xi32, #tpu.memory_space<vmem>>, vector<16xi32>,
      %mul3A_147 = arith.constant 128 : i32
      %mul3A_148 = arith.muli %while3A_123, %mul3A_147 : i32
      %add3A_149 = arith.constant 16 : i32
      %add3A_150 = arith.addi %mul3A_148, %add3A_149 : i32
      %get3A_151 = arith.index_cast %add3A_150 : i32 to index
      %get3A_152 = tpu.vector_load %arg6[%get3A_151] {strides = array<i32>} : memref<2048xi32, #tpu.memory_space<vmem>>, vector<16xi32>,
      %sub3A_153 = arith.constant 8192 : i32
      %sub3A_154 = vector.broadcast %sub3A_153 : i32 to vector<16xi32>
      %sub3A_155 = arith.subi %get3A_152, %sub3A_154 : vector<16xi32>
      %ge3A_156 = arith.constant 0 : i32
      %ge3A_157 = vector.broadcast %ge3A_156 : i32 to vector<16xi32>
      %ge3A_158 = arith.cmpi sge, %sub3A_155, %ge3A_157 : vector<16xi32>
      %lt3A_159 = arith.constant 8192 : i32
      %lt3A_160 = vector.broadcast %lt3A_159 : i32 to vector<16xi32>
      %lt3A_161 = arith.cmpi slt, %sub3A_155, %lt3A_160 : vector<16xi32>
      %and3A_162 = arith.andi %ge3A_158, %lt3A_161 : vector<16xi1>
      %jit3A_163 = arith.constant 8192 : i32
      %broadcast_in_dim3A_164 = vector.broadcast %jit3A_163 : i32 to vector<16xi32>
      %select_n3A_165 = arith.select %and3A_162, %sub3A_155, %broadcast_in_dim3A_164 : vector<16xi1>, vector<16xi32>
      %swap3A_166 = arith.constant 16 : index
      %swap3A_167 = tpu.vector_load %arg7[%swap3A_166] {strides = array<i32>} : memref<128xi32, #tpu.memory_space<vmem>>, vector<16xi32>,
      tpu.vector_store %arg7[%swap3A_166], %select_n3A_165 {strides = array<i32>} : memref<128xi32, #tpu.memory_space<vmem>>, vector<16xi32>,
      %mul3A_168 = arith.constant 128 : i32
      %mul3A_169 = arith.muli %while3A_123, %mul3A_168 : i32
      %add3A_170 = arith.constant 32 : i32
      %add3A_171 = arith.addi %mul3A_169, %add3A_170 : i32
      %get3A_172 = arith.index_cast %add3A_171 : i32 to index
      %get3A_173 = tpu.vector_load %arg6[%get3A_172] {strides = array<i32>} : memref<2048xi32, #tpu.memory_space<vmem>>, vector<16xi32>,
      %sub3A_174 = arith.constant 8192 : i32
      %sub3A_175 = vector.broadcast %sub3A_174 : i32 to vector<16xi32>
      %sub3A_176 = arith.subi %get3A_173, %sub3A_175 : vector<16xi32>
      %ge3A_177 = arith.constant 0 : i32
      %ge3A_178 = vector.broadcast %ge3A_177 : i32 to vector<16xi32>
      %ge3A_179 = arith.cmpi sge, %sub3A_176, %ge3A_178 : vector<16xi32>
      %lt3A_180 = arith.constant 8192 : i32
      %lt3A_181 = vector.broadcast %lt3A_180 : i32 to vector<16xi32>
      %lt3A_182 = arith.cmpi slt, %sub3A_176, %lt3A_181 : vector<16xi32>
      %and3A_183 = arith.andi %ge3A_179, %lt3A_182 : vector<16xi1>
      %jit3A_184 = arith.constant 8192 : i32
      %broadcast_in_dim3A_185 = vector.broadcast %jit3A_184 : i32 to vector<16xi32>
      %select_n3A_186 = arith.select %and3A_183, %sub3A_176, %broadcast_in_dim3A_185 : vector<16xi1>, vector<16xi32>
      %swap3A_187 = arith.constant 32 : index
      %swap3A_188 = tpu.vector_load %arg7[%swap3A_187] {strides = array<i32>} : memref<128xi32, #tpu.memory_space<vmem>>, vector<16xi32>,
      tpu.vector_store %arg7[%swap3A_187], %select_n3A_186 {strides = array<i32>} : memref<128xi32, #tpu.memory_space<vmem>>, vector<16xi32>,
      %mul3A_189 = arith.constant 128 : i32
      %mul3A_190 = arith.muli %while3A_123, %mul3A_189 : i32
      %add3A_191 = arith.constant 48 : i32
      %add3A_192 = arith.addi %mul3A_190, %add3A_191 : i32
      %get3A_193 = arith.index_cast %add3A_192 : i32 to index
      %get3A_194 = tpu.vector_load %arg6[%get3A_193] {strides = array<i32>} : memref<2048xi32, #tpu.memory_space<vmem>>, vector<16xi32>,
      %sub3A_195 = arith.constant 8192 : i32
      %sub3A_196 = vector.broadcast %sub3A_195 : i32 to vector<16xi32>
      %sub3A_197 = arith.subi %get3A_194, %sub3A_196 : vector<16xi32>
      %ge3A_198 = arith.constant 0 : i32
      %ge3A_199 = vector.broadcast %ge3A_198 : i32 to vector<16xi32>
      %ge3A_200 = arith.cmpi sge, %sub3A_197, %ge3A_199 : vector<16xi32>
      %lt3A_201 = arith.constant 8192 : i32
      %lt3A_202 = vector.broadcast %lt3A_201 : i32 to vector<16xi32>
      %lt3A_203 = arith.cmpi slt, %sub3A_197, %lt3A_202 : vector<16xi32>
      %and3A_204 = arith.andi %ge3A_200, %lt3A_203 : vector<16xi1>
      %jit3A_205 = arith.constant 8192 : i32
      %broadcast_in_dim3A_206 = vector.broadcast %jit3A_205 : i32 to vector<16xi32>
      %select_n3A_207 = arith.select %and3A_204, %sub3A_197, %broadcast_in_dim3A_206 : vector<16xi1>, vector<16xi32>
      %swap3A_208 = arith.constant 48 : index
      %swap3A_209 = tpu.vector_load %arg7[%swap3A_208] {strides = array<i32>} : memref<128xi32, #tpu.memory_space<vmem>>, vector<16xi32>,
      tpu.vector_store %arg7[%swap3A_208], %select_n3A_207 {strides = array<i32>} : memref<128xi32, #tpu.memory_space<vmem>>, vector<16xi32>,
      %mul3A_210 = arith.constant 128 : i32
      %mul3A_211 = arith.muli %while3A_123, %mul3A_210 : i32
      %add3A_212 = arith.constant 64 : i32
      %add3A_213 = arith.addi %mul3A_211, %add3A_212 : i32
      %get3A_214 = arith.index_cast %add3A_213 : i32 to index
      %get3A_215 = tpu.vector_load %arg6[%get3A_214] {strides = array<i32>} : memref<2048xi32, #tpu.memory_space<vmem>>, vector<16xi32>,
      %sub3A_216 = arith.constant 8192 : i32
      %sub3A_217 = vector.broadcast %sub3A_216 : i32 to vector<16xi32>
      %sub3A_218 = arith.subi %get3A_215, %sub3A_217 : vector<16xi32>
      %ge3A_219 = arith.constant 0 : i32
      %ge3A_220 = vector.broadcast %ge3A_219 : i32 to vector<16xi32>
      %ge3A_221 = arith.cmpi sge, %sub3A_218, %ge3A_220 : vector<16xi32>
      %lt3A_222 = arith.constant 8192 : i32
      %lt3A_223 = vector.broadcast %lt3A_222 : i32 to vector<16xi32>
      %lt3A_224 = arith.cmpi slt, %sub3A_218, %lt3A_223 : vector<16xi32>
      %and3A_225 = arith.andi %ge3A_221, %lt3A_224 : vector<16xi1>
      %jit3A_226 = arith.constant 8192 : i32
      %broadcast_in_dim3A_227 = vector.broadcast %jit3A_226 : i32 to vector<16xi32>
      %select_n3A_228 = arith.select %and3A_225, %sub3A_218, %broadcast_in_dim3A_227 : vector<16xi1>, vector<16xi32>
      %swap3A_229 = arith.constant 64 : index
      %swap3A_230 = tpu.vector_load %arg7[%swap3A_229] {strides = array<i32>} : memref<128xi32, #tpu.memory_space<vmem>>, vector<16xi32>,
      tpu.vector_store %arg7[%swap3A_229], %select_n3A_228 {strides = array<i32>} : memref<128xi32, #tpu.memory_space<vmem>>, vector<16xi32>,
      %mul3A_231 = arith.constant 128 : i32
      %mul3A_232 = arith.muli %while3A_123, %mul3A_231 : i32
      %add3A_233 = arith.constant 80 : i32
      %add3A_234 = arith.addi %mul3A_232, %add3A_233 : i32
      %get3A_235 = arith.index_cast %add3A_234 : i32 to index
      %get3A_236 = tpu.vector_load %arg6[%get3A_235] {strides = array<i32>} : memref<2048xi32, #tpu.memory_space<vmem>>, vector<16xi32>,
      %sub3A_237 = arith.constant 8192 : i32
      %sub3A_238 = vector.broadcast %sub3A_237 : i32 to vector<16xi32>
      %sub3A_239 = arith.subi %get3A_236, %sub3A_238 : vector<16xi32>
      %ge3A_240 = arith.constant 0 : i32
      %ge3A_241 = vector.broadcast %ge3A_240 : i32 to vector<16xi32>
      %ge3A_242 = arith.cmpi sge, %sub3A_239, %ge3A_241 : vector<16xi32>
      %lt3A_243 = arith.constant 8192 : i32
      %lt3A_244 = vector.broadcast %lt3A_243 : i32 to vector<16xi32>
      %lt3A_245 = arith.cmpi slt, %sub3A_239, %lt3A_244 : vector<16xi32>
      %and3A_246 = arith.andi %ge3A_242, %lt3A_245 : vector<16xi1>
      %jit3A_247 = arith.constant 8192 : i32
      %broadcast_in_dim3A_248 = vector.broadcast %jit3A_247 : i32 to vector<16xi32>
      %select_n3A_249 = arith.select %and3A_246, %sub3A_239, %broadcast_in_dim3A_248 : vector<16xi1>, vector<16xi32>
      %swap3A_250 = arith.constant 80 : index
      %swap3A_251 = tpu.vector_load %arg7[%swap3A_250] {strides = array<i32>} : memref<128xi32, #tpu.memory_space<vmem>>, vector<16xi32>,
      tpu.vector_store %arg7[%swap3A_250], %select_n3A_249 {strides = array<i32>} : memref<128xi32, #tpu.memory_space<vmem>>, vector<16xi32>,
      %mul3A_252 = arith.constant 128 : i32
      %mul3A_253 = arith.muli %while3A_123, %mul3A_252 : i32
      %add3A_254 = arith.constant 96 : i32
      %add3A_255 = arith.addi %mul3A_253, %add3A_254 : i32
      %get3A_256 = arith.index_cast %add3A_255 : i32 to index
      %get3A_257 = tpu.vector_load %arg6[%get3A_256] {strides = array<i32>} : memref<2048xi32, #tpu.memory_space<vmem>>, vector<16xi32>,
      %sub3A_258 = arith.constant 8192 : i32
      %sub3A_259 = vector.broadcast %sub3A_258 : i32 to vector<16xi32>
      %sub3A_260 = arith.subi %get3A_257, %sub3A_259 : vector<16xi32>
      %ge3A_261 = arith.constant 0 : i32
      %ge3A_262 = vector.broadcast %ge3A_261 : i32 to vector<16xi32>
      %ge3A_263 = arith.cmpi sge, %sub3A_260, %ge3A_262 : vector<16xi32>
      %lt3A_264 = arith.constant 8192 : i32
      %lt3A_265 = vector.broadcast %lt3A_264 : i32 to vector<16xi32>
      %lt3A_266 = arith.cmpi slt, %sub3A_260, %lt3A_265 : vector<16xi32>
      %and3A_267 = arith.andi %ge3A_263, %lt3A_266 : vector<16xi1>
      %jit3A_268 = arith.constant 8192 : i32
      %broadcast_in_dim3A_269 = vector.broadcast %jit3A_268 : i32 to vector<16xi32>
      %select_n3A_270 = arith.select %and3A_267, %sub3A_260, %broadcast_in_dim3A_269 : vector<16xi1>, vector<16xi32>
      %swap3A_271 = arith.constant 96 : index
      %swap3A_272 = tpu.vector_load %arg7[%swap3A_271] {strides = array<i32>} : memref<128xi32, #tpu.memory_space<vmem>>, vector<16xi32>,
      tpu.vector_store %arg7[%swap3A_271], %select_n3A_270 {strides = array<i32>} : memref<128xi32, #tpu.memory_space<vmem>>, vector<16xi32>,
      %mul3A_273 = arith.constant 128 : i32
      %mul3A_274 = arith.muli %while3A_123, %mul3A_273 : i32
      %add3A_275 = arith.constant 112 : i32
      %add3A_276 = arith.addi %mul3A_274, %add3A_275 : i32
      %get3A_277 = arith.index_cast %add3A_276 : i32 to index
      %get3A_278 = tpu.vector_load %arg6[%get3A_277] {strides = array<i32>} : memref<2048xi32, #tpu.memory_space<vmem>>, vector<16xi32>,
      %sub3A_279 = arith.constant 8192 : i32
      %sub3A_280 = vector.broadcast %sub3A_279 : i32 to vector<16xi32>
      %sub3A_281 = arith.subi %get3A_278, %sub3A_280 : vector<16xi32>
      %ge3A_282 = arith.constant 0 : i32
      %ge3A_283 = vector.broadcast %ge3A_282 : i32 to vector<16xi32>
      %ge3A_284 = arith.cmpi sge, %sub3A_281, %ge3A_283 : vector<16xi32>
      %lt3A_285 = arith.constant 8192 : i32
      %lt3A_286 = vector.broadcast %lt3A_285 : i32 to vector<16xi32>
      %lt3A_287 = arith.cmpi slt, %sub3A_281, %lt3A_286 : vector<16xi32>
      %and3A_288 = arith.andi %ge3A_284, %lt3A_287 : vector<16xi1>
      %jit3A_289 = arith.constant 8192 : i32
      %broadcast_in_dim3A_290 = vector.broadcast %jit3A_289 : i32 to vector<16xi32>
      %select_n3A_291 = arith.select %and3A_288, %sub3A_281, %broadcast_in_dim3A_290 : vector<16xi1>, vector<16xi32>
      %swap3A_292 = arith.constant 112 : index
      %swap3A_293 = tpu.vector_load %arg7[%swap3A_292] {strides = array<i32>} : memref<128xi32, #tpu.memory_space<vmem>>, vector<16xi32>,
      tpu.vector_store %arg7[%swap3A_292], %select_n3A_291 {strides = array<i32>} : memref<128xi32, #tpu.memory_space<vmem>>, vector<16xi32>,
      "tpu.region"() ({
        %run_scoped3A = tpu.sem_alloc : memref<!tpu.dma_semaphore, #tpu.memory_space<semaphore_mem>>
        %dma_start3A = arith.constant 0 : i32
        %dma_start3A_295 = arith.constant 0 : i32
        %dma_start3A_296 = tpu.memref_slice %arg5[%dma_start3A, %dma_start3A_295] : memref<8320x128xf32, #tpu.memory_space<vmem_shared>> -> memref<8320x128xf32, #tpu.memory_space<vmem_shared>>
        tpu.enqueue_indirect_dma source(%arg8 : memref<128x128xf32, #tpu.memory_space<vmem>>) target(%dma_start3A_296 : memref<8320x128xf32, #tpu.memory_space<vmem_shared>>) offsets(%arg7 : memref<128xi32, #tpu.memory_space<vmem>>) semaphore(%run_scoped3A : memref<!tpu.dma_semaphore, #tpu.memory_space<semaphore_mem>>) {add = true}
        %dma_wait3A = arith.constant 0 : i32
        %dma_wait3A_297 = arith.constant 0 : i32
        %dma_wait3A_298 = tpu.memref_slice %arg5[%dma_wait3A, %dma_wait3A_297] : memref<8320x128xf32, #tpu.memory_space<vmem_shared>> -> memref<8320x128xf32, #tpu.memory_space<vmem_shared>>
        tpu.wait_indirect_dma semaphore(%run_scoped3A : memref<!tpu.dma_semaphore, #tpu.memory_space<semaphore_mem>>) src(%arg8 : memref<128x128xf32, #tpu.memory_space<vmem>>) dst(%dma_wait3A_298 : memref<8320x128xf32, #tpu.memory_space<vmem_shared>>)
        tpu.yield
      }) : () -> ()
      %while3A_294 = arith.constant 0 : i32
      scf.yield %while3A_294 : i32
    }
    %barrier3A_112 = arith.constant 0 : index
    tpu.barrier barrier_id(%barrier3A_112)
    %mul3A_113 = arith.constant 512 : i32
    %mul3A_114 = arith.muli %arg1, %mul3A_113 : i32
    %mul3A_115 = arith.constant 16384 : i32
    %mul3A_116 = arith.muli %arg0, %mul3A_115 : i32
    %add3A_117 = arith.constant 8192 : i32
    %add3A_118 = arith.addi %mul3A_116, %add3A_117 : i32
    %mul3A_119 = arith.constant 512 : i32
    %mul3A_120 = arith.muli %arg1, %mul3A_119 : i32
    %add3A_121 = arith.addi %add3A_118, %mul3A_120 : i32
    "tpu.region"() ({
      %run_scoped3A = tpu.sem_alloc : memref<!tpu.dma_semaphore, #tpu.memory_space<semaphore_mem>>
      %dma_start3A = arith.constant 0 : i32
      %dma_start3A_123 = tpu.memref_slice %arg4[%add3A_121, %dma_start3A] : memref<32768x128xf32, #tpu.memory_space<hbm>> -> memref<512x128xf32, #tpu.memory_space<hbm>>
      %dma_start3A_124 = arith.constant 0 : i32
      %dma_start3A_125 = tpu.memref_slice %arg5[%mul3A_114, %dma_start3A_124] : memref<8320x128xf32, #tpu.memory_space<vmem_shared>> -> memref<512x128xf32, #tpu.memory_space<vmem_shared>>
      tpu.enqueue_dma source(%dma_start3A_125 : memref<512x128xf32, #tpu.memory_space<vmem_shared>>) target(%dma_start3A_123 : memref<512x128xf32, #tpu.memory_space<hbm>>) target_semaphore(%run_scoped3A : memref<!tpu.dma_semaphore, #tpu.memory_space<semaphore_mem>>)
      %dma_wait3A = arith.constant 0 : i32
      %dma_wait3A_126 = tpu.memref_slice %arg4[%add3A_121, %dma_wait3A] : memref<32768x128xf32, #tpu.memory_space<hbm>> -> memref<512x128xf32, #tpu.memory_space<hbm>>
      %dma_wait3A_127 = arith.constant 0 : i32
      %dma_wait3A_128 = tpu.memref_slice %arg5[%mul3A_114, %dma_wait3A_127] : memref<8320x128xf32, #tpu.memory_space<vmem_shared>> -> memref<512x128xf32, #tpu.memory_space<vmem_shared>>
      tpu.wait_dma2 semaphore(%run_scoped3A : memref<!tpu.dma_semaphore, #tpu.memory_space<semaphore_mem>>) src(%dma_wait3A_128 : memref<512x128xf32, #tpu.memory_space<vmem_shared>>) dst(%dma_wait3A_126 : memref<512x128xf32, #tpu.memory_space<hbm>>)
      tpu.yield
    }) : () -> ()
    %barrier3A_122 = arith.constant 0 : index
    tpu.barrier barrier_id(%barrier3A_122)
    return
  }
}

module attributes {stable_mosaic.version = 14 : i64} {
  func.func @body(%arg0: i32, %arg1: i32, %arg2: memref<2048x128xf32, #tpu.memory_space<vmem>>, %arg3: memref<1x128x512xf32, #tpu.memory_space<vmem>>, %arg4: memref<1x512x128xf32, #tpu.memory_space<vmem>>, %arg5: memref<16x128xf32, #tpu.memory_space<vmem>>, %arg6: memref<2048x128xf32, #tpu.memory_space<vmem>>) attributes {dimension_semantics = [#tpu.dimension_semantics<arbitrary>, #tpu.dimension_semantics<arbitrary>], iteration_bounds = array<i64: 2, 16>, scalar_prefetch = 0 : i64, scratch_operands = 0 : i64, tpu.core_type = #tpu.core_type<tc>, window_params = [{transform_indices = @transform_0, window_bounds = array<i64: 2048, 128>}, {transform_indices = @transform_1, window_bounds = array<i64: 1, 128, 512>}, {transform_indices = @transform_2, window_bounds = array<i64: 1, 512, 128>}, {pipeline_mode = #tpu.pipeline_mode<synchronous>, transform_indices = @transform_3, window_bounds = array<i64: 16, 128>}, {transform_indices = @transform_4, window_bounds = array<i64: 2048, 128>}]} {
    %get3A = arith.constant 0 : index
    %get3A_0 = arith.constant 0 : index
    %get3A_1 = vector.load %arg2[%get3A, %get3A_0] : memref<2048x128xf32, #tpu.memory_space<vmem>>, vector<2048x128xf32>
    %get3A_2 = arith.constant 0 : index
    %get3A_3 = arith.constant 0 : index
    %get3A_4 = vector.load %arg5[%get3A_2, %get3A_3] : memref<16x128xf32, #tpu.memory_space<vmem>>, vector<16x128xf32>
    %dot_general3A = arith.constant dense<0.000000e+00> : vector<2048x16xf32>
    %dot_general3A_5 = tpu.matmul %get3A_1, %get3A_4, %dot_general3A {dimension_numbers = #tpu.dot_dimension_numbers<[1], [1], [0], [0], [0, 0, 1, 0], [], []>, transpose_lhs_hint = false} : vector<2048x128xf32>, vector<16x128xf32>, vector<2048x16xf32> -> vector<2048x16xf32>
    %reduce_max3A = arith.constant dense<0xFF800000> : vector<2048xf32>
    %reduce_max3A_6 = vector.multi_reduction <maximumf>, %dot_general3A_5, %reduce_max3A [1] : vector<2048x16xf32> to vector<2048xf32>
    %broadcast_in_dim3A = vector.shape_cast %reduce_max3A_6 : vector<2048xf32> to vector<2048x1xf32>
    %sub3A = vector.broadcast %broadcast_in_dim3A : vector<2048x1xf32> to vector<2048x16xf32>
    %sub3A_7 = arith.subf %dot_general3A_5, %sub3A : vector<2048x16xf32>
    %exp3A = math.exp %sub3A_7 : vector<2048x16xf32>
    %iota3A = tpu.iota {dimensions = array<i32: 1>} : vector<2048x16xi32>
    %eq3A = vector.broadcast %arg1 : i32 to vector<2048x16xi32>
    %eq3A_8 = arith.cmpi eq, %iota3A, %eq3A : vector<2048x16xi32>
    %jit3A = arith.constant 0.000000e+00 : f32
    %broadcast_in_dim3A_9 = vector.broadcast %jit3A : f32 to vector<2048x16xf32>
    %select_n3A = arith.select %eq3A_8, %exp3A, %broadcast_in_dim3A_9 : vector<2048x16xi1>, vector<2048x16xf32>
    %reduce_sum3A = arith.constant dense<0.000000e+00> : vector<2048xf32>
    %reduce_sum3A_10 = vector.multi_reduction <add>, %select_n3A, %reduce_sum3A [1] : vector<2048x16xf32> to vector<2048xf32>
    %broadcast_in_dim3A_11 = vector.shape_cast %reduce_sum3A_10 : vector<2048xf32> to vector<2048x1xf32>
    %reduce_sum3A_12 = arith.constant dense<0.000000e+00> : vector<2048xf32>
    %reduce_sum3A_13 = vector.multi_reduction <add>, %exp3A, %reduce_sum3A_12 [1] : vector<2048x16xf32> to vector<2048xf32>
    %broadcast_in_dim3A_14 = vector.shape_cast %reduce_sum3A_13 : vector<2048xf32> to vector<2048x1xf32>
    %div3A = arith.divf %broadcast_in_dim3A_11, %broadcast_in_dim3A_14 : vector<2048x1xf32>
    %convert_element_type3A = arith.truncf %get3A_1 : vector<2048x128xf32> to vector<2048x128xbf16>
    %get3A_15 = arith.constant 0 : index
    %get3A_16 = arith.constant 0 : index
    %get3A_17 = arith.constant 0 : index
    %get3A_18 = vector.load %arg3[%get3A_15, %get3A_16, %get3A_17] : memref<1x128x512xf32, #tpu.memory_space<vmem>>, vector<1x128x512xf32>
    %get3A_19 = vector.shape_cast %get3A_18 : vector<1x128x512xf32> to vector<128x512xf32>
    %convert_element_type3A_20 = arith.truncf %get3A_19 : vector<128x512xf32> to vector<128x512xbf16>
    %dot_general3A_21 = arith.constant dense<0.000000e+00> : vector<2048x512xf32>
    %dot_general3A_22 = tpu.matmul %convert_element_type3A, %convert_element_type3A_20, %dot_general3A_21 {dimension_numbers = #tpu.dot_dimension_numbers<[1], [0], [0], [1], [0, 0, 1, 1], [], []>, transpose_lhs_hint = false} : vector<2048x128xbf16>, vector<128x512xbf16>, vector<2048x512xf32> -> vector<2048x512xf32>
    %neg3A = arith.constant 0.000000e+00 : f32
    %neg3A_23 = vector.broadcast %neg3A : f32 to vector<2048x512xf32>
    %neg3A_24 = arith.subf %neg3A_23, %dot_general3A_22 : vector<2048x512xf32>
    %exp3A_25 = math.exp %neg3A_24 : vector<2048x512xf32>
    %add3A = arith.constant 1.000000e+00 : f32
    %add3A_26 = vector.broadcast %add3A : f32 to vector<2048x512xf32>
    %add3A_27 = arith.addf %add3A_26, %exp3A_25 : vector<2048x512xf32>
    %div3A_28 = arith.constant 1.000000e+00 : f32
    %div3A_29 = vector.broadcast %div3A_28 : f32 to vector<2048x512xf32>
    %div3A_30 = arith.divf %div3A_29, %add3A_27 : vector<2048x512xf32>
    %mul3A = arith.mulf %dot_general3A_22, %div3A_30 : vector<2048x512xf32>
    %convert_element_type3A_31 = arith.truncf %mul3A : vector<2048x512xf32> to vector<2048x512xbf16>
    %get3A_32 = arith.constant 0 : index
    %get3A_33 = arith.constant 0 : index
    %get3A_34 = arith.constant 0 : index
    %get3A_35 = vector.load %arg4[%get3A_32, %get3A_33, %get3A_34] : memref<1x512x128xf32, #tpu.memory_space<vmem>>, vector<1x512x128xf32>
    %get3A_36 = vector.shape_cast %get3A_35 : vector<1x512x128xf32> to vector<512x128xf32>
    %convert_element_type3A_37 = arith.truncf %get3A_36 : vector<512x128xf32> to vector<512x128xbf16>
    %dot_general3A_38 = arith.constant dense<0.000000e+00> : vector<2048x128xf32>
    %dot_general3A_39 = tpu.matmul %convert_element_type3A_31, %convert_element_type3A_37, %dot_general3A_38 {dimension_numbers = #tpu.dot_dimension_numbers<[1], [0], [0], [1], [0, 0, 1, 1], [], []>, transpose_lhs_hint = false} : vector<2048x512xbf16>, vector<512x128xbf16>, vector<2048x128xf32> -> vector<2048x128xf32>
    %mul3A_40 = vector.broadcast %div3A : vector<2048x1xf32> to vector<2048x128xf32>
    %mul3A_41 = arith.mulf %dot_general3A_39, %mul3A_40 : vector<2048x128xf32>
    %swap3A = arith.constant 0 : index
    %swap3A_42 = arith.constant 0 : index
    %swap3A_43 = vector.load %arg6[%swap3A, %swap3A_42] : memref<2048x128xf32, #tpu.memory_space<vmem>>, vector<2048x128xf32>
    tpu.vector_store %arg6[%swap3A, %swap3A_42], %mul3A_41 {strides = array<i32>} : memref<2048x128xf32, #tpu.memory_space<vmem>>, vector<2048x128xf32>,
    return
  }
  func.func @transform_0(%arg0: i32, %arg1: i32) -> (i32, i32) {
    %mul3A = arith.constant 16 : i32
    %mul3A_0 = arith.muli %arg0, %mul3A : i32
    %add3A = arith.addi %mul3A_0, %arg1 : i32
    %c0_i32 = arith.constant 0 : i32
    %c0_i32_1 = arith.constant 0 : i32
    return %add3A, %c0_i32 : i32, i32
  }
  func.func @transform_1(%arg0: i32, %arg1: i32) -> (i32, i32, i32) {
    %c0_i32 = arith.constant 0 : i32
    %c0_i32_0 = arith.constant 0 : i32
    %c0_i32_1 = arith.constant 0 : i32
    return %arg1, %c0_i32, %c0_i32_0 : i32, i32, i32
  }
  func.func @transform_2(%arg0: i32, %arg1: i32) -> (i32, i32, i32) {
    %c0_i32 = arith.constant 0 : i32
    %c0_i32_0 = arith.constant 0 : i32
    %c0_i32_1 = arith.constant 0 : i32
    return %arg1, %c0_i32, %c0_i32_0 : i32, i32, i32
  }
  func.func @transform_3(%arg0: i32, %arg1: i32) -> (i32, i32) {
    %c0_i32 = arith.constant 0 : i32
    %c0_i32_0 = arith.constant 0 : i32
    %c0_i32_1 = arith.constant 0 : i32
    return %c0_i32, %c0_i32_0 : i32, i32
  }
  func.func @transform_4(%arg0: i32, %arg1: i32) -> (i32, i32) {
    %mul3A = arith.constant 16 : i32
    %mul3A_0 = arith.muli %arg0, %mul3A : i32
    %add3A = arith.addi %mul3A_0, %arg1 : i32
    %c0_i32 = arith.constant 0 : i32
    %c0_i32_1 = arith.constant 0 : i32
    return %add3A, %c0_i32 : i32, i32
  }
}

module attributes {stable_mosaic.version = 14 : i64} {
  func.func @body(%arg0: i32, %arg1: i32, %arg2: memref<2048x128xf32, #tpu.memory_space<vmem>>, %arg3: memref<1024x1024xf32, #tpu.memory_space<vmem>>, %arg4: memref<1x256x1024xf32, #tpu.memory_space<vmem>>) attributes {dimension_semantics = [#tpu.dimension_semantics<arbitrary>, #tpu.dimension_semantics<arbitrary>], iteration_bounds = array<i64: 2, 8>, scalar_prefetch = 0 : i64, scratch_operands = 0 : i64, tpu.core_type = #tpu.core_type<tc>, window_params = [{transform_indices = @transform_0, window_bounds = array<i64: 2048, 128>}, {pipeline_mode = #tpu.pipeline_mode<synchronous>, transform_indices = @transform_1, window_bounds = array<i64: 1024, 1024>}, {transform_indices = @transform_2, window_bounds = array<i64: 1, 256, 1024>}]} {
    %get3A = arith.constant 0 : index
    %get3A_0 = arith.constant 0 : index
    %get3A_1 = vector.load %arg2[%get3A, %get3A_0] : memref<2048x128xf32, #tpu.memory_space<vmem>>, vector<2048x128xf32>
    %reshape3A = vector.shape_cast %get3A_1 : vector<2048x128xf32> to vector<256x1024xf32>
    %convert_element_type3A = arith.truncf %reshape3A : vector<256x1024xf32> to vector<256x1024xbf16>
    %get3A_2 = arith.constant 0 : index
    %get3A_3 = arith.constant 0 : index
    %get3A_4 = vector.load %arg3[%get3A_2, %get3A_3] : memref<1024x1024xf32, #tpu.memory_space<vmem>>, vector<1024x1024xf32>
    %convert_element_type3A_5 = arith.truncf %get3A_4 : vector<1024x1024xf32> to vector<1024x1024xbf16>
    %dot_general3A = arith.constant dense<0.000000e+00> : vector<256x1024xf32>
    %dot_general3A_6 = tpu.matmul %convert_element_type3A, %convert_element_type3A_5, %dot_general3A {dimension_numbers = #tpu.dot_dimension_numbers<[1], [0], [0], [1], [0, 0, 1, 1], [], []>, transpose_lhs_hint = false} : vector<256x1024xbf16>, vector<1024x1024xbf16>, vector<256x1024xf32> -> vector<256x1024xf32>
    %swap3A = arith.constant 0 : index
    %swap3A_7 = arith.constant 0 : index
    %swap3A_8 = arith.constant 0 : index
    %swap3A_9 = vector.load %arg4[%swap3A, %swap3A_7, %swap3A_8] : memref<1x256x1024xf32, #tpu.memory_space<vmem>>, vector<1x256x1024xf32>
    %swap3A_10 = vector.shape_cast %swap3A_9 : vector<1x256x1024xf32> to vector<256x1024xf32>
    %swap3A_11 = vector.shape_cast %dot_general3A_6 : vector<256x1024xf32> to vector<1x256x1024xf32>
    tpu.vector_store %arg4[%swap3A, %swap3A_7, %swap3A_8], %swap3A_11 {strides = array<i32>} : memref<1x256x1024xf32, #tpu.memory_space<vmem>>, vector<1x256x1024xf32>,
    return
  }
  func.func @transform_0(%arg0: i32, %arg1: i32) -> (i32, i32) {
    %mul3A = arith.constant 8 : i32
    %mul3A_0 = arith.muli %arg0, %mul3A : i32
    %add3A = arith.addi %mul3A_0, %arg1 : i32
    %c0_i32 = arith.constant 0 : i32
    %c0_i32_1 = arith.constant 0 : i32
    return %add3A, %c0_i32 : i32, i32
  }
  func.func @transform_1(%arg0: i32, %arg1: i32) -> (i32, i32) {
    %c0_i32 = arith.constant 0 : i32
    %c0_i32_0 = arith.constant 0 : i32
    %c0_i32_1 = arith.constant 0 : i32
    return %c0_i32, %c0_i32_0 : i32, i32
  }
  func.func @transform_2(%arg0: i32, %arg1: i32) -> (i32, i32, i32) {
    %c0_i32 = arith.constant 0 : i32
    %c0_i32_0 = arith.constant 0 : i32
    return %arg0, %arg1, %c0_i32 : i32, i32, i32
  }
}

module attributes {stable_mosaic.version = 14 : i64} {
  func.func @body(%arg0: i32, %arg1: i32, %arg2: memref<1x256x1024xf32, #tpu.memory_space<vmem>>, %arg3: memref<1024x1024xf32, #tpu.memory_space<vmem>>, %arg4: memref<16x128xf32, #tpu.memory_space<vmem>>, %arg5: memref<2048x128xf32, #tpu.memory_space<vmem>>, %arg6: memref<16x2048xf32, #tpu.memory_space<vmem>>) attributes {dimension_semantics = [#tpu.dimension_semantics<arbitrary>, #tpu.dimension_semantics<arbitrary>], iteration_bounds = array<i64: 2, 8>, scalar_prefetch = 0 : i64, scratch_operands = 0 : i64, tpu.core_type = #tpu.core_type<tc>, window_params = [{transform_indices = @transform_0, window_bounds = array<i64: 1, 256, 1024>}, {pipeline_mode = #tpu.pipeline_mode<synchronous>, transform_indices = @transform_1, window_bounds = array<i64: 1024, 1024>}, {pipeline_mode = #tpu.pipeline_mode<synchronous>, transform_indices = @transform_2, window_bounds = array<i64: 16, 128>}, {transform_indices = @transform_3, window_bounds = array<i64: 2048, 128>}, {transform_indices = @transform_4, window_bounds = array<i64: 16, 2048>}]} {
    %get3A = arith.constant 0 : index
    %get3A_0 = arith.constant 0 : index
    %get3A_1 = arith.constant 0 : index
    %get3A_2 = vector.load %arg2[%get3A, %get3A_0, %get3A_1] : memref<1x256x1024xf32, #tpu.memory_space<vmem>>, vector<1x256x1024xf32>
    %get3A_3 = vector.shape_cast %get3A_2 : vector<1x256x1024xf32> to vector<256x1024xf32>
    %get3A_4 = arith.constant 0 : index
    %get3A_5 = arith.constant 0 : index
    %get3A_6 = vector.load %arg3[%get3A_4, %get3A_5] : memref<1024x1024xf32, #tpu.memory_space<vmem>>, vector<1024x1024xf32>
    %dot_general3A = arith.constant dense<0.000000e+00> : vector<256x1024xf32>
    %dot_general3A_7 = tpu.matmul %get3A_3, %get3A_6, %dot_general3A {dimension_numbers = #tpu.dot_dimension_numbers<[1], [0], [0], [1], [0, 0, 1, 1], [], []>, transpose_lhs_hint = false} : vector<256x1024xf32>, vector<1024x1024xf32>, vector<256x1024xf32> -> vector<256x1024xf32>
    %reshape3A = vector.shape_cast %dot_general3A_7 : vector<256x1024xf32> to vector<2048x128xf32>
    %swap3A = arith.constant 0 : index
    %swap3A_8 = arith.constant 0 : index
    %swap3A_9 = vector.load %arg5[%swap3A, %swap3A_8] : memref<2048x128xf32, #tpu.memory_space<vmem>>, vector<2048x128xf32>
    tpu.vector_store %arg5[%swap3A, %swap3A_8], %reshape3A {strides = array<i32>} : memref<2048x128xf32, #tpu.memory_space<vmem>>, vector<2048x128xf32>,
    %get3A_10 = arith.constant 0 : index
    %get3A_11 = arith.constant 0 : index
    %get3A_12 = vector.load %arg4[%get3A_10, %get3A_11] : memref<16x128xf32, #tpu.memory_space<vmem>>, vector<16x128xf32>
    %dot_general3A_13 = arith.constant dense<0.000000e+00> : vector<16x2048xf32>
    %dot_general3A_14 = tpu.matmul %get3A_12, %reshape3A, %dot_general3A_13 {dimension_numbers = #tpu.dot_dimension_numbers<[1], [1], [0], [0], [0, 0, 1, 0], [], []>, transpose_lhs_hint = false} : vector<16x128xf32>, vector<2048x128xf32>, vector<16x2048xf32> -> vector<16x2048xf32>
    %reduce_max3A = arith.constant dense<0xFF800000> : vector<2048xf32>
    %reduce_max3A_15 = vector.multi_reduction <maximumf>, %dot_general3A_14, %reduce_max3A [0] : vector<16x2048xf32> to vector<2048xf32>
    %broadcast_in_dim3A = vector.shape_cast %reduce_max3A_15 : vector<2048xf32> to vector<1x2048xf32>
    %sub3A = vector.broadcast %broadcast_in_dim3A : vector<1x2048xf32> to vector<16x2048xf32>
    %sub3A_16 = arith.subf %dot_general3A_14, %sub3A : vector<16x2048xf32>
    %exp3A = math.exp %sub3A_16 : vector<16x2048xf32>
    %reduce_sum3A = arith.constant dense<0.000000e+00> : vector<2048xf32>
    %reduce_sum3A_17 = vector.multi_reduction <add>, %exp3A, %reduce_sum3A [0] : vector<16x2048xf32> to vector<2048xf32>
    %broadcast_in_dim3A_18 = vector.shape_cast %reduce_sum3A_17 : vector<2048xf32> to vector<1x2048xf32>
    %div3A = vector.broadcast %broadcast_in_dim3A_18 : vector<1x2048xf32> to vector<16x2048xf32>
    %div3A_19 = arith.divf %exp3A, %div3A : vector<16x2048xf32>
    %swap3A_20 = arith.constant 0 : index
    %swap3A_21 = arith.constant 0 : index
    %swap3A_22 = vector.load %arg6[%swap3A_20, %swap3A_21] : memref<16x2048xf32, #tpu.memory_space<vmem>>, vector<16x2048xf32>
    tpu.vector_store %arg6[%swap3A_20, %swap3A_21], %div3A_19 {strides = array<i32>} : memref<16x2048xf32, #tpu.memory_space<vmem>>, vector<16x2048xf32>,
    return
  }
  func.func @transform_0(%arg0: i32, %arg1: i32) -> (i32, i32, i32) {
    %c0_i32 = arith.constant 0 : i32
    %c0_i32_0 = arith.constant 0 : i32
    return %arg0, %arg1, %c0_i32 : i32, i32, i32
  }
  func.func @transform_1(%arg0: i32, %arg1: i32) -> (i32, i32) {
    %c0_i32 = arith.constant 0 : i32
    %c0_i32_0 = arith.constant 0 : i32
    %c0_i32_1 = arith.constant 0 : i32
    return %c0_i32, %c0_i32_0 : i32, i32
  }
  func.func @transform_2(%arg0: i32, %arg1: i32) -> (i32, i32) {
    %c0_i32 = arith.constant 0 : i32
    %c0_i32_0 = arith.constant 0 : i32
    %c0_i32_1 = arith.constant 0 : i32
    return %c0_i32, %c0_i32_0 : i32, i32
  }
  func.func @transform_3(%arg0: i32, %arg1: i32) -> (i32, i32) {
    %mul3A = arith.constant 8 : i32
    %mul3A_0 = arith.muli %arg0, %mul3A : i32
    %add3A = arith.addi %mul3A_0, %arg1 : i32
    %c0_i32 = arith.constant 0 : i32
    %c0_i32_1 = arith.constant 0 : i32
    return %add3A, %c0_i32 : i32, i32
  }
  func.func @transform_4(%arg0: i32, %arg1: i32) -> (i32, i32) {
    %c0_i32 = arith.constant 0 : i32
    return %arg0, %arg1 : i32, i32
  }
}

</mosaic_0001>

<sc_bundles>
// kernel: kernel.10.cloned.1.call-start
scs
__scs_entry_jumppad:
0x0: {  	(pc) =	sbr.rel $0x88, $3  }
0x1: {  	(tag) =	ssettag $0x0;
	lr =	simm.s32 $0x1  }
0x2: {  	[smem:$0x3F9B] =	sst lr;
	_ =	strace $0xD0000000  }
0x3: {  	_ = 	snop  }
0x4: {  	_ = 	snop  }
0x5: {  	_ = 	snop  }
0x6: {  	_ = 	snop  }
0x7: {  	_ = 	snop  }
__scs_overlays_trampoline_lowered:
0x8: {  	[smem:$0x3FAA] =	sst s0  }
0x9: {  	[smem:$0x3FAB] =	sst s1  }
0xa: {  	[smem:$0x3FAC] =	sst s2  }
0xb: {  	[smem:$0x3FAD] =	sst s3  }
0xc: {  	[smem:$0x3FAE] =	sst s4  }
0xd: {  	[smem:$0x3FAF] =	sst s5  }
0xe: {  	[smem:$0x3FB0] =	sst s6  }
0xf: {  	[smem:$0x3FB1] =	sst s7  }
0x10: {  	[smem:$0x3FB2] =	sst s8  }
0x11: {  	[smem:$0x3FB3] =	sst s9;
	s0 =	simm.s32 @!p0 $0x0  }
0x12: {  	s1 =	sld [smem:$0x3F99];
	s0 =	simm.s32 @p0 $0x1  }
0x13: {  	[smem:$0x3FB4] =	sst s0;
	s0 =	simm.s32 @!p1 $0x0  }
0x14: {  	s2 =	sld [smem:$0x3F98];
	s0 =	simm.s32 @p1 $0x1  }
0x15: {  	[smem:$0x3FB5] =	sst s0;
	s0 =	simm.s32 @!p2 $0x0  }
0x16: {  	s3 =	sld [smem:$0x3FDB];
	s0 =	simm.s32 @p2 $0x1  }
0x17: {  	s4 =	simm.s32 $0x1BF5;
	[smem:$0x3FB7] =	sst s0  }
0x18: {  	s0 =	sld [smem:$0x3F9A];
	_ =	swait.ge [sflag:s4], $0x0  }
0x19: {  	s7 =	sld [smem:$0x3F9B]  }
0x1a: {  	s8 =	sadd.s32 $0xFFFFE003, lr  }
0x1b: {  	s9 =	sadd.s32 $0xFFFFFEF7, lr;
	s5 =	simm.s32 $0xFFFFFFFF;
	p2 =	slt.u32 s8, $0xFFFFF086  }
0x1c: {  	p1 =	slt.u32 s9, $0xF7A;
	s5 =	simm.s32 @!p2 $0x0  }
0x1d: {  	s5 =	simm.s32 @p1 $0x1;
	p0 =	seq.s32 s7, s2  }
0x1e: {  	s7 =	smul.u32 @!p0 $0xF7A, s2;
	p2 =	seq.s32 @!p0 s5, $0x0  }
0x1f: {  	s9 =	smul.u32 $0xF7A, s1;
	s8 =	simm.s32 @!p0 $0x1BF5;
	p2 =	por !p2, p0  }
0x20: {  	[sflag:s8] =	ssyncset.s32 @!p0 $0xFFFFF086;
	s6 =	sadd.s32 @!p0 s3, s7;
	s7 =	simm.s32 @!p0 $0x108  }
0x21: {  	s3 =	sadd.s32 s3, s9;
	s6 =	sadd.s32 @!p0 $0x88, s6;
	s7 =	simm.s32 @p2 $0x1082  }
0x22: {  	[simem:s7], [sflag:s8] =	dma.local @!p0 [hbm:s6], $0xF7A  }
0x23: {  	s9 =	sor.u32 $0xD0000000, s2;
	s6 =	simm.s32 $0x108;
	_ =	swait.ge @!p0 [sflag:s8], $0x0  }
0x24: {  	s3 =	sadd.s32 $0x88, s3;
	s6 =	simm.s32 @!p1 $0x1082;
	[sflag:s4] =	ssyncset.s32 $0xFFFFF086  }
0x25: {  	[simem:s6], [sflag:s4] =	dma.local [hbm:s3], $0xF7A  }
0x26: {  	[smem:$0x3F9B] =	sst s1;
	(tag) =	ssettag s2;
	_ =	strace s9  }
0x27: {  	s1 =	sld [smem:$0x3FAB]  }
0x28: {  	s2 =	sld [smem:$0x3FAC]  }
0x29: {  	s4 =	sld [smem:$0x3FAE]  }
0x2a: {  	p0 =	seq.s32 s5, $0x0;
	s5 =	sld [smem:$0x3FAF]  }
0x2b: {  	s6 =	sld [smem:$0x3FB0]  }
0x2c: {  	s7 =	sld [smem:$0x3FB1]  }
0x2d: {  	s3 =	simm.s32 $0x108;
	s8 =	sld [smem:$0x3FB2]  }
0x2e: {  	s3 =	simm.s32 @!p0 $0x1082;
	s9 =	sld [smem:$0x3FB3]  }
0x2f: {  	lr =	sadd.s32 s0, s3;
	s0 =	sld [smem:$0x3FAA]  }
0x30: {  	s3 =	sld [smem:$0x3FAD]  }
0x31: {  	[smem:$0x3FB6] =	sst s10  }
0x32: {  	s10 =	sld [smem:$0x3FB4];
	_ =	sdelay $0x3  }
0x33: {  	p0 =	seq.s32 s10, $0x1;
	s10 =	sld [smem:$0x3FB6];
	_ =	sdelay $0x3  }
0x34: {  	[smem:$0x3FB6] =	sst s10  }
0x35: {  	s10 =	sld [smem:$0x3FB5];
	_ =	sdelay $0x3  }
0x36: {  	p1 =	seq.s32 s10, $0x1;
	s10 =	sld [smem:$0x3FB6];
	_ =	sdelay $0x3  }
0x37: {  	[smem:$0x3FB6] =	sst s10  }
0x38: {  	s10 =	sld [smem:$0x3FB7]  }
0x39: {  	_ = 	snop;
	(pc) =	sbr.ind lr, $3  }
0x3a: {  	_ = 	snop  }
0x3b: {  	_ = 	snop  }
0x3c: {  	p2 =	seq.s32 s10, $0x1;
	s10 =	sld [smem:$0x3FB6]  }
0x3d: {  	_ =	shalt  }
0x3e: {  	_ =	shalt  }
0x3f: {  	_ =	shalt  }
0x40: {  	_ =	shalt  }
0x41: {  	_ =	shalt  }
0x42: {  	_ =	shalt  }
0x43: {  	_ =	shalt  }
0x44: {  	_ =	shalt  }
0x45: {  	_ =	shalt  }
0x46: {  	_ =	shalt  }
0x47: {  	_ =	shalt  }
0x48: {  	_ =	shalt  }
0x49: {  	_ =	shalt  }
0x4a: {  	_ =	shalt  }
0x4b: {  	_ =	shalt  }
0x4c: {  	_ =	shalt  }
0x4d: {  	_ =	shalt  }
0x4e: {  	_ =	shalt  }
0x4f: {  	_ =	shalt  }
0x50: {  	_ =	shalt  }
0x51: {  	_ =	shalt  }
0x52: {  	_ =	shalt  }
0x53: {  	_ =	shalt  }
0x54: {  	_ =	shalt  }
0x55: {  	_ =	shalt  }
0x56: {  	_ =	shalt  }
0x57: {  	_ =	shalt  }
0x58: {  	_ =	shalt  }
0x59: {  	_ =	shalt  }
0x5a: {  	_ =	shalt  }
0x5b: {  	_ =	shalt  }
0x5c: {  	_ =	shalt  }
0x5d: {  	_ =	shalt  }
0x5e: {  	_ =	shalt  }
0x5f: {  	_ =	shalt  }
0x60: {  	_ =	shalt  }
0x61: {  	_ =	shalt  }
0x62: {  	_ =	shalt  }
0x63: {  	_ =	shalt  }
0x64: {  	_ =	shalt  }
0x65: {  	_ =	shalt  }
0x66: {  	_ =	shalt  }
0x67: {  	_ =	shalt  }
0x68: {  	_ =	shalt  }
0x69: {  	_ =	shalt  }
0x6a: {  	_ =	shalt  }
0x6b: {  	_ =	shalt  }
0x6c: {  	_ =	shalt  }
0x6d: {  	_ =	shalt  }
0x6e: {  	_ =	shalt  }
0x6f: {  	_ =	shalt  }
0x70: {  	_ =	shalt  }
0x71: {  	_ =	shalt  }
0x72: {  	_ =	shalt  }
0x73: {  	_ =	shalt  }
0x74: {  	_ =	shalt  }
0x75: {  	_ =	shalt  }
0x76: {  	_ =	shalt  }
0x77: {  	_ =	shalt  }
0x78: {  	_ =	shalt  }
0x79: {  	_ =	shalt  }
0x7a: {  	_ =	shalt  }
0x7b: {  	_ =	shalt  }
0x7c: {  	_ =	shalt  }
0x7d: {  	_ =	shalt  }
0x7e: {  	_ =	shalt  }
0x7f: {  	_ =	shalt  }
0x80: {  	_ =	shalt  }
0x81: {  	_ =	shalt  }
0x82: {  	_ =	shalt  }
0x83: {  	_ =	shalt  }
0x84: {  	_ =	shalt  }
0x85: {  	_ =	shalt  }
0x86: {  	_ =	shalt  }
0x87: {  	_ =	shalt  }
.Lfunc_end0:
.L_simem_size_0:
called_computation.1_lowered:
.L_overlay_start_0:
0x88: {  	s2 =	sld [smem:$0x3FD9]  }
0x89: {  	s3 =	sld [smem:$0x3FFE];
	_ =	sdelay $0x1  }
0x8a: {  	s1 =	srdreg.scid  }
0x8b: {  	s0 =	sand.u32 $0x1, s1  }
0x8c: {  	s17 =	sshll.u32 s0, $0xA;
	s2 =	sadd.s32 s3, s2  }
0x8d: {  	s2 =	sadd.s32 s2, s17  }
0x8e: {  	[smem:$0x3FC2] =	sst s2  }
0x8f: {  	_ = 	snop  }
0x90: {  	s2 =	sld [smem:$0x3FD0];
	(tm) =	ssettm $0x1  }
0x91: {  	s18 =	sld [smem:$0x3FFB];
	_ =	sdelay $0x3  }
0x92: {  	_ =	strace s18  }
0x93: {  	s3 =	sld [smem:$0x3FFC];
	_ =	sdelay $0x3  }
0x94: {  	_ =	strace s3  }
0x95: {  	s3 =	sld [smem:$0x3FFD];
	_ =	sdelay $0x3  }
0x96: {  	_ =	strace s3  }
0x97: {  	_ =	strace $0x8FFFFFFF  }
0x98: {  	s19 =	sld [smem:$0x3FDB];
	_ =	sdelay $0x1  }
0x99: {  	s4 =	simm.s32 $_scs_section_size  }
0x9a: {  	s5 =	simm.s32 $_size__tile_overlayer_lowered;
	s6 =	simm.s32 $_tile_overlayer_lowered  }
0x9b: {  	s22 =	simm.s32 $0x1BFF;
	s21 =	sshll.u32 s6, $0x1;
	s3 =	sadd.s32 s4, s19  }
0x9c: {  	s7 =	simm.s32 $0x0;
	s20 =	sshll.u32 s5, $0x1;
	s5 =	sadd.s32 s21, s3  }
0x9d: {  	[timem:s7], [sflag:s22] =	dma.local [hbm:s5], s20  }
0x9e: {  	_ =	swait.ge [sflag:s22], s20  }
0x9f: {  	s4 =	ssub.s32 $0x0, s20;
	[sflag:s22] =	ssyncset.done $0x0  }
0xa0: {  	[sflag:s22] =	ssyncadd.s32 s4;
	_ =	sdelay $0x1  }
0xa1: {  	s23 =	simm.s32 $0x1B8B  }
0xa2: {  	_ =	swait.ge [sflag:s23], $0x1  }
0xa3: {  	[sflag:s23] =	ssyncset.done $0x0  }
0xa4: {  	s25 =	simm.s32 $0x1B8E;
	s24 =	sld [smem:$0x3FFE];
	[sflag:s23] =	ssyncadd.s32 $0xFFFFFFFF  }
0xa5: {  	s26 =	simm.s32 $execute0_lowered;
	[smem:$0x3FD2] =	sst s25  }
0xa6: {  	s5 =	sshll.u32 s26, $0x1;
	_ =	strace $0x80000049;
	[dreg:$0x1] =	wrdreg $0xFFFFFFFF  }
0xa7: {  	s28 =	simm.s32 $_size_execute0_lowered;
	s3 =	sadd.s32 s3, s5;
	[dreg:$0x0] =	wrdreg $0x0  }
0xa8: {  	s5 =	sshll.u32 s28, $0x1;
	[dreg:$0x2] =	wrdreg s3  }
0xa9: {  	[dreg:$0x3] =	wrdreg s5  }
0xaa: {  	[dreg:$0x4] =	wrdreg $0xC0  }
0xab: {  	_ =	task [dreg:s7], $0x5FFFF  }
0xac: {  	[dreg:$0x1] =	wrdreg $0xFFFFFFFF  }
0xad: {  	[dreg:$0x0] =	wrdreg $0x60  }
0xae: {  	[dreg:$0x2] =	wrdreg s24  }
0xaf: {  	[dreg:$0x3] =	wrdreg s2  }
0xb0: {  	[dreg:$0x4] =	wrdreg $0x0  }
0xb1: {  	[dreg:$0x5] =	wrdreg $0x9  }
0xb2: {  	_ =	task.clear_ibuf [dreg:s7], $0x6FFFF;
	_ =	strace $0x90000049  }
0xb3: {  	s29 =	simm.s32 $0x9;
	_ =	strace $0x8000004B  }
0xb4: {  	_ =	swait.ge [sflag:s29], $0x1  }
0xb5: {  	[sflag:s29] =	ssyncadd.s32 $0xFFFFFFFF  }
0xb6: {  	_ =	strace $0x9000004B  }
0xb7: {  	_ =	sfence  }
0xb8: {  	s30 =	sld [smem:$0x0];
	_ =	sdelay $0x2  }
0xb9: {  	s31 =	sshll.u32 s1, $0xD;
	s1 =	sshrl.u32 s1, $0x2  }
0xba: {  	s3 =	sand.u32 $0x4000, s31;
	s1 =	sadd.s32 s1, s30  }
0xbb: {  	s0 =	sor.u32 s3, s0;
	s1 =	sshll.u32 s1, $0x11  }
0xbc: {  	s0 =	sor.u32 s1, s0  }
0xbd: {  	s0 =	sadd.s32 $0x8F2B, s0  }
0xbe: {  	[sflag:s0] =	ssyncadd.remote.s32 $0x1  }
0xbf: {  	_ =	sfence.sel $0xFFFF  }
0xc0: {  	[dreg:$0x0] =	wrdreg $0xFFFFFFFF;
	(pc) =	sbr.abs _section_cstart, $3  }
0xc1: {  	[dreg:$0x1] =	wrdreg $0xFFFFFFFF  }
0xc2: {  	_ =	task.clear_ibuf [dreg:s7], $0x2FFFF;
	_ =	strace $0x9FFFFFFF  }
0xc3: {  	(tm) =	ssettm $0x7FFFFFFF  }
tec
execute0_lowered:
.L_overlay_start_1:
0x0: {  	(tag) =	ssettag $0x1  }
0x1: {  	s0 =	rddreg [dreg:$0x0]  }
0x2: {  	s2 =	rddreg [dreg:$0x1]  }
0x3: {  	s1 =	rddreg [dreg:$0x2];
	s3 =	simm.s32 $0x0;
	s8 =	stileid.u32  }
0x4: {  	s4 =	srdreg.scid;
	s28 =	simm.s32 $0x1;
	s29 =	simm.s32 $0x14C80  }
0x5: {  	s30 =	simm.s32 $0x10C80;
	s31 =	simm.s32 $0x10C00;
	[smem:$0x7FF] =	sst s3  }
0x6: {  	s5 =	sshll.u32 s8, $0x4;
	s6 =	sshll.u32 s8, $0x8;
	s7 =	sshll.u32 s4, $0xC  }
0x7: {  	s9 =	sand.u32 $0x1, s4;
	s4 =	sadd.s32 $0x113E00, s0;
	s22 =	smul.u32 $0x41000, s8  }
0x8: {  	s23 =	sshll.u32 s8, $0xD;
	s10 =	sshll.u32 s8, $0x12;
	_ =	strace $0x8000004A  }
0x9: {  	s5 =	sand.u32 $0x70, s5;
	s19 =	sor.u32 s6, s7;
	s20 =	ssub.s32 $0x2, s9  }
0xa: {  	s24 =	sshll.u32 s9, $0x12;
	s8 =	sshrl.u32 s10, $0x2;
	s26 =	sshll.u32 s9, $0x16  }
0xb: {  	s5 =	sadd.s32 s5, s0;
	s7 =	sand.u32 $0x1800, s19;
	s21 =	sshrl.u32 s20, $0x1  }
0xc: {  	s6 =	sor.u32 s23, s24;
	s25 =	sadd.s32 s8, s1;
	s5 =	sadd.s32 s7, s5  }
0xd: {  	[dreg:$0x5] =	wrdreg s25;
	s7 =	sadd.s32 s2, s6;
	s5 =	sadd.s32 $0x111E00, s5  }
0xe: {  	s0 =	ssub.s32 s20, s21;
	s2 =	sadd.s32 $0x20000, s7;
	[dreg:$0x4] =	wrdreg s5  }
0xf: {  	s23 =	sor.u32 s10, s26;
	s0 =	smax.u32 s0, $0x1;
	[dreg:$0x6] =	wrdreg s2  }
0x10: {  	s24 =	simm.s32 $0x80;
	s5 =	sshrl.u32 s22, $0x2;
	[dreg:$0x7] =	wrdreg s0  }
.Ltmp0:
0x11: {  	s0 =	simm.s32 $0x0;
	s8 =	sadd.s32 s5, s1;
	(pc) =	sbr.rel .LBB2_1-.Ltmp0, $4  }
0x12: {  	s11 =	sadd.s32 $0x1400, s8;
	s12 =	sadd.s32 $0x2800, s8;
	s13 =	sadd.s32 $0x3C00, s8  }
0x13: {  	s14 =	sadd.s32 $0x5000, s8;
	s15 =	sadd.s32 $0x6400, s8;
	s16 =	sadd.s32 $0x7800, s8  }
0x14: {  	s17 =	sadd.s32 $0x8C00, s8;
	s18 =	sadd.s32 $0xA000, s8;
	s19 =	sadd.s32 $0xB400, s8  }
0x15: {  	v0 =	vimm.s32 $0x0;
	v1 =	vimm.f32 $0.0e+00;
	s20 =	sadd.s32 $0xC800, s8;
	s21 =	sadd.s32 $0xDC00, s8;
	s22 =	sadd.s32 $0xF000, s8  }
.LBB2_14:
0x16: {  	s2 =	smov.u32 s5  }
.LBB2_18:
0x17: {  	s6 =	sadd.s32 s4, s10;
	[sflag:s28] =	ssyncadd.s32 @p0 $0xFFFFC000  }
0x18: {  	[tilespmem:s30], [sflag:$0x1] =	stream.linear.gather [hbm4b:s6+s3], $0x4000, $0x38;
	[tilespmem:$0x16080] =	vst v63  }
0x19: {  	_ =	swait.ge [sflag:s28], $0x4000  }
0x1a: {  	s2 =	sadd.s32 @p0 $0x80, s2;
	[sflag:s28] =	ssyncset.done $0x0  }
0x1b: {  	s5 =	smov.u32 @p0 s2;
	[sflag:s28] =	ssyncadd.s32 $0xFFFFC000  }
0x1c: {  	v2 =	vld [tilespmem:s5+$0xFFFFFFC0];
	_ =	sdelay $0x4  }
0x1d: {  	v3 =	vand.u32 $0xFFFFE000, v2  }
0x1e: {  	v2 =	vadd.s32 $0xFFFFE000, v2;
	vm0 =	veq.s32 v3, $0x2000  }
0x1f: {  	v2 =	vnsel vm0, $0x2000, v2  }
0x20: {  	[tilespmem:$0x10C00] =	vst v2  }
0x21: {  	v2 =	vld [tilespmem:s5+$0xFFFFFFD0];
	_ =	sdelay $0x4  }
0x22: {  	v3 =	vand.u32 $0xFFFFE000, v2  }
0x23: {  	v2 =	vadd.s32 $0xFFFFE000, v2;
	vm9 =	veq.s32 v3, $0x2000  }
0x24: {  	v2 =	vnsel vm9, $0x2000, v2  }
0x25: {  	[tilespmem:$0x10C10] =	vst v2  }
0x26: {  	v2 =	vld [tilespmem:s5+$0xFFFFFFE0];
	_ =	sdelay $0x4  }
0x27: {  	v3 =	vand.u32 $0xFFFFE000, v2  }
0x28: {  	v2 =	vadd.s32 $0xFFFFE000, v2;
	vm10 =	veq.s32 v3, $0x2000  }
0x29: {  	v2 =	vnsel vm10, $0x2000, v2  }
0x2a: {  	[tilespmem:$0x10C20] =	vst v2  }
0x2b: {  	v2 =	vld [tilespmem:s5+$0xFFFFFFF0];
	_ =	sdelay $0x4  }
0x2c: {  	v3 =	vand.u32 $0xFFFFE000, v2  }
0x2d: {  	v2 =	vadd.s32 $0xFFFFE000, v2;
	vm11 =	veq.s32 v3, $0x2000  }
0x2e: {  	v2 =	vnsel vm11, $0x2000, v2  }
0x2f: {  	[tilespmem:$0x10C30] =	vst v2  }
0x30: {  	v2 =	vld [tilespmem:s5+$0x0];
	_ =	sdelay $0x4  }
0x31: {  	v3 =	vand.u32 $0xFFFFE000, v2  }
0x32: {  	v2 =	vadd.s32 $0xFFFFE000, v2;
	vm12 =	veq.s32 v3, $0x2000  }
0x33: {  	v2 =	vnsel vm12, $0x2000, v2  }
0x34: {  	[tilespmem:$0x10C40] =	vst v2  }
0x35: {  	v2 =	vld [tilespmem:s5+$0x10];
	_ =	sdelay $0x4  }
0x36: {  	v3 =	vand.u32 $0xFFFFE000, v2  }
0x37: {  	v2 =	vadd.s32 $0xFFFFE000, v2;
	vm13 =	veq.s32 v3, $0x2000  }
0x38: {  	v2 =	vnsel vm13, $0x2000, v2  }
0x39: {  	[tilespmem:$0x10C50] =	vst v2  }
0x3a: {  	v2 =	vld [tilespmem:s5+$0x20];
	_ =	sdelay $0x4  }
0x3b: {  	v3 =	vand.u32 $0xFFFFE000, v2  }
0x3c: {  	v2 =	vadd.s32 $0xFFFFE000, v2;
	vm14 =	veq.s32 v3, $0x2000  }
0x3d: {  	v2 =	vnsel vm14, $0x2000, v2  }
0x3e: {  	[tilespmem:$0x10C60] =	vst v2  }
0x3f: {  	v2 =	vld [tilespmem:s5+$0x30];
	_ =	sdelay $0x4  }
0x40: {  	v3 =	vand.u32 $0xFFFFE000, v2  }
0x41: {  	v2 =	vadd.s32 $0xFFFFE000, v2;
	vm15 =	veq.s32 v3, $0x2000  }
0x42: {  	v2 =	vnsel vm15, $0x2000, v2  }
0x43: {  	[tilespmem:$0x10C70] =	vst v2  }
0x44: {  	[spmem:s1] =	stream.indirect.scatter.add.f32 [tilespmem:s30], [sflag:$0x1], $0x80, s31, s24, $0xb8;
	[tilespmem:$0x16080] =	vst v63  }
0x45: {  	_ =	swait.ge [sflag:s28], $0x4000  }
0x46: {  	[sflag:s28] =	ssyncset.done $0x0  }
0x47: {  	[sflag:s28] =	ssyncadd.s32 $0xFFFFC000  }
.LBB2_19:
0x48: {  	[bflag:$0x0] =	sbarrier.arrive $0xFFFF  }
0x49: {  	s2 =	rddreg [dreg:$0x6]  }
0x4a: {  	[hbm:s2], [sflag:s25] =	dma.local [spmem:s26], $0x2000  }
0x4b: {  	_ =	swait.ge [sflag:s28], $0x2000  }
0x4c: {  	s0 =	sadd.s32 $0x1, s0;
	s26 =	rddreg [dreg:$0x7]  }
0x4d: {  	p0 =	sne.s32 s0, s26  }
.Ltmp1:
0x4e: {  	_ = 	snop;
	(pc) =	sbr.rel @!p0 .LBB2_20-.Ltmp1, $3  }
0x4f: {  	[sflag:s28] =	ssyncset.done $0x0  }
0x50: {  	[sflag:s28] =	ssyncadd.s32 $0xFFFFE000  }
0x51: {  	[bflag:$0x0] =	sbarrier.arrive $0xFFFF;
	_ =	sdelay $0x1  }
.LBB2_1:
0x52: {  	s2 =	rddreg [dreg:$0x4];
	s5 =	simm.s32 $0x400;
	s6 =	simm.s32 $0x10400  }
0x53: {  	[tilespmem:s6], [sflag:$0x1] =	stream.strided.gather [hbm4b:s2+s24], $0x800, s5, s24, $0x38;
	[tilespmem:$0x16080] =	vst v63  }
0x54: {  	_ =	swait.ge [sflag:s28], $0x800  }
0x55: {  	[sflag:s28] =	ssyncset.done $0x0  }
0x56: {  	s26 =	simm.s32 $0x0;
	[sflag:s28] =	ssyncadd.s32 $0xFFFFF800  }
0x57: {  	v3 =	vld [tilespmem:s26+$0x10400]  }
0x58: {  	v2 =	vimm.s32 $0x0;
	s2 =	simm.s32 $0x40  }
.LBB2_2:
0x59: {  	p0 =	sne.s32 s2, $0x1FC0  }
.Ltmp2:
0x5a: {  	_ = 	snop;
	(pc) =	sbr.rel @p0 .LBB2_2-.Ltmp2, $4  }
0x5b: {  	_ = 	snop  }
0x5c: {  	s5 =	sshra.s32 s2, $0x2;
	s2 =	sadd.s32 $0x40, s2;
	vm0 =	vlt.s32 v3, $0x2000  }
0x5d: {  	v3 =	vld [tilespmem:s5+$0x10400];
	v4 =	vsel vm0, $0x1, v0  }
0x5e: {  	v2 =	vadd.s32 v4, v2  }
0x5f: {  	_ =	sdelay $0x1  }
0x60: {  	s2 =	simm.s32 $0x0  }
0x61: {  	s5 =	sand.u32 $0x7E00, s2;
	vm0 =	vlt.s32 v3, $0x2000  }
0x62: {  	s6 =	sand.u32 $0x70, s2;
	s9 =	sshrl.u32 s5, $0x2;
	v3 =	vsel vm0, $0x1, v0  }
0x63: {  	s5 =	simm.s32 $0x40;
	s6 =	sor.u32 s6, s9;
	v2 =	vadd.s32 v3, v2  }
.LBB2_4:
0x64: {  	p0 =	sne.s32 s5, $0x4FC0  }
0x65: {  	[tilespmem:s6+$0x14C80] =	vst v1;
	s2 =	sadd.s32 $0x10, s2;
	s6 =	smov.u32 s5;
	s5 =	sadd.s32 $0x40, s5  }
.Ltmp3:
0x66: {  	(pc) =	sbr.rel @p0 .LBB2_4-.Ltmp3, $4  }
0x67: {  	_ = 	snop  }
0x68: {  	s6 =	sand.u32 $0x7E00, s6  }
0x69: {  	s9 =	sand.u32 $0x70, s2;
	s6 =	sshrl.u32 s6, $0x2  }
0x6a: {  	s6 =	sor.u32 s9, s6  }
0x6b: {  	[tilespmem:s6+$0x14C80] =	vst v1  }
0x6c: {  	[spmem:s8] =	stream.linear.scatter [tilespmem:s29], [sflag:$0x1], $0x1400, $0x38;
	[tilespmem:$0x16080] =	vst v63  }
0x6d: {  	_ =	swait.ge [sflag:s28], $0x1400  }
0x6e: {  	[sflag:s28] =	ssyncset.done $0x0  }
0x6f: {  	[sflag:s28] =	ssyncadd.s32 $0xFFFFEC00  }
0x70: {  	[spmem:s11] =	stream.linear.scatter [tilespmem:s29], [sflag:$0x1], $0x1400, $0x38;
	[tilespmem:$0x16080] =	vst v63  }
0x71: {  	_ =	swait.ge [sflag:s28], $0x1400  }
0x72: {  	[sflag:s28] =	ssyncset.done $0x0  }
0x73: {  	[sflag:s28] =	ssyncadd.s32 $0xFFFFEC00  }
0x74: {  	[spmem:s12] =	stream.linear.scatter [tilespmem:s29], [sflag:$0x1], $0x1400, $0x38;
	[tilespmem:$0x16080] =	vst v63  }
0x75: {  	_ =	swait.ge [sflag:s28], $0x1400  }
0x76: {  	[sflag:s28] =	ssyncset.done $0x0  }
0x77: {  	[sflag:s28] =	ssyncadd.s32 $0xFFFFEC00  }
0x78: {  	[spmem:s13] =	stream.linear.scatter [tilespmem:s29], [sflag:$0x1], $0x1400, $0x38;
	[tilespmem:$0x16080] =	vst v63  }
0x79: {  	_ =	swait.ge [sflag:s28], $0x1400  }
0x7a: {  	[sflag:s28] =	ssyncset.done $0x0  }
0x7b: {  	[sflag:s28] =	ssyncadd.s32 $0xFFFFEC00  }
0x7c: {  	[spmem:s14] =	stream.linear.scatter [tilespmem:s29], [sflag:$0x1], $0x1400, $0x38;
	[tilespmem:$0x16080] =	vst v63  }
0x7d: {  	_ =	swait.ge [sflag:s28], $0x1400  }
0x7e: {  	[sflag:s28] =	ssyncset.done $0x0  }
0x7f: {  	[sflag:s28] =	ssyncadd.s32 $0xFFFFEC00  }
0x80: {  	[spmem:s15] =	stream.linear.scatter [tilespmem:s29], [sflag:$0x1], $0x1400, $0x38;
	[tilespmem:$0x16080] =	vst v63  }
0x81: {  	_ =	swait.ge [sflag:s28], $0x1400  }
0x82: {  	[sflag:s28] =	ssyncset.done $0x0  }
0x83: {  	[sflag:s28] =	ssyncadd.s32 $0xFFFFEC00  }
0x84: {  	[spmem:s16] =	stream.linear.scatter [tilespmem:s29], [sflag:$0x1], $0x1400, $0x38;
	[tilespmem:$0x16080] =	vst v63  }
0x85: {  	_ =	swait.ge [sflag:s28], $0x1400  }
0x86: {  	[sflag:s28] =	ssyncset.done $0x0  }
0x87: {  	[sflag:s28] =	ssyncadd.s32 $0xFFFFEC00  }
0x88: {  	[spmem:s17] =	stream.linear.scatter [tilespmem:s29], [sflag:$0x1], $0x1400, $0x38;
	[tilespmem:$0x16080] =	vst v63  }
0x89: {  	_ =	swait.ge [sflag:s28], $0x1400  }
0x8a: {  	[sflag:s28] =	ssyncset.done $0x0  }
0x8b: {  	[sflag:s28] =	ssyncadd.s32 $0xFFFFEC00  }
0x8c: {  	[spmem:s18] =	stream.linear.scatter [tilespmem:s29], [sflag:$0x1], $0x1400, $0x38;
	[tilespmem:$0x16080] =	vst v63  }
0x8d: {  	_ =	swait.ge [sflag:s28], $0x1400  }
0x8e: {  	[sflag:s28] =	ssyncset.done $0x0  }
0x8f: {  	[sflag:s28] =	ssyncadd.s32 $0xFFFFEC00  }
0x90: {  	[spmem:s19] =	stream.linear.scatter [tilespmem:s29], [sflag:$0x1], $0x1400, $0x38;
	[tilespmem:$0x16080] =	vst v63  }
0x91: {  	_ =	swait.ge [sflag:s28], $0x1400  }
0x92: {  	[sflag:s28] =	ssyncset.done $0x0  }
0x93: {  	[sflag:s28] =	ssyncadd.s32 $0xFFFFEC00  }
0x94: {  	[spmem:s20] =	stream.linear.scatter [tilespmem:s29], [sflag:$0x1], $0x1400, $0x38;
	[tilespmem:$0x16080] =	vst v63  }
0x95: {  	_ =	swait.ge [sflag:s28], $0x1400  }
0x96: {  	[sflag:s28] =	ssyncset.done $0x0  }
0x97: {  	[sflag:s28] =	ssyncadd.s32 $0xFFFFEC00  }
0x98: {  	[spmem:s21] =	stream.linear.scatter [tilespmem:s29], [sflag:$0x1], $0x1400, $0x38;
	[tilespmem:$0x16080] =	vst v63  }
0x99: {  	_ =	swait.ge [sflag:s28], $0x1400  }
0x9a: {  	[sflag:s28] =	ssyncset.done $0x0  }
0x9b: {  	[sflag:s28] =	ssyncadd.s32 $0xFFFFEC00  }
0x9c: {  	[spmem:s22] =	stream.linear.scatter [tilespmem:s29], [sflag:$0x1], $0x1400, $0x38;
	[tilespmem:$0x16080] =	vst v63  }
0x9d: {  	_ =	swait.ge [sflag:s28], $0x1400  }
0x9e: {  	(xrf0) =	vadd.scan.msk.s32 $0xffff, v2;
	_ =	sdelay $0x5  }
0x9f: {  	v2, _, _ =	vpop (xrf0)  }
0xa0: {  	(v2sf) =	vpush v2, $0xF;
	_ =	sdelay $0xe  }
0xa1: {  	s2 =	spop (v2sf)  }
0xa2: {  	s5 =	sadd.s32 $0x7F, s2  }
0xa3: {  	s25 =	sand.u32 $0x7F, s5  }
0xa4: {  	s26 =	sshra.s32 s5, $0x1F;
	p1 =	slt.s32 s5, $0x1;
	p0 =	sne.s32 s25, $0x0  }
0xa5: {  	s6 =	sshrl.u32 s26, $0x19;
	p0 =	por !p1, !p0  }
0xa6: {  	s5 =	sadd.s32 s6, s5;
	s6 =	simm.s32 $0x1;
	p0 =	por !p0, !p0  }
0xa7: {  	s5 =	sshra.s32 s5, $0x7;
	s6 =	simm.s32 @!p0 $0x0  }
0xa8: {  	s5 =	ssub.s32 s5, s6  }
0xa9: {  	p0 =	slt.s32 s5, $0x1  }
.Ltmp4:
0xaa: {  	_ = 	snop;
	(pc) =	sbr.rel @p0 .LBB2_12-.Ltmp4, $4  }
0xab: {  	[sflag:s28] =	ssyncset.done $0x0  }
0xac: {  	[sflag:s28] =	ssyncadd.s32 $0xFFFFEC00  }
0xad: {  	[bflag:$0x0] =	sbarrier.arrive $0xFFFF  }
0xae: {  	s25 =	simm.s32 $0x10440  }
0xaf: {  	p1 =	sne.s32 s5, $0x1  }
.Ltmp5:
0xb0: {  	_ = 	snop;
	(pc) =	sbr.rel @!p1 .LBB2_7-.Ltmp5, $2  }
0xb1: {  	_ =	sdelay $0x2  }
0xb2: {  	s5 =	sadd.s32 $0xFFFFFFFF, s5;
	s26 =	sshrl.u32 s23, $0x3;
	p0 =	por $0x0, $0x0  }
0xb3: {  	s6 =	sadd.s32 s4, s26  }
0xb4: {  	[tilespmem:s30], [sflag:$0x1] =	stream.linear.gather [hbm4b:s6+s3], $0x4000, $0x38;
	[tilespmem:$0x16080] =	vst v63  }
0xb5: {  	_ =	swait.ge [sflag:s28], $0x4000  }
0xb6: {  	[sflag:s28] =	ssyncset.done $0x0  }
0xb7: {  	[sflag:s28] =	ssyncadd.s32 $0xFFFFC000  }
0xb8: {  	v2 =	vld [tilespmem:s25+$0xFFFFFFC0];
	_ =	sdelay $0x4  }
0xb9: {  	v2 =	vmin.u32 v2, $0x2000  }
0xba: {  	[tilespmem:$0x10C00] =	vst v2  }
0xbb: {  	v2 =	vld [tilespmem:s25+$0xFFFFFFD0];
	_ =	sdelay $0x4  }
0xbc: {  	v2 =	vmin.u32 v2, $0x2000  }
0xbd: {  	[tilespmem:$0x10C10] =	vst v2  }
0xbe: {  	v2 =	vld [tilespmem:s25+$0xFFFFFFE0];
	_ =	sdelay $0x4  }
0xbf: {  	v2 =	vmin.u32 v2, $0x2000  }
0xc0: {  	[tilespmem:$0x10C20] =	vst v2  }
0xc1: {  	v2 =	vld [tilespmem:s25+$0xFFFFFFF0];
	_ =	sdelay $0x4  }
0xc2: {  	v2 =	vmin.u32 v2, $0x2000  }
0xc3: {  	[tilespmem:$0x10C30] =	vst v2  }
0xc4: {  	v2 =	vld [tilespmem:s25+$0x0];
	_ =	sdelay $0x4  }
0xc5: {  	v2 =	vmin.u32 v2, $0x2000  }
0xc6: {  	[tilespmem:$0x10C40] =	vst v2  }
0xc7: {  	v2 =	vld [tilespmem:s25+$0x10];
	_ =	sdelay $0x4  }
0xc8: {  	v2 =	vmin.u32 v2, $0x2000  }
0xc9: {  	[tilespmem:$0x10C50] =	vst v2  }
0xca: {  	v2 =	vld [tilespmem:s25+$0x20];
	_ =	sdelay $0x4  }
0xcb: {  	v2 =	vmin.u32 v2, $0x2000  }
0xcc: {  	[tilespmem:$0x10C60] =	vst v2  }
0xcd: {  	v2 =	vld [tilespmem:s25+$0x30];
	_ =	sdelay $0x3  }
0xce: {  	p1 =	sne.s32 s5, $0x1  }
.Ltmp6:
0xcf: {  	v2 =	vmin.u32 v2, $0x2000;
	(pc) =	sbr.rel @!p1 .LBB2_9-.Ltmp6, $4  }
0xd0: {  	s9 =	sadd.s32 $0xFFFFFFFF, s5;
	[tilespmem:$0x10C70] =	vst v2  }
0xd1: {  	[spmem:s1] =	stream.indirect.scatter.add.f32 [tilespmem:s30], [sflag:$0x1], $0x80, s31, s24, $0xb8;
	[tilespmem:$0x16080] =	vst v63  }
0xd2: {  	p0 =	por $0x1, $0x1;
	s6 =	sadd.s32 $0x4000, s23;
	_ =	swait.ge [sflag:s28], $0x4000  }
0xd3: {  	s5 =	simm.s32 $0x10440;
	s26 =	sshrl.u32 s6, $0x3;
	[sflag:s28] =	ssyncset.done $0x0  }
.LBB2_10:
0xd4: {  	s10 =	sadd.s32 s4, s26;
	[sflag:s28] =	ssyncadd.s32 $0xFFFFC000;
	s5 =	sadd.s32 $0x80, s5  }
0xd5: {  	[tilespmem:s30], [sflag:$0x1] =	stream.linear.gather [hbm4b:s10+s3], $0x4000, $0x38;
	[tilespmem:$0x16080] =	vst v63  }
0xd6: {  	p1 =	sne.s32 s9, $0x1;
	s9 =	sadd.s32 $0xFFFFFFFF, s9;
	_ =	swait.ge [sflag:s28], $0x4000  }
0xd7: {  	[sflag:s28] =	ssyncset.done $0x0  }
0xd8: {  	[sflag:s28] =	ssyncadd.s32 $0xFFFFC000  }
0xd9: {  	v2 =	vld [tilespmem:s5+$0xFFFFFFC0];
	_ =	sdelay $0x4  }
0xda: {  	v2 =	vmin.u32 v2, $0x2000  }
0xdb: {  	[tilespmem:$0x10C00] =	vst v2  }
0xdc: {  	v2 =	vld [tilespmem:s5+$0xFFFFFFD0];
	_ =	sdelay $0x4  }
0xdd: {  	v2 =	vmin.u32 v2, $0x2000  }
0xde: {  	[tilespmem:$0x10C10] =	vst v2  }
0xdf: {  	v2 =	vld [tilespmem:s5+$0xFFFFFFE0];
	_ =	sdelay $0x4  }
0xe0: {  	v2 =	vmin.u32 v2, $0x2000  }
0xe1: {  	[tilespmem:$0x10C20] =	vst v2  }
0xe2: {  	v2 =	vld [tilespmem:s5+$0xFFFFFFF0];
	_ =	sdelay $0x4  }
0xe3: {  	v2 =	vmin.u32 v2, $0x2000  }
0xe4: {  	[tilespmem:$0x10C30] =	vst v2  }
0xe5: {  	v2 =	vld [tilespmem:s5+$0x0];
	_ =	sdelay $0x4  }
0xe6: {  	v2 =	vmin.u32 v2, $0x2000  }
0xe7: {  	[tilespmem:$0x10C40] =	vst v2  }
0xe8: {  	v2 =	vld [tilespmem:s5+$0x10];
	_ =	sdelay $0x4  }
0xe9: {  	v2 =	vmin.u32 v2, $0x2000  }
0xea: {  	[tilespmem:$0x10C50] =	vst v2  }
0xeb: {  	v2 =	vld [tilespmem:s5+$0x20];
	_ =	sdelay $0x4  }
0xec: {  	v2 =	vmin.u32 v2, $0x2000  }
0xed: {  	[tilespmem:$0x10C60] =	vst v2  }
0xee: {  	v2 =	vld [tilespmem:s5+$0x30];
	_ =	sdelay $0x4  }
.Ltmp7:
0xef: {  	v2 =	vmin.u32 v2, $0x2000;
	(pc) =	sbr.rel @p1 .LBB2_10-.Ltmp7, $4  }
0xf0: {  	[tilespmem:$0x10C70] =	vst v2  }
0xf1: {  	[spmem:s1] =	stream.indirect.scatter.add.f32 [tilespmem:s30], [sflag:$0x1], $0x80, s31, s24, $0xb8;
	[tilespmem:$0x16080] =	vst v63  }
0xf2: {  	s6 =	sadd.s32 $0x4000, s6;
	_ =	swait.ge [sflag:s28], $0x4000  }
0xf3: {  	s26 =	sshrl.u32 s6, $0x3;
	[sflag:s28] =	ssyncset.done $0x0  }
.LBB2_11:
0xf4: {  	s6 =	sadd.s32 s4, s26;
	[sflag:s28] =	ssyncadd.s32 @p0 $0xFFFFC000  }
0xf5: {  	[tilespmem:s30], [sflag:$0x1] =	stream.linear.gather [hbm4b:s6+s3], $0x4000, $0x38;
	[tilespmem:$0x16080] =	vst v63  }
0xf6: {  	_ =	swait.ge [sflag:s28], $0x4000  }
0xf7: {  	s5 =	sadd.s32 @p0 $0x80, s5;
	[sflag:s28] =	ssyncset.done $0x0  }
0xf8: {  	s25 =	smov.u32 @p0 s5;
	[sflag:s28] =	ssyncadd.s32 $0xFFFFC000  }
0xf9: {  	v2 =	vld [tilespmem:s25+$0xFFFFFFC0];
	_ =	sdelay $0x4  }
0xfa: {  	v2 =	vmin.u32 v2, $0x2000  }
0xfb: {  	[tilespmem:$0x10C00] =	vst v2  }
0xfc: {  	v2 =	vld [tilespmem:s25+$0xFFFFFFD0];
	_ =	sdelay $0x4  }
0xfd: {  	v2 =	vmin.u32 v2, $0x2000  }
0xfe: {  	[tilespmem:$0x10C10] =	vst v2  }
0xff: {  	v2 =	vld [tilespmem:s25+$0xFFFFFFE0];
	_ =	sdelay $0x4  }
0x100: {  	v2 =	vmin.u32 v2, $0x2000  }
0x101: {  	[tilespmem:$0x10C20] =	vst v2  }
0x102: {  	v2 =	vld [tilespmem:s25+$0xFFFFFFF0];
	_ =	sdelay $0x4  }
0x103: {  	v2 =	vmin.u32 v2, $0x2000  }
0x104: {  	[tilespmem:$0x10C30] =	vst v2  }
0x105: {  	v2 =	vld [tilespmem:s25+$0x0];
	_ =	sdelay $0x4  }
0x106: {  	v2 =	vmin.u32 v2, $0x2000  }
0x107: {  	[tilespmem:$0x10C40] =	vst v2  }
0x108: {  	v2 =	vld [tilespmem:s25+$0x10];
	_ =	sdelay $0x4  }
0x109: {  	v2 =	vmin.u32 v2, $0x2000  }
0x10a: {  	[tilespmem:$0x10C50] =	vst v2  }
0x10b: {  	v2 =	vld [tilespmem:s25+$0x20];
	_ =	sdelay $0x4  }
0x10c: {  	v2 =	vmin.u32 v2, $0x2000  }
0x10d: {  	[tilespmem:$0x10C60] =	vst v2  }
0x10e: {  	v2 =	vld [tilespmem:s25+$0x30];
	_ =	sdelay $0x4  }
0x10f: {  	v2 =	vmin.u32 v2, $0x2000  }
0x110: {  	[tilespmem:$0x10C70] =	vst v2  }
0x111: {  	[spmem:s1] =	stream.indirect.scatter.add.f32 [tilespmem:s30], [sflag:$0x1], $0x80, s31, s24, $0xb8;
	[tilespmem:$0x16080] =	vst v63  }
0x112: {  	_ =	swait.ge [sflag:s28], $0x4000  }
0x113: {  	[sflag:s28] =	ssyncset.done $0x0  }
0x114: {  	[sflag:s28] =	ssyncadd.s32 $0xFFFFC000  }
.LBB2_12:
0x115: {  	s5 =	stileid.u32;
	[bflag:$0x0] =	sbarrier.arrive $0xFFFF  }
0x116: {  	s5 =	sshll.u32 s5, $0x6;
	s26 =	rddreg [dreg:$0x5]  }
0x117: {  	s25 =	sor.u32 $0x1C01, s5;
	s26 =	sshrl.u32 s26, $0x3  }
0x118: {  	[hbm:s7], [sflag:s25] =	dma.local [spmem:s26], $0x2000  }
0x119: {  	_ =	swait.ge [sflag:s28], $0x2000  }
0x11a: {  	[sflag:s28] =	ssyncset.done $0x0  }
0x11b: {  	[sflag:s28] =	ssyncadd.s32 $0xFFFFE000  }
0x11c: {  	[bflag:$0x0] =	sbarrier.arrive $0xFFFF  }
0x11d: {  	[spmem:s8] =	stream.linear.scatter [tilespmem:s29], [sflag:$0x1], $0x1400, $0x38;
	[tilespmem:$0x16080] =	vst v63  }
0x11e: {  	_ =	swait.ge [sflag:s28], $0x1400  }
0x11f: {  	[sflag:s28] =	ssyncset.done $0x0  }
0x120: {  	[sflag:s28] =	ssyncadd.s32 $0xFFFFEC00  }
0x121: {  	[spmem:s11] =	stream.linear.scatter [tilespmem:s29], [sflag:$0x1], $0x1400, $0x38;
	[tilespmem:$0x16080] =	vst v63  }
0x122: {  	_ =	swait.ge [sflag:s28], $0x1400  }
0x123: {  	[sflag:s28] =	ssyncset.done $0x0  }
0x124: {  	[sflag:s28] =	ssyncadd.s32 $0xFFFFEC00  }
0x125: {  	[spmem:s12] =	stream.linear.scatter [tilespmem:s29], [sflag:$0x1], $0x1400, $0x38;
	[tilespmem:$0x16080] =	vst v63  }
0x126: {  	_ =	swait.ge [sflag:s28], $0x1400  }
0x127: {  	[sflag:s28] =	ssyncset.done $0x0  }
0x128: {  	[sflag:s28] =	ssyncadd.s32 $0xFFFFEC00  }
0x129: {  	[spmem:s13] =	stream.linear.scatter [tilespmem:s29], [sflag:$0x1], $0x1400, $0x38;
	[tilespmem:$0x16080] =	vst v63  }
0x12a: {  	_ =	swait.ge [sflag:s28], $0x1400  }
0x12b: {  	[sflag:s28] =	ssyncset.done $0x0  }
0x12c: {  	[sflag:s28] =	ssyncadd.s32 $0xFFFFEC00  }
0x12d: {  	[spmem:s14] =	stream.linear.scatter [tilespmem:s29], [sflag:$0x1], $0x1400, $0x38;
	[tilespmem:$0x16080] =	vst v63  }
0x12e: {  	_ =	swait.ge [sflag:s28], $0x1400  }
0x12f: {  	[sflag:s28] =	ssyncset.done $0x0  }
0x130: {  	[sflag:s28] =	ssyncadd.s32 $0xFFFFEC00  }
0x131: {  	[spmem:s15] =	stream.linear.scatter [tilespmem:s29], [sflag:$0x1], $0x1400, $0x38;
	[tilespmem:$0x16080] =	vst v63  }
0x132: {  	_ =	swait.ge [sflag:s28], $0x1400  }
0x133: {  	[sflag:s28] =	ssyncset.done $0x0  }
0x134: {  	[sflag:s28] =	ssyncadd.s32 $0xFFFFEC00  }
0x135: {  	[spmem:s16] =	stream.linear.scatter [tilespmem:s29], [sflag:$0x1], $0x1400, $0x38;
	[tilespmem:$0x16080] =	vst v63  }
0x136: {  	_ =	swait.ge [sflag:s28], $0x1400  }
0x137: {  	[sflag:s28] =	ssyncset.done $0x0  }
0x138: {  	[sflag:s28] =	ssyncadd.s32 $0xFFFFEC00  }
0x139: {  	[spmem:s17] =	stream.linear.scatter [tilespmem:s29], [sflag:$0x1], $0x1400, $0x38;
	[tilespmem:$0x16080] =	vst v63  }
0x13a: {  	_ =	swait.ge [sflag:s28], $0x1400  }
0x13b: {  	[sflag:s28] =	ssyncset.done $0x0  }
0x13c: {  	[sflag:s28] =	ssyncadd.s32 $0xFFFFEC00  }
0x13d: {  	[spmem:s18] =	stream.linear.scatter [tilespmem:s29], [sflag:$0x1], $0x1400, $0x38;
	[tilespmem:$0x16080] =	vst v63  }
0x13e: {  	_ =	swait.ge [sflag:s28], $0x1400  }
0x13f: {  	[sflag:s28] =	ssyncset.done $0x0  }
0x140: {  	[sflag:s28] =	ssyncadd.s32 $0xFFFFEC00  }
0x141: {  	[spmem:s19] =	stream.linear.scatter [tilespmem:s29], [sflag:$0x1], $0x1400, $0x38;
	[tilespmem:$0x16080] =	vst v63  }
0x142: {  	_ =	swait.ge [sflag:s28], $0x1400  }
0x143: {  	s6 =	sand.u32 $0x7F, s2;
	[sflag:s28] =	ssyncset.done $0x0  }
0x144: {  	s9 =	sshra.s32 s2, $0x1F;
	p1 =	slt.s32 s2, $0x1;
	[sflag:s28] =	ssyncadd.s32 $0xFFFFEC00  }
0x145: {  	[spmem:s20] =	stream.linear.scatter [tilespmem:s29], [sflag:$0x1], $0x1400, $0x38;
	[tilespmem:$0x16080] =	vst v63  }
0x146: {  	p0 =	sne.s32 s6, $0x0;
	s5 =	sshrl.u32 s9, $0x19;
	_ =	swait.ge [sflag:s28], $0x1400  }
0x147: {  	p0 =	por !p1, !p0;
	s10 =	sadd.s32 s5, s2;
	[sflag:s28] =	ssyncset.done $0x0  }
0x148: {  	p0 =	por !p0, !p0;
	s5 =	simm.s32 $0x1;
	[sflag:s28] =	ssyncadd.s32 $0xFFFFEC00  }
0x149: {  	[spmem:s21] =	stream.linear.scatter [tilespmem:s29], [sflag:$0x1], $0x1400, $0x38;
	[tilespmem:$0x16080] =	vst v63  }
0x14a: {  	s2 =	sshra.s32 s10, $0x7;
	s5 =	simm.s32 @!p0 $0x0;
	_ =	swait.ge [sflag:s28], $0x1400  }
0x14b: {  	s2 =	ssub.s32 s2, s5;
	[sflag:s28] =	ssyncset.done $0x0  }
0x14c: {  	p0 =	sgt.s32 s2, $0xF;
	[sflag:s28] =	ssyncadd.s32 $0xFFFFEC00  }
0x14d: {  	[spmem:s22] =	stream.linear.scatter [tilespmem:s29], [sflag:$0x1], $0x1400, $0x38;
	[tilespmem:$0x16080] =	vst v63  }
.Ltmp8:
0x14e: {  	_ =	swait.ge [sflag:s28], $0x1400;
	(pc) =	sbr.rel @p0 .LBB2_19-.Ltmp8, $3  }
0x14f: {  	[sflag:s28] =	ssyncset.done $0x0  }
0x150: {  	[sflag:s28] =	ssyncadd.s32 $0xFFFFEC00  }
0x151: {  	[bflag:$0x0] =	sbarrier.arrive $0xFFFF;
	_ =	sdelay $0x1  }
0x152: {  	s9 =	ssub.s32 $0x10, s2  }
0x153: {  	p1 =	sne.s32 s9, $0x1  }
.Ltmp9:
0x154: {  	_ = 	snop;
	(pc) =	sbr.rel @!p1 .LBB2_14-.Ltmp9, $4  }
0x155: {  	_ = 	snop  }
0x156: {  	s5 =	sshll.u32 s2, $0x9;
	s6 =	sshll.u32 s2, $0xE  }
0x157: {  	p0 =	por $0x0, $0x0;
	s5 =	sshra.s32 s5, $0x2;
	s2 =	sadd.s32 s6, s23  }
0x158: {  	s6 =	sadd.s32 $0xFFFFFFFF, s9;
	s5 =	sadd.s32 $0x10440, s5;
	s10 =	sshrl.u32 s2, $0x3  }
0x159: {  	s9 =	sadd.s32 s4, s10  }
0x15a: {  	[tilespmem:s30], [sflag:$0x1] =	stream.linear.gather [hbm4b:s9+s3], $0x4000, $0x38;
	[tilespmem:$0x16080] =	vst v63  }
0x15b: {  	_ =	swait.ge [sflag:s28], $0x4000  }
0x15c: {  	[sflag:s28] =	ssyncset.done $0x0  }
0x15d: {  	[sflag:s28] =	ssyncadd.s32 $0xFFFFC000  }
0x15e: {  	v2 =	vld [tilespmem:s5+$0xFFFFFFC0];
	_ =	sdelay $0x4  }
0x15f: {  	v3 =	vand.u32 $0xFFFFE000, v2  }
0x160: {  	v2 =	vadd.s32 $0xFFFFE000, v2;
	vm0 =	veq.s32 v3, $0x2000  }
0x161: {  	v2 =	vnsel vm0, $0x2000, v2  }
0x162: {  	[tilespmem:$0x10C00] =	vst v2  }
0x163: {  	v2 =	vld [tilespmem:s5+$0xFFFFFFD0];
	_ =	sdelay $0x4  }
0x164: {  	v3 =	vand.u32 $0xFFFFE000, v2  }
0x165: {  	v2 =	vadd.s32 $0xFFFFE000, v2;
	vm9 =	veq.s32 v3, $0x2000  }
0x166: {  	v2 =	vnsel vm9, $0x2000, v2  }
0x167: {  	[tilespmem:$0x10C10] =	vst v2  }
0x168: {  	v2 =	vld [tilespmem:s5+$0xFFFFFFE0];
	_ =	sdelay $0x4  }
0x169: {  	v3 =	vand.u32 $0xFFFFE000, v2  }
0x16a: {  	v2 =	vadd.s32 $0xFFFFE000, v2;
	vm10 =	veq.s32 v3, $0x2000  }
0x16b: {  	v2 =	vnsel vm10, $0x2000, v2  }
0x16c: {  	[tilespmem:$0x10C20] =	vst v2  }
0x16d: {  	v2 =	vld [tilespmem:s5+$0xFFFFFFF0];
	_ =	sdelay $0x4  }
0x16e: {  	v3 =	vand.u32 $0xFFFFE000, v2  }
0x16f: {  	v2 =	vadd.s32 $0xFFFFE000, v2;
	vm11 =	veq.s32 v3, $0x2000  }
0x170: {  	v2 =	vnsel vm11, $0x2000, v2  }
0x171: {  	[tilespmem:$0x10C30] =	vst v2  }
0x172: {  	v2 =	vld [tilespmem:s5+$0x0];
	_ =	sdelay $0x4  }
0x173: {  	v3 =	vand.u32 $0xFFFFE000, v2  }
0x174: {  	v2 =	vadd.s32 $0xFFFFE000, v2;
	vm12 =	veq.s32 v3, $0x2000  }
0x175: {  	v2 =	vnsel vm12, $0x2000, v2  }
0x176: {  	[tilespmem:$0x10C40] =	vst v2  }
0x177: {  	v2 =	vld [tilespmem:s5+$0x10];
	_ =	sdelay $0x4  }
0x178: {  	v3 =	vand.u32 $0xFFFFE000, v2  }
0x179: {  	v2 =	vadd.s32 $0xFFFFE000, v2;
	vm13 =	veq.s32 v3, $0x2000  }
0x17a: {  	v2 =	vnsel vm13, $0x2000, v2  }
0x17b: {  	[tilespmem:$0x10C50] =	vst v2  }
0x17c: {  	v2 =	vld [tilespmem:s5+$0x20];
	_ =	sdelay $0x4  }
0x17d: {  	v3 =	vand.u32 $0xFFFFE000, v2  }
0x17e: {  	v2 =	vadd.s32 $0xFFFFE000, v2;
	vm14 =	veq.s32 v3, $0x2000  }
0x17f: {  	v2 =	vnsel vm14, $0x2000, v2  }
0x180: {  	[tilespmem:$0x10C60] =	vst v2  }
0x181: {  	v2 =	vld [tilespmem:s5+$0x30];
	_ =	sdelay $0x4  }
0x182: {  	v3 =	vand.u32 $0xFFFFE000, v2  }
0x183: {  	p1 =	sne.s32 s6, $0x1;
	v2 =	vadd.s32 $0xFFFFE000, v2;
	vm15 =	veq.s32 v3, $0x2000  }
.Ltmp10:
0x184: {  	v2 =	vnsel vm15, $0x2000, v2;
	(pc) =	sbr.rel @!p1 .LBB2_16-.Ltmp10, $4  }
0x185: {  	s6 =	sadd.s32 $0xFFFFFFFF, s6;
	[tilespmem:$0x10C70] =	vst v2  }
0x186: {  	[spmem:s1] =	stream.indirect.scatter.add.f32 [tilespmem:s30], [sflag:$0x1], $0x80, s31, s24, $0xb8;
	[tilespmem:$0x16080] =	vst v63  }
0x187: {  	p0 =	por $0x1, $0x1;
	s9 =	sadd.s32 $0x4000, s2;
	_ =	swait.ge [sflag:s28], $0x4000  }
0x188: {  	s2 =	smov.u32 s5;
	s10 =	sshrl.u32 s9, $0x3;
	[sflag:s28] =	ssyncset.done $0x0  }
.LBB2_17:
0x189: {  	s10 =	sadd.s32 s4, s10;
	[sflag:s28] =	ssyncadd.s32 $0xFFFFC000;
	s2 =	sadd.s32 $0x80, s2  }
0x18a: {  	[tilespmem:s30], [sflag:$0x1] =	stream.linear.gather [hbm4b:s10+s3], $0x4000, $0x38;
	[tilespmem:$0x16080] =	vst v63  }
0x18b: {  	p1 =	sne.s32 s6, $0x1;
	s6 =	sadd.s32 $0xFFFFFFFF, s6;
	_ =	swait.ge [sflag:s28], $0x4000  }
0x18c: {  	[sflag:s28] =	ssyncset.done $0x0  }
0x18d: {  	[sflag:s28] =	ssyncadd.s32 $0xFFFFC000  }
0x18e: {  	v2 =	vld [tilespmem:s2+$0xFFFFFFC0];
	_ =	sdelay $0x4  }
0x18f: {  	v3 =	vand.u32 $0xFFFFE000, v2  }
0x190: {  	v2 =	vadd.s32 $0xFFFFE000, v2;
	vm0 =	veq.s32 v3, $0x2000  }
0x191: {  	v2 =	vnsel vm0, $0x2000, v2  }
0x192: {  	[tilespmem:$0x10C00] =	vst v2  }
0x193: {  	v2 =	vld [tilespmem:s2+$0xFFFFFFD0];
	_ =	sdelay $0x4  }
0x194: {  	v3 =	vand.u32 $0xFFFFE000, v2  }
0x195: {  	v2 =	vadd.s32 $0xFFFFE000, v2;
	vm0 =	veq.s32 v3, $0x2000  }
0x196: {  	v2 =	vnsel vm0, $0x2000, v2  }
0x197: {  	[tilespmem:$0x10C10] =	vst v2  }
0x198: {  	v2 =	vld [tilespmem:s2+$0xFFFFFFE0];
	_ =	sdelay $0x4  }
0x199: {  	v3 =	vand.u32 $0xFFFFE000, v2  }
0x19a: {  	v2 =	vadd.s32 $0xFFFFE000, v2;
	vm0 =	veq.s32 v3, $0x2000  }
0x19b: {  	v2 =	vnsel vm0, $0x2000, v2  }
0x19c: {  	[tilespmem:$0x10C20] =	vst v2  }
0x19d: {  	v2 =	vld [tilespmem:s2+$0xFFFFFFF0];
	_ =	sdelay $0x4  }
0x19e: {  	v3 =	vand.u32 $0xFFFFE000, v2  }
0x19f: {  	v2 =	vadd.s32 $0xFFFFE000, v2;
	vm0 =	veq.s32 v3, $0x2000  }
0x1a0: {  	v2 =	vnsel vm0, $0x2000, v2  }
0x1a1: {  	[tilespmem:$0x10C30] =	vst v2  }
0x1a2: {  	v2 =	vld [tilespmem:s2+$0x0];
	_ =	sdelay $0x4  }
0x1a3: {  	v3 =	vand.u32 $0xFFFFE000, v2  }
0x1a4: {  	v2 =	vadd.s32 $0xFFFFE000, v2;
	vm0 =	veq.s32 v3, $0x2000  }
0x1a5: {  	v2 =	vnsel vm0, $0x2000, v2  }
0x1a6: {  	[tilespmem:$0x10C40] =	vst v2  }
0x1a7: {  	v2 =	vld [tilespmem:s2+$0x10];
	_ =	sdelay $0x4  }
0x1a8: {  	v3 =	vand.u32 $0xFFFFE000, v2  }
0x1a9: {  	v2 =	vadd.s32 $0xFFFFE000, v2;
	vm0 =	veq.s32 v3, $0x2000  }
0x1aa: {  	v2 =	vnsel vm0, $0x2000, v2  }
0x1ab: {  	[tilespmem:$0x10C50] =	vst v2  }
0x1ac: {  	v2 =	vld [tilespmem:s2+$0x20];
	_ =	sdelay $0x4  }
0x1ad: {  	v3 =	vand.u32 $0xFFFFE000, v2  }
0x1ae: {  	v2 =	vadd.s32 $0xFFFFE000, v2;
	vm0 =	veq.s32 v3, $0x2000  }
0x1af: {  	v2 =	vnsel vm0, $0x2000, v2  }
0x1b0: {  	[tilespmem:$0x10C60] =	vst v2  }
0x1b1: {  	v2 =	vld [tilespmem:s2+$0x30];
	_ =	sdelay $0x4  }
0x1b2: {  	v3 =	vand.u32 $0xFFFFE000, v2  }
0x1b3: {  	v2 =	vadd.s32 $0xFFFFE000, v2;
	vm0 =	veq.s32 v3, $0x2000  }
.Ltmp11:
0x1b4: {  	v2 =	vnsel vm0, $0x2000, v2;
	(pc) =	sbr.rel @p1 .LBB2_17-.Ltmp11, $4  }
0x1b5: {  	[tilespmem:$0x10C70] =	vst v2  }
0x1b6: {  	[spmem:s1] =	stream.indirect.scatter.add.f32 [tilespmem:s30], [sflag:$0x1], $0x80, s31, s24, $0xb8;
	[tilespmem:$0x16080] =	vst v63  }
0x1b7: {  	s9 =	sadd.s32 $0x4000, s9;
	_ =	swait.ge [sflag:s28], $0x4000  }
0x1b8: {  	s10 =	sshrl.u32 s9, $0x3;
	[sflag:s28] =	ssyncset.done $0x0  }
.Ltmp12:
0x1b9: {  	_ = 	snop;
	(pc) =	sbr.rel .LBB2_18-.Ltmp12, $1  }
0x1ba: {  	_ =	sdelay $0x3  }
.LBB2_7:
.Ltmp13:
0x1bb: {  	(pc) =	sbr.rel .LBB2_11-.Ltmp13, $2  }
0x1bc: {  	_ =	sdelay $0x2  }
0x1bd: {  	s5 =	simm.s32 $0x10440  }
.LBB2_9:
.Ltmp14:
0x1be: {  	(pc) =	sbr.rel .LBB2_11-.Ltmp14, $2  }
0x1bf: {  	_ =	sdelay $0x2  }
0x1c0: {  	s5 =	simm.s32 $0x10440  }
.LBB2_16:
.Ltmp15:
0x1c1: {  	(pc) =	sbr.rel .LBB2_18-.Ltmp15, $2  }
0x1c2: {  	_ =	sdelay $0x2  }
0x1c3: {  	s2 =	smov.u32 s5  }
.LBB2_20:
0x1c4: {  	_ =	sfence.sel $0x180000  }
0x1c5: {  	[bflag:$0x0] =	sbarrier.arrive $0xFFFF  }
0x1c6: {  	_ =	strace $0x9000004A  }
0x1c7: {  	s0 =	stileid.u32;
	[bflag:$0x2] =	sbarrier.arrive $0xFFFF  }
0x1c8: {  	p0 =	sne.s32 s0, $0x0;
	s0 =	rddreg [dreg:$0x3]  }
0x1c9: {  	s0 =	sadd.s32 @!p0 $0x100000, s0  }
0x1ca: {  	[sflag:s0] =	ssyncadd.tile.s32 @!p0 $0x1;
	_ =	shalt  }
.Lfunc_end2:
_tile_overlayer_lowered:
.L_overlay_start_2:
0x1cb: {  	(tag) =	ssettag $0x2  }
0x1cc: {  	s0 =	rddreg [dreg:$0x0];
	s2 =	stileid.u32  }
0x1cd: {  	s1 =	rddreg [dreg:$0x1];
	p0 =	sne.s32 s2, $0x0  }
0x1ce: {  	s3 =	rddreg [dreg:$0x2];
	[bflag:$0x3] =	sbarrier.arrive $0xFFFF;
	s2 =	simm.s32 @!p0 $0x1C01  }
0x1cf: {  	[timem:s3], [sflag:s2] =	dma.local @!p0 [hbm:s0], s1  }
0x1d0: {  	s0 =	simm.s32 @!p0 $0x1  }
0x1d1: {  	_ =	swait.ge @!p0 [sflag:s0], s1  }
0x1d2: {  	s1 =	ssub.s32 @!p0 $0x0, s1;
	[sflag:s0] =	ssyncset.done @!p0 $0x0  }
0x1d3: {  	[sflag:s0] =	ssyncadd.s32 @!p0 s1  }
0x1d4: {  	[bflag:$0x3] =	sbarrier.arrive $0xFFFF  }
0x1d5: {  	_ =	shalt  }

// kernel: kernel.7.cloned.1.call-start
scs
__scs_entry_jumppad:
0x0: {  	(pc) =	sbr.rel $0x88, $3  }
0x1: {  	(tag) =	ssettag $0x0;
	lr =	simm.s32 $0x1  }
0x2: {  	[smem:$0x3F9B] =	sst lr;
	_ =	strace $0xD0000000  }
0x3: {  	_ = 	snop  }
0x4: {  	_ = 	snop  }
0x5: {  	_ = 	snop  }
0x6: {  	_ = 	snop  }
0x7: {  	_ = 	snop  }
__scs_overlays_trampoline_lowered:
0x8: {  	[smem:$0x3FAA] =	sst s0  }
0x9: {  	[smem:$0x3FAB] =	sst s1  }
0xa: {  	[smem:$0x3FAC] =	sst s2  }
0xb: {  	[smem:$0x3FAD] =	sst s3  }
0xc: {  	[smem:$0x3FAE] =	sst s4  }
0xd: {  	[smem:$0x3FAF] =	sst s5  }
0xe: {  	[smem:$0x3FB0] =	sst s6  }
0xf: {  	[smem:$0x3FB1] =	sst s7  }
0x10: {  	[smem:$0x3FB2] =	sst s8  }
0x11: {  	[smem:$0x3FB3] =	sst s9;
	s0 =	simm.s32 @!p0 $0x0  }
0x12: {  	s1 =	sld [smem:$0x3F99];
	s0 =	simm.s32 @p0 $0x1  }
0x13: {  	[smem:$0x3FB4] =	sst s0;
	s0 =	simm.s32 @!p1 $0x0  }
0x14: {  	s2 =	sld [smem:$0x3F98];
	s0 =	simm.s32 @p1 $0x1  }
0x15: {  	[smem:$0x3FB5] =	sst s0;
	s0 =	simm.s32 @!p2 $0x0  }
0x16: {  	s3 =	sld [smem:$0x3FDB];
	s0 =	simm.s32 @p2 $0x1  }
0x17: {  	s4 =	simm.s32 $0x1BF5;
	[smem:$0x3FB7] =	sst s0  }
0x18: {  	s0 =	sld [smem:$0x3F9A];
	_ =	swait.ge [sflag:s4], $0x0  }
0x19: {  	s7 =	sld [smem:$0x3F9B]  }
0x1a: {  	s8 =	sadd.s32 $0xFFFFE003, lr  }
0x1b: {  	s9 =	sadd.s32 $0xFFFFFEF7, lr;
	s5 =	simm.s32 $0xFFFFFFFF;
	p2 =	slt.u32 s8, $0xFFFFF086  }
0x1c: {  	p1 =	slt.u32 s9, $0xF7A;
	s5 =	simm.s32 @!p2 $0x0  }
0x1d: {  	s5 =	simm.s32 @p1 $0x1;
	p0 =	seq.s32 s7, s2  }
0x1e: {  	s7 =	smul.u32 @!p0 $0xF7A, s2;
	p2 =	seq.s32 @!p0 s5, $0x0  }
0x1f: {  	s9 =	smul.u32 $0xF7A, s1;
	s8 =	simm.s32 @!p0 $0x1BF5;
	p2 =	por !p2, p0  }
0x20: {  	[sflag:s8] =	ssyncset.s32 @!p0 $0xFFFFF086;
	s6 =	sadd.s32 @!p0 s3, s7;
	s7 =	simm.s32 @!p0 $0x108  }
0x21: {  	s3 =	sadd.s32 s3, s9;
	s6 =	sadd.s32 @!p0 $0x88, s6;
	s7 =	simm.s32 @p2 $0x1082  }
0x22: {  	[simem:s7], [sflag:s8] =	dma.local @!p0 [hbm:s6], $0xF7A  }
0x23: {  	s9 =	sor.u32 $0xD0000000, s2;
	s6 =	simm.s32 $0x108;
	_ =	swait.ge @!p0 [sflag:s8], $0x0  }
0x24: {  	s3 =	sadd.s32 $0x88, s3;
	s6 =	simm.s32 @!p1 $0x1082;
	[sflag:s4] =	ssyncset.s32 $0xFFFFF086  }
0x25: {  	[simem:s6], [sflag:s4] =	dma.local [hbm:s3], $0xF7A  }
0x26: {  	[smem:$0x3F9B] =	sst s1;
	(tag) =	ssettag s2;
	_ =	strace s9  }
0x27: {  	s1 =	sld [smem:$0x3FAB]  }
0x28: {  	s2 =	sld [smem:$0x3FAC]  }
0x29: {  	s4 =	sld [smem:$0x3FAE]  }
0x2a: {  	p0 =	seq.s32 s5, $0x0;
	s5 =	sld [smem:$0x3FAF]  }
0x2b: {  	s6 =	sld [smem:$0x3FB0]  }
0x2c: {  	s7 =	sld [smem:$0x3FB1]  }
0x2d: {  	s3 =	simm.s32 $0x108;
	s8 =	sld [smem:$0x3FB2]  }
0x2e: {  	s3 =	simm.s32 @!p0 $0x1082;
	s9 =	sld [smem:$0x3FB3]  }
0x2f: {  	lr =	sadd.s32 s0, s3;
	s0 =	sld [smem:$0x3FAA]  }
0x30: {  	s3 =	sld [smem:$0x3FAD]  }
0x31: {  	[smem:$0x3FB6] =	sst s10  }
0x32: {  	s10 =	sld [smem:$0x3FB4];
	_ =	sdelay $0x3  }
0x33: {  	p0 =	seq.s32 s10, $0x1;
	s10 =	sld [smem:$0x3FB6];
	_ =	sdelay $0x3  }
0x34: {  	[smem:$0x3FB6] =	sst s10  }
0x35: {  	s10 =	sld [smem:$0x3FB5];
	_ =	sdelay $0x3  }
0x36: {  	p1 =	seq.s32 s10, $0x1;
	s10 =	sld [smem:$0x3FB6];
	_ =	sdelay $0x3  }
0x37: {  	[smem:$0x3FB6] =	sst s10  }
0x38: {  	s10 =	sld [smem:$0x3FB7]  }
0x39: {  	_ = 	snop;
	(pc) =	sbr.ind lr, $3  }
0x3a: {  	_ = 	snop  }
0x3b: {  	_ = 	snop  }
0x3c: {  	p2 =	seq.s32 s10, $0x1;
	s10 =	sld [smem:$0x3FB6]  }
0x3d: {  	_ =	shalt  }
0x3e: {  	_ =	shalt  }
0x3f: {  	_ =	shalt  }
0x40: {  	_ =	shalt  }
0x41: {  	_ =	shalt  }
0x42: {  	_ =	shalt  }
0x43: {  	_ =	shalt  }
0x44: {  	_ =	shalt  }
0x45: {  	_ =	shalt  }
0x46: {  	_ =	shalt  }
0x47: {  	_ =	shalt  }
0x48: {  	_ =	shalt  }
0x49: {  	_ =	shalt  }
0x4a: {  	_ =	shalt  }
0x4b: {  	_ =	shalt  }
0x4c: {  	_ =	shalt  }
0x4d: {  	_ =	shalt  }
0x4e: {  	_ =	shalt  }
0x4f: {  	_ =	shalt  }
0x50: {  	_ =	shalt  }
0x51: {  	_ =	shalt  }
0x52: {  	_ =	shalt  }
0x53: {  	_ =	shalt  }
0x54: {  	_ =	shalt  }
0x55: {  	_ =	shalt  }
0x56: {  	_ =	shalt  }
0x57: {  	_ =	shalt  }
0x58: {  	_ =	shalt  }
0x59: {  	_ =	shalt  }
0x5a: {  	_ =	shalt  }
0x5b: {  	_ =	shalt  }
0x5c: {  	_ =	shalt  }
0x5d: {  	_ =	shalt  }
0x5e: {  	_ =	shalt  }
0x5f: {  	_ =	shalt  }
0x60: {  	_ =	shalt  }
0x61: {  	_ =	shalt  }
0x62: {  	_ =	shalt  }
0x63: {  	_ =	shalt  }
0x64: {  	_ =	shalt  }
0x65: {  	_ =	shalt  }
0x66: {  	_ =	shalt  }
0x67: {  	_ =	shalt  }
0x68: {  	_ =	shalt  }
0x69: {  	_ =	shalt  }
0x6a: {  	_ =	shalt  }
0x6b: {  	_ =	shalt  }
0x6c: {  	_ =	shalt  }
0x6d: {  	_ =	shalt  }
0x6e: {  	_ =	shalt  }
0x6f: {  	_ =	shalt  }
0x70: {  	_ =	shalt  }
0x71: {  	_ =	shalt  }
0x72: {  	_ =	shalt  }
0x73: {  	_ =	shalt  }
0x74: {  	_ =	shalt  }
0x75: {  	_ =	shalt  }
0x76: {  	_ =	shalt  }
0x77: {  	_ =	shalt  }
0x78: {  	_ =	shalt  }
0x79: {  	_ =	shalt  }
0x7a: {  	_ =	shalt  }
0x7b: {  	_ =	shalt  }
0x7c: {  	_ =	shalt  }
0x7d: {  	_ =	shalt  }
0x7e: {  	_ =	shalt  }
0x7f: {  	_ =	shalt  }
0x80: {  	_ =	shalt  }
0x81: {  	_ =	shalt  }
0x82: {  	_ =	shalt  }
0x83: {  	_ =	shalt  }
0x84: {  	_ =	shalt  }
0x85: {  	_ =	shalt  }
0x86: {  	_ =	shalt  }
0x87: {  	_ =	shalt  }
.Lfunc_end0:
.L_simem_size_0:
called_computation_lowered:
.L_overlay_start_0:
0x88: {  	s2 =	sld [smem:$0x3FD9]  }
0x89: {  	s3 =	sld [smem:$0x3FFE];
	_ =	sdelay $0x1  }
0x8a: {  	s1 =	srdreg.scid  }
0x8b: {  	s0 =	sand.u32 $0x1, s1  }
0x8c: {  	s17 =	sshll.u32 s0, $0xA;
	s2 =	sadd.s32 s3, s2  }
0x8d: {  	s2 =	sadd.s32 s2, s17  }
0x8e: {  	[smem:$0x3FC2] =	sst s2  }
0x8f: {  	_ = 	snop  }
0x90: {  	s2 =	sld [smem:$0x3FD0];
	(tm) =	ssettm $0x1  }
0x91: {  	s18 =	sld [smem:$0x3FFB];
	_ =	sdelay $0x3  }
0x92: {  	_ =	strace s18  }
0x93: {  	s3 =	sld [smem:$0x3FFC];
	_ =	sdelay $0x3  }
0x94: {  	_ =	strace s3  }
0x95: {  	s3 =	sld [smem:$0x3FFD];
	_ =	sdelay $0x3  }
0x96: {  	_ =	strace s3  }
0x97: {  	_ =	strace $0x8FFFFFFF  }
0x98: {  	s19 =	sld [smem:$0x3FDB];
	_ =	sdelay $0x1  }
0x99: {  	s4 =	simm.s32 $_scs_section_size  }
0x9a: {  	s5 =	simm.s32 $_size__tile_overlayer_lowered;
	s6 =	simm.s32 $_tile_overlayer_lowered  }
0x9b: {  	s22 =	simm.s32 $0x1BFF;
	s21 =	sshll.u32 s6, $0x1;
	s3 =	sadd.s32 s4, s19  }
0x9c: {  	s7 =	simm.s32 $0x0;
	s20 =	sshll.u32 s5, $0x1;
	s5 =	sadd.s32 s21, s3  }
0x9d: {  	[timem:s7], [sflag:s22] =	dma.local [hbm:s5], s20  }
0x9e: {  	_ =	swait.ge [sflag:s22], s20  }
0x9f: {  	s4 =	ssub.s32 $0x0, s20;
	[sflag:s22] =	ssyncset.done $0x0  }
0xa0: {  	[sflag:s22] =	ssyncadd.s32 s4;
	_ =	sdelay $0x1  }
0xa1: {  	s23 =	simm.s32 $0x1B8B  }
0xa2: {  	_ =	swait.ge [sflag:s23], $0x1  }
0xa3: {  	[sflag:s23] =	ssyncset.done $0x0  }
0xa4: {  	s25 =	simm.s32 $0x1B8E;
	s24 =	sld [smem:$0x3FFE];
	[sflag:s23] =	ssyncadd.s32 $0xFFFFFFFF  }
0xa5: {  	s26 =	simm.s32 $execute0_lowered;
	[smem:$0x3FD2] =	sst s25  }
0xa6: {  	s5 =	sshll.u32 s26, $0x1;
	_ =	strace $0x80000046;
	[dreg:$0x1] =	wrdreg $0xFFFFFFFF  }
0xa7: {  	s28 =	simm.s32 $_size_execute0_lowered;
	s3 =	sadd.s32 s3, s5;
	[dreg:$0x0] =	wrdreg $0x0  }
0xa8: {  	s5 =	sshll.u32 s28, $0x1;
	[dreg:$0x2] =	wrdreg s3  }
0xa9: {  	[dreg:$0x3] =	wrdreg s5  }
0xaa: {  	[dreg:$0x4] =	wrdreg $0xC0  }
0xab: {  	_ =	task [dreg:s7], $0x5FFFF  }
0xac: {  	[dreg:$0x1] =	wrdreg $0xFFFFFFFF  }
0xad: {  	[dreg:$0x0] =	wrdreg $0x60  }
0xae: {  	[dreg:$0x2] =	wrdreg s24  }
0xaf: {  	[dreg:$0x3] =	wrdreg s2  }
0xb0: {  	[dreg:$0x4] =	wrdreg $0x9  }
0xb1: {  	_ =	task.clear_ibuf [dreg:s7], $0x5FFFF;
	_ =	strace $0x90000046  }
0xb2: {  	s29 =	simm.s32 $0x9;
	_ =	strace $0x80000048  }
0xb3: {  	_ =	swait.ge [sflag:s29], $0x1  }
0xb4: {  	[sflag:s29] =	ssyncadd.s32 $0xFFFFFFFF  }
0xb5: {  	_ =	strace $0x90000048  }
0xb6: {  	_ =	sfence  }
0xb7: {  	s30 =	sld [smem:$0x0];
	_ =	sdelay $0x2  }
0xb8: {  	s31 =	sshll.u32 s1, $0xD;
	s1 =	sshrl.u32 s1, $0x2  }
0xb9: {  	s3 =	sand.u32 $0x4000, s31;
	s1 =	sadd.s32 s1, s30  }
0xba: {  	s0 =	sor.u32 s3, s0;
	s1 =	sshll.u32 s1, $0x11  }
0xbb: {  	s0 =	sor.u32 s1, s0  }
0xbc: {  	s0 =	sadd.s32 $0x8F2B, s0  }
0xbd: {  	[sflag:s0] =	ssyncadd.remote.s32 $0x1  }
0xbe: {  	_ =	sfence.sel $0xFFFF  }
0xbf: {  	[dreg:$0x0] =	wrdreg $0xFFFFFFFF;
	(pc) =	sbr.abs _section_cstart, $3  }
0xc0: {  	[dreg:$0x1] =	wrdreg $0xFFFFFFFF  }
0xc1: {  	_ =	task.clear_ibuf [dreg:s7], $0x2FFFF;
	_ =	strace $0x9FFFFFFF  }
0xc2: {  	(tm) =	ssettm $0x7FFFFFFF  }
0xc3: {  	_ =	shalt  }
tec
execute0_lowered:
.L_overlay_start_1:
0x0: {  	(tag) =	ssettag $0x1  }
0x1: {  	s0 =	srdreg.scid  }
0x2: {  	s2 =	stileid.u32;
	s4 =	rddreg [dreg:$0x0]  }
0x3: {  	s30 =	simm.s32 $0x5100;
	s0 =	sand.u32 $0x1, s0;
	s3 =	sshll.u32 s2, $0x7  }
0x4: {  	s29 =	simm.s32 $0x2;
	s1 =	sshll.u32 s0, $0x4;
	s6 =	sand.u32 $0x380, s3  }
0x5: {  	s3 =	simm.s32 $0x0;
	s1 =	sor.u32 s2, s1;
	s2 =	rddreg [dreg:$0x1]  }
0x6: {  	s28 =	simm.s32 $0x0;
	s31 =	ssub.s32 $0x2, s0;
	[smem:$0x7FF] =	sst s3  }
0x7: {  	s8 =	sshrl.u32 s31, $0x1;
	s5 =	sshrl.u32 s1, $0x3;
	_ =	strace $0x80000047  }
0x8: {  	s1 =	sshll.u32 s1, $0xF;
	s7 =	sshll.u32 s5, $0x11;
	s5 =	sshll.u32 s5, $0xE  }
0x9: {  	s1 =	sadd.s32 s1, s4;
	s7 =	sor.u32 s6, s7;
	s5 =	sor.u32 s6, s5  }
0xa: {  	s6 =	ssub.s32 s31, s8;
	s8 =	sshll.u32 s0, $0xE;
	s25 =	sadd.s32 $0x11E00, s1  }
0xb: {  	s26 =	sadd.s32 $0x12600, s1;
	s31 =	sadd.s32 $0x12E00, s1;
	s9 =	sadd.s32 $0x13600, s1  }
0xc: {  	s10 =	sadd.s32 $0x13E00, s1;
	s11 =	sadd.s32 $0x14600, s1;
	s12 =	sadd.s32 $0x14E00, s1  }
0xd: {  	s13 =	sadd.s32 $0x15600, s1;
	s14 =	sadd.s32 $0x15E00, s1;
	s15 =	sadd.s32 $0x16600, s1  }
0xe: {  	s16 =	sadd.s32 $0x16E00, s1;
	s17 =	sadd.s32 $0x17600, s1;
	s18 =	sadd.s32 $0x17E00, s1  }
0xf: {  	s19 =	sadd.s32 $0x18600, s1;
	s20 =	sadd.s32 $0x18E00, s1;
	s21 =	sadd.s32 $0x19600, s1  }
0x10: {  	s1 =	simm.s32 $0x9100;
	s0 =	simm.s32 $0x1;
	[dreg:$0x5] =	wrdreg s25  }
0x11: {  	s7 =	sshrl.u32 s7, $0x3;
	s5 =	sshrl.u32 s5, $0x3;
	[dreg:$0x6] =	wrdreg s26  }
0x12: {  	[dreg:$0x7] =	wrdreg s31;
	s22 =	smax.u32 s6, $0x1;
	s7 =	sadd.s32 s7, s4  }
0x13: {  	s25 =	simm.s32 $0x3;
	s4 =	sadd.s32 s5, s4;
	s23 =	sadd.s32 $0x1E00, s7  }
0x14: {  	v0 =	vlaneseq.u32;
	s26 =	simm.s32 $0x20000000;
	s24 =	sadd.s32 $0x111E00, s4;
	[dreg:$0x3] =	wrdreg s23  }
0x15: {  	v2 =	vimm.s32 $0x0;
	v1 =	vor.u32 s8, v0;
	[dreg:$0x4] =	wrdreg s24;
	s23 =	simm.s32 $0x80;
	s24 =	simm.s32 $0x400  }
.LBB2_1:
0x16: {  	s4 =	rddreg [dreg:$0x3]  }
0x17: {  	[tilespmem:s3], [sflag:$0x3] =	stream.strided.gather [hbm4b:s4+s23], $0x4000, s24, s23, $0x38;
	[tilespmem:$0xD100] =	vst v63  }
0x18: {  	_ =	swait.ge [sflag:s25], $0x4000  }
0x19: {  	[sflag:s25] =	ssyncset.done $0x0  }
0x1a: {  	s31 =	simm.s32 $0x0;
	s4 =	simm.s32 $0x0;
	[sflag:s25] =	ssyncadd.s32 $0xFFFFC000  }
.LBB2_2:
0x1b: {  	s7 =	simm.s32 $0x0  }
0x1c: {  	v5 =	vld [tilespmem:s7+$0x0]  }
0x1d: {  	v6 =	vld [tilespmem:s7+$0x10]  }
0x1e: {  	s5 =	sshrl.u32 s26, s4;
	v4 =	vld [tilespmem:s7+$0x20]  }
0x1f: {  	s5 =	sor.u32 s5, s31;
	v7 =	vld [tilespmem:s7+$0x30]  }
0x20: {  	v8 =	vimm.s32 $0x0;
	s6 =	simm.s32 $0x100;
	v3 =	vmov s5  }
.LBB2_3:
0x21: {  	s7 =	sshra.s32 s6, $0x2;
	p0 =	sne.s32 s6, $0xFF00;
	s6 =	sadd.s32 $0x100, s6;
	vm0 =	vge.s32 v5, v3  }
.Ltmp0:
0x22: {  	v5 =	vld [tilespmem:s7+$0x0];
	v9 =	vsel vm0, $0x1, v2;
	vm0 =	vge.s32 v6, v3;
	(pc) =	sbr.rel @p0 .LBB2_3-.Ltmp0, $4  }
0x23: {  	v6 =	vld [tilespmem:s7+$0x10];
	v8 =	vadd.s32 v9, v8;
	v9 =	vsel vm0, $0x1, v2;
	vm0 =	vge.s32 v4, v3  }
0x24: {  	v4 =	vld [tilespmem:s7+$0x20];
	v8 =	vadd.s32 v9, v8;
	v9 =	vsel vm0, $0x1, v2;
	vm0 =	vge.s32 v7, v3  }
0x25: {  	v7 =	vld [tilespmem:s7+$0x30];
	v8 =	vadd.s32 v9, v8;
	v9 =	vsel vm0, $0x1, v2  }
0x26: {  	v8 =	vadd.s32 v9, v8  }
0x27: {  	vm0 =	vge.s32 v5, v3  }
0x28: {  	v5 =	vsel vm0, $0x1, v2;
	vm13 =	vge.s32 v6, v3  }
0x29: {  	v5 =	vadd.s32 v5, v8;
	v6 =	vsel vm13, $0x1, v2;
	vm14 =	vge.s32 v4, v3  }
0x2a: {  	v61 =	vadd.s32 v6, v5;
	v62 =	vsel vm14, $0x1, v2;
	vm15 =	vge.s32 v7, v3  }
0x2b: {  	v3 =	vadd.s32 v62, v61;
	v63 =	vsel vm15, $0x1, v2  }
0x2c: {  	v3 =	vadd.s32 v63, v3  }
0x2d: {  	(xrf0) =	vadd.scan.msk.s32 $0xffff, v3;
	_ =	sdelay $0x5  }
0x2e: {  	v3, _, _ =	vpop (xrf0)  }
0x2f: {  	(v2sf) =	vpush v3, $0xF;
	_ =	sdelay $0xa  }
0x30: {  	s4 =	sadd.s32 $0x1, s4  }
0x31: {  	p1 =	sne.s32 s4, $0x1E  }
.Ltmp1:
0x32: {  	_ = 	snop;
	(pc) =	sbr.rel @p1 .LBB2_2-.Ltmp1, $4  }
0x33: {  	_ = 	snop  }
0x34: {  	s6 =	spop (v2sf)  }
0x35: {  	p0 =	sgt.s32 s6, $0x7FF  }
0x36: {  	s31 =	smov.u32 @p0 s5  }
0x37: {  	s5 =	simm.s32 $0x0  }
0x38: {  	v7 =	vld [tilespmem:s5+$0x0]  }
0x39: {  	v5 =	vld [tilespmem:s5+$0x10]  }
0x3a: {  	v4 =	vld [tilespmem:s5+$0x20]  }
0x3b: {  	s4 =	sadd.s32 $0x1, s31;
	v6 =	vld [tilespmem:s5+$0x30]  }
0x3c: {  	v8 =	vimm.s32 $0x0;
	v3 =	vmov s4;
	s4 =	simm.s32 $0x100  }
.LBB2_6:
0x3d: {  	s5 =	sshra.s32 s4, $0x2;
	p0 =	sne.s32 s4, $0xFF00;
	s4 =	sadd.s32 $0x100, s4;
	vm0 =	vge.s32 v7, v3  }
.Ltmp2:
0x3e: {  	v7 =	vld [tilespmem:s5+$0x0];
	v9 =	vsel vm0, $0x1, v2;
	vm0 =	vge.s32 v5, v3;
	(pc) =	sbr.rel @p0 .LBB2_6-.Ltmp2, $4  }
0x3f: {  	v5 =	vld [tilespmem:s5+$0x10];
	v8 =	vadd.s32 v9, v8;
	v9 =	vsel vm0, $0x1, v2;
	vm0 =	vge.s32 v4, v3  }
0x40: {  	v4 =	vld [tilespmem:s5+$0x20];
	v8 =	vadd.s32 v9, v8;
	v9 =	vsel vm0, $0x1, v2;
	vm0 =	vge.s32 v6, v3  }
0x41: {  	v6 =	vld [tilespmem:s5+$0x30];
	v8 =	vadd.s32 v9, v8;
	v9 =	vsel vm0, $0x1, v2  }
0x42: {  	v8 =	vadd.s32 v9, v8  }
0x43: {  	vm0 =	vge.s32 v7, v3  }
0x44: {  	v7 =	vsel vm0, $0x1, v2;
	vm0 =	vge.s32 v5, v3  }
0x45: {  	v5 =	vadd.s32 v7, v8;
	v7 =	vsel vm0, $0x1, v2;
	vm0 =	vge.s32 v4, v3  }
0x46: {  	v4 =	vadd.s32 v7, v5;
	v5 =	vsel vm0, $0x1, v2;
	vm0 =	vge.s32 v6, v3  }
0x47: {  	v3 =	vadd.s32 v5, v4;
	v4 =	vsel vm0, $0x1, v2  }
0x48: {  	v3 =	vadd.s32 v4, v3  }
0x49: {  	(xrf0) =	vadd.scan.msk.s32 $0xffff, v3;
	_ =	sdelay $0x5  }
0x4a: {  	v3, _, _ =	vpop (xrf0)  }
0x4b: {  	(v2sf) =	vpush v3, $0xF;
	_ =	sdelay $0x1  }
0x4c: {  	s4 =	simm.s32 $0x0  }
0x4d: {  	v5 =	vld [tilespmem:s4+$0x0];
	_ =	sdelay $0x3  }
0x4e: {  	v3 =	vmov s31  }
0x4f: {  	vm0 =	veq.s32 v5, v3  }
0x50: {  	v4 =	vsel vm0, $0x1, v2  }
0x51: {  	(xrf0) =	vadd.scan.msk.s32 $0xffff, v4;
	_ =	sdelay $0x4  }
0x52: {  	v7 =	vmpcnt.ones.xlane vm0;
	s5 =	spop (v2sf)  }
0x53: {  	v6, _, _ =	vpop (xrf0);
	s5 =	ssub.s32 $0x800, s5  }
0x54: {  	v6 =	vadd.s32 s4, v6;
	(v2sf) =	vpush v7, $0x0;
	v4 =	vmov s5  }
0x55: {  	vm1 =	vle.s32 v6, v4  }
0x56: {  	vm2 =	vgt.s32 v5, v3;
	vm0 =	vmand vm0, vm1  }
0x57: {  	v5 =	vor.u32 s4, v0;
	vm0 =	vmor vm2, vm0  }
0x58: {  	[tilespmem:s4+$0x4880] =	vst.msk vm0, v5;
	v5 =	vor.u32 s4, v1;
	v6 =	vmpcnt.ones.xlane vm0  }
0x59: {  	s31 =	simm.s32 $0x10;
	[tilespmem:s4+$0x4000] =	vst.msk vm0, v5  }
0x5a: {  	v5 =	vld [tilespmem:s31+$0x0];
	(v2sf) =	vpush v6, $0x0;
	_ =	sdelay $0x4  }
0x5b: {  	vm0 =	veq.s32 v5, v3  }
0x5c: {  	v6 =	vsel vm0, $0x1, v2  }
0x5d: {  	(xrf0) =	vadd.scan.msk.s32 $0xffff, v6;
	v6 =	vmpcnt.ones.xlane vm0;
	_ =	sdelay $0x1  }
0x5e: {  	s8 =	spop (v2sf);
	(v2sf) =	vpush v6, $0x0;
	_ =	sdelay $0x3  }
0x5f: {  	s5 =	sadd.s32 $0x0, s8;
	v7, _, _ =	vpop (xrf0)  }
0x60: {  	v7 =	vadd.s32 s5, v7  }
0x61: {  	s6 =	simm.s32 $0x20;
	s7 =	simm.s32 $0x10;
	vm1 =	vgt.s32 v5, v3;
	vm2 =	vle.s32 v7, v4;
	s8 =	spop (v2sf)  }
.LBB2_8:
0x62: {  	p0 =	sne.s32 s6, $0x3FF0  }
0x63: {  	vm0 =	vmand vm0, vm2;
	s4 =	sadd.s32 s4, s8;
	s8 =	smov.u32 s6;
	s6 =	sadd.s32 $0x10, s6  }
0x64: {  	v5 =	vor.u32 s31, v0;
	vm0 =	vmor vm1, vm0  }
0x65: {  	[tilespmem:s4+$0x4880] =	vst.msk vm0, v5;
	v5 =	vor.u32 s31, v1;
	v6 =	vmpcnt.ones.xlane vm0;
	s31 =	smov.u32 s8  }
0x66: {  	s7 =	sadd.s32 $0x10, s7;
	[tilespmem:s4+$0x4000] =	vst.msk vm0, v5  }
0x67: {  	v5 =	vld [tilespmem:s7+$0x0];
	(v2sf) =	vpush v6, $0x0;
	_ =	sdelay $0x2  }
0x68: {  	s8 =	spop (v2sf)  }
0x69: {  	s5 =	sadd.s32 s5, s8  }
0x6a: {  	vm1 =	vgt.s32 v5, v3;
	vm0 =	veq.s32 v5, v3  }
0x6b: {  	v5 =	vsel vm0, $0x1, v2;
	v6 =	vmpcnt.ones.xlane vm0  }
0x6c: {  	(xrf0) =	vadd.scan.msk.s32 $0xffff, v5  }
0x6d: {  	(v2sf) =	vpush v6, $0x0;
	_ =	sdelay $0x2  }
.Ltmp3:
0x6e: {  	(pc) =	sbr.rel @p0 .LBB2_8-.Ltmp3, $4  }
0x6f: {  	_ = 	snop  }
0x70: {  	v5, _, _ =	vpop (xrf0)  }
0x71: {  	v5 =	vadd.s32 s5, v5  }
0x72: {  	vm2 =	vle.s32 v5, v4;
	s8 =	spop (v2sf)  }
0x73: {  	vm0 =	vmand vm0, vm2  }
0x74: {  	vm0 =	vmor vm1, vm0  }
0x75: {  	v3 =	vmpcnt.ones.xlane vm0;
	_ =	sdelay $0x1  }
0x76: {  	(v2sf) =	vpush v3, $0x0;
	_ =	sdelay $0xd  }
0x77: {  	s4 =	sadd.s32 s4, s8;
	v3 =	vor.u32 s31, v0;
	s5 =	spop (v2sf)  }
0x78: {  	[tilespmem:s4+$0x4880] =	vst.msk vm0, v3;
	v3 =	vor.u32 s31, v1;
	s5 =	spop (v2sf)  }
0x79: {  	[tilespmem:s4+$0x4000] =	vst.msk vm0, v3;
	s4 =	rddreg [dreg:$0x4];
	s5 =	simm.s32 $0x4880  }
0x7a: {  	[hbm4b:s4+s23] =	stream.strided.scatter [tilespmem:s5], [sflag:$0x3], $0x800, s24, s23, $0x38;
	[tilespmem:$0xD100] =	vst v63  }
0x7b: {  	_ =	swait.ge [sflag:s25], $0x800  }
0x7c: {  	[sflag:s25] =	ssyncset.done $0x0  }
0x7d: {  	s6 =	simm.s32 $0x4000;
	[sflag:s25] =	ssyncadd.s32 $0xFFFFF800  }
0x7e: {  	[tilespmem:s30], [sflag:$0x1] =	stream.indirect.gather [hbm4b:s2+s23], $0x80, s6, s23, $0xb8;
	[tilespmem:$0xD100] =	vst v63  }
0x7f: {  	s7 =	simm.s32 $0x4080  }
0x80: {  	[tilespmem:s1], [sflag:$0x2] =	stream.indirect.gather [hbm4b:s2+s23], $0x80, s7, s23, $0xb8;
	[tilespmem:$0xD100] =	vst v63  }
0x81: {  	_ =	swait.ge [sflag:s0], $0x4000  }
0x82: {  	[sflag:s0] =	ssyncset.done $0x0  }
0x83: {  	s8 =	rddreg [dreg:$0x5];
	[sflag:s0] =	ssyncadd.s32 $0xFFFFC000  }
0x84: {  	[hbm4b:s8+s3] =	stream.linear.scatter [tilespmem:s30], [sflag:$0x3], $0x4000, $0x38;
	[tilespmem:$0xD100] =	vst v63  }
0x85: {  	_ =	swait.ge [sflag:s25], $0x4000  }
0x86: {  	[sflag:s25] =	ssyncset.done $0x0  }
0x87: {  	s31 =	simm.s32 $0x4100;
	[sflag:s25] =	ssyncadd.s32 $0xFFFFC000  }
0x88: {  	[tilespmem:s30], [sflag:$0x1] =	stream.indirect.gather [hbm4b:s2+s23], $0x80, s31, s23, $0xb8;
	[tilespmem:$0xD100] =	vst v63  }
0x89: {  	_ =	swait.ge [sflag:s29], $0x4000  }
0x8a: {  	[sflag:s29] =	ssyncset.done $0x0  }
0x8b: {  	s5 =	rddreg [dreg:$0x6];
	[sflag:s29] =	ssyncadd.s32 $0xFFFFC000  }
0x8c: {  	[hbm4b:s5+s3] =	stream.linear.scatter [tilespmem:s1], [sflag:$0x3], $0x4000, $0x38;
	[tilespmem:$0xD100] =	vst v63  }
0x8d: {  	_ =	swait.ge [sflag:s25], $0x4000  }
0x8e: {  	[sflag:s25] =	ssyncset.done $0x0  }
0x8f: {  	s6 =	simm.s32 $0x4180;
	[sflag:s25] =	ssyncadd.s32 $0xFFFFC000  }
0x90: {  	[tilespmem:s1], [sflag:$0x2] =	stream.indirect.gather [hbm4b:s2+s23], $0x80, s6, s23, $0xb8;
	[tilespmem:$0xD100] =	vst v63  }
0x91: {  	_ =	swait.ge [sflag:s0], $0x4000  }
0x92: {  	[sflag:s0] =	ssyncset.done $0x0  }
0x93: {  	s7 =	rddreg [dreg:$0x7];
	[sflag:s0] =	ssyncadd.s32 $0xFFFFC000  }
0x94: {  	[hbm4b:s7+s3] =	stream.linear.scatter [tilespmem:s30], [sflag:$0x3], $0x4000, $0x38;
	[tilespmem:$0xD100] =	vst v63  }
0x95: {  	_ =	swait.ge [sflag:s25], $0x4000  }
0x96: {  	[sflag:s25] =	ssyncset.done $0x0  }
0x97: {  	s8 =	simm.s32 $0x4200;
	[sflag:s25] =	ssyncadd.s32 $0xFFFFC000  }
0x98: {  	[tilespmem:s30], [sflag:$0x1] =	stream.indirect.gather [hbm4b:s2+s23], $0x80, s8, s23, $0xb8;
	[tilespmem:$0xD100] =	vst v63  }
0x99: {  	_ =	swait.ge [sflag:s29], $0x4000  }
0x9a: {  	[sflag:s29] =	ssyncset.done $0x0  }
0x9b: {  	[sflag:s29] =	ssyncadd.s32 $0xFFFFC000  }
0x9c: {  	[hbm4b:s9+s3] =	stream.linear.scatter [tilespmem:s1], [sflag:$0x3], $0x4000, $0x38;
	[tilespmem:$0xD100] =	vst v63  }
0x9d: {  	_ =	swait.ge [sflag:s25], $0x4000  }
0x9e: {  	[sflag:s25] =	ssyncset.done $0x0  }
0x9f: {  	s31 =	simm.s32 $0x4280;
	[sflag:s25] =	ssyncadd.s32 $0xFFFFC000  }
0xa0: {  	[tilespmem:s1], [sflag:$0x2] =	stream.indirect.gather [hbm4b:s2+s23], $0x80, s31, s23, $0xb8;
	[tilespmem:$0xD100] =	vst v63  }
0xa1: {  	_ =	swait.ge [sflag:s0], $0x4000  }
0xa2: {  	[sflag:s0] =	ssyncset.done $0x0  }
0xa3: {  	[sflag:s0] =	ssyncadd.s32 $0xFFFFC000  }
0xa4: {  	[hbm4b:s10+s3] =	stream.linear.scatter [tilespmem:s30], [sflag:$0x3], $0x4000, $0x38;
	[tilespmem:$0xD100] =	vst v63  }
0xa5: {  	_ =	swait.ge [sflag:s25], $0x4000  }
0xa6: {  	[sflag:s25] =	ssyncset.done $0x0  }
0xa7: {  	s5 =	simm.s32 $0x4300;
	[sflag:s25] =	ssyncadd.s32 $0xFFFFC000  }
0xa8: {  	[tilespmem:s30], [sflag:$0x1] =	stream.indirect.gather [hbm4b:s2+s23], $0x80, s5, s23, $0xb8;
	[tilespmem:$0xD100] =	vst v63  }
0xa9: {  	_ =	swait.ge [sflag:s29], $0x4000  }
0xaa: {  	[sflag:s29] =	ssyncset.done $0x0  }
0xab: {  	[sflag:s29] =	ssyncadd.s32 $0xFFFFC000  }
0xac: {  	[hbm4b:s11+s3] =	stream.linear.scatter [tilespmem:s1], [sflag:$0x3], $0x4000, $0x38;
	[tilespmem:$0xD100] =	vst v63  }
0xad: {  	_ =	swait.ge [sflag:s25], $0x4000  }
0xae: {  	[sflag:s25] =	ssyncset.done $0x0  }
0xaf: {  	s6 =	simm.s32 $0x4380;
	[sflag:s25] =	ssyncadd.s32 $0xFFFFC000  }
0xb0: {  	[tilespmem:s1], [sflag:$0x2] =	stream.indirect.gather [hbm4b:s2+s23], $0x80, s6, s23, $0xb8;
	[tilespmem:$0xD100] =	vst v63  }
0xb1: {  	_ =	swait.ge [sflag:s0], $0x4000  }
0xb2: {  	[sflag:s0] =	ssyncset.done $0x0  }
0xb3: {  	[sflag:s0] =	ssyncadd.s32 $0xFFFFC000  }
0xb4: {  	[hbm4b:s12+s3] =	stream.linear.scatter [tilespmem:s30], [sflag:$0x3], $0x4000, $0x38;
	[tilespmem:$0xD100] =	vst v63  }
0xb5: {  	_ =	swait.ge [sflag:s25], $0x4000  }
0xb6: {  	[sflag:s25] =	ssyncset.done $0x0  }
0xb7: {  	s7 =	simm.s32 $0x4400;
	[sflag:s25] =	ssyncadd.s32 $0xFFFFC000  }
0xb8: {  	[tilespmem:s30], [sflag:$0x1] =	stream.indirect.gather [hbm4b:s2+s23], $0x80, s7, s23, $0xb8;
	[tilespmem:$0xD100] =	vst v63  }
0xb9: {  	_ =	swait.ge [sflag:s29], $0x4000  }
0xba: {  	[sflag:s29] =	ssyncset.done $0x0  }
0xbb: {  	[sflag:s29] =	ssyncadd.s32 $0xFFFFC000  }
0xbc: {  	[hbm4b:s13+s3] =	stream.linear.scatter [tilespmem:s1], [sflag:$0x3], $0x4000, $0x38;
	[tilespmem:$0xD100] =	vst v63  }
0xbd: {  	_ =	swait.ge [sflag:s25], $0x4000  }
0xbe: {  	[sflag:s25] =	ssyncset.done $0x0  }
0xbf: {  	s8 =	simm.s32 $0x4480;
	[sflag:s25] =	ssyncadd.s32 $0xFFFFC000  }
0xc0: {  	[tilespmem:s1], [sflag:$0x2] =	stream.indirect.gather [hbm4b:s2+s23], $0x80, s8, s23, $0xb8;
	[tilespmem:$0xD100] =	vst v63  }
0xc1: {  	_ =	swait.ge [sflag:s0], $0x4000  }
0xc2: {  	[sflag:s0] =	ssyncset.done $0x0  }
0xc3: {  	[sflag:s0] =	ssyncadd.s32 $0xFFFFC000  }
0xc4: {  	[hbm4b:s14+s3] =	stream.linear.scatter [tilespmem:s30], [sflag:$0x3], $0x4000, $0x38;
	[tilespmem:$0xD100] =	vst v63  }
0xc5: {  	_ =	swait.ge [sflag:s25], $0x4000  }
0xc6: {  	[sflag:s25] =	ssyncset.done $0x0  }
0xc7: {  	s31 =	simm.s32 $0x4500;
	[sflag:s25] =	ssyncadd.s32 $0xFFFFC000  }
0xc8: {  	[tilespmem:s30], [sflag:$0x1] =	stream.indirect.gather [hbm4b:s2+s23], $0x80, s31, s23, $0xb8;
	[tilespmem:$0xD100] =	vst v63  }
0xc9: {  	_ =	swait.ge [sflag:s29], $0x4000  }
0xca: {  	[sflag:s29] =	ssyncset.done $0x0  }
0xcb: {  	[sflag:s29] =	ssyncadd.s32 $0xFFFFC000  }
0xcc: {  	[hbm4b:s15+s3] =	stream.linear.scatter [tilespmem:s1], [sflag:$0x3], $0x4000, $0x38;
	[tilespmem:$0xD100] =	vst v63  }
0xcd: {  	_ =	swait.ge [sflag:s25], $0x4000  }
0xce: {  	[sflag:s25] =	ssyncset.done $0x0  }
0xcf: {  	s5 =	simm.s32 $0x4580;
	[sflag:s25] =	ssyncadd.s32 $0xFFFFC000  }
0xd0: {  	[tilespmem:s1], [sflag:$0x2] =	stream.indirect.gather [hbm4b:s2+s23], $0x80, s5, s23, $0xb8;
	[tilespmem:$0xD100] =	vst v63  }
0xd1: {  	_ =	swait.ge [sflag:s0], $0x4000  }
0xd2: {  	[sflag:s0] =	ssyncset.done $0x0  }
0xd3: {  	[sflag:s0] =	ssyncadd.s32 $0xFFFFC000  }
0xd4: {  	[hbm4b:s16+s3] =	stream.linear.scatter [tilespmem:s30], [sflag:$0x3], $0x4000, $0x38;
	[tilespmem:$0xD100] =	vst v63  }
0xd5: {  	_ =	swait.ge [sflag:s25], $0x4000  }
0xd6: {  	[sflag:s25] =	ssyncset.done $0x0  }
0xd7: {  	s6 =	simm.s32 $0x4600;
	[sflag:s25] =	ssyncadd.s32 $0xFFFFC000  }
0xd8: {  	[tilespmem:s30], [sflag:$0x1] =	stream.indirect.gather [hbm4b:s2+s23], $0x80, s6, s23, $0xb8;
	[tilespmem:$0xD100] =	vst v63  }
0xd9: {  	_ =	swait.ge [sflag:s29], $0x4000  }
0xda: {  	[sflag:s29] =	ssyncset.done $0x0  }
0xdb: {  	[sflag:s29] =	ssyncadd.s32 $0xFFFFC000  }
0xdc: {  	[hbm4b:s17+s3] =	stream.linear.scatter [tilespmem:s1], [sflag:$0x3], $0x4000, $0x38;
	[tilespmem:$0xD100] =	vst v63  }
0xdd: {  	_ =	swait.ge [sflag:s25], $0x4000  }
0xde: {  	[sflag:s25] =	ssyncset.done $0x0  }
0xdf: {  	s7 =	simm.s32 $0x4680;
	[sflag:s25] =	ssyncadd.s32 $0xFFFFC000  }
0xe0: {  	[tilespmem:s1], [sflag:$0x2] =	stream.indirect.gather [hbm4b:s2+s23], $0x80, s7, s23, $0xb8;
	[tilespmem:$0xD100] =	vst v63  }
0xe1: {  	_ =	swait.ge [sflag:s0], $0x4000  }
0xe2: {  	[sflag:s0] =	ssyncset.done $0x0  }
0xe3: {  	[sflag:s0] =	ssyncadd.s32 $0xFFFFC000  }
0xe4: {  	[hbm4b:s18+s3] =	stream.linear.scatter [tilespmem:s30], [sflag:$0x3], $0x4000, $0x38;
	[tilespmem:$0xD100] =	vst v63  }
0xe5: {  	_ =	swait.ge [sflag:s25], $0x4000  }
0xe6: {  	[sflag:s25] =	ssyncset.done $0x0  }
0xe7: {  	s8 =	simm.s32 $0x4700;
	[sflag:s25] =	ssyncadd.s32 $0xFFFFC000  }
0xe8: {  	[tilespmem:s30], [sflag:$0x1] =	stream.indirect.gather [hbm4b:s2+s23], $0x80, s8, s23, $0xb8;
	[tilespmem:$0xD100] =	vst v63  }
0xe9: {  	_ =	swait.ge [sflag:s29], $0x4000  }
0xea: {  	[sflag:s29] =	ssyncset.done $0x0  }
0xeb: {  	[sflag:s29] =	ssyncadd.s32 $0xFFFFC000  }
0xec: {  	[hbm4b:s19+s3] =	stream.linear.scatter [tilespmem:s1], [sflag:$0x3], $0x4000, $0x38;
	[tilespmem:$0xD100] =	vst v63  }
0xed: {  	_ =	swait.ge [sflag:s25], $0x4000  }
0xee: {  	[sflag:s25] =	ssyncset.done $0x0  }
0xef: {  	s31 =	simm.s32 $0x4780;
	[sflag:s25] =	ssyncadd.s32 $0xFFFFC000  }
0xf0: {  	[tilespmem:s1], [sflag:$0x2] =	stream.indirect.gather [hbm4b:s2+s23], $0x80, s31, s23, $0xb8;
	[tilespmem:$0xD100] =	vst v63  }
0xf1: {  	_ =	swait.ge [sflag:s0], $0x4000  }
0xf2: {  	[sflag:s0] =	ssyncset.done $0x0  }
0xf3: {  	[sflag:s0] =	ssyncadd.s32 $0xFFFFC000  }
0xf4: {  	[hbm4b:s20+s3] =	stream.linear.scatter [tilespmem:s30], [sflag:$0x3], $0x4000, $0x38;
	[tilespmem:$0xD100] =	vst v63  }
0xf5: {  	_ =	swait.ge [sflag:s25], $0x4000  }
0xf6: {  	[sflag:s25] =	ssyncset.done $0x0  }
0xf7: {  	[sflag:s25] =	ssyncadd.s32 $0xFFFFC000  }
0xf8: {  	s28 =	sadd.s32 $0x1, s28;
	_ =	swait.ge [sflag:s29], $0x4000  }
0xf9: {  	p0 =	sne.s32 s28, s22;
	[sflag:s29] =	ssyncset.done $0x0  }
.Ltmp4:
0xfa: {  	[sflag:s29] =	ssyncadd.s32 $0xFFFFC000;
	(pc) =	sbr.rel @p0 .LBB2_1-.Ltmp4, $4  }
0xfb: {  	[hbm4b:s21+s3] =	stream.linear.scatter [tilespmem:s1], [sflag:$0x3], $0x4000, $0x38;
	[tilespmem:$0xD100] =	vst v63  }
0xfc: {  	_ =	swait.ge [sflag:s25], $0x4000  }
0xfd: {  	[sflag:s25] =	ssyncset.done $0x0  }
0xfe: {  	[sflag:s25] =	ssyncadd.s32 $0xFFFFC000  }
0xff: {  	_ =	sfence.sel $0x180000  }
0x100: {  	[bflag:$0x0] =	sbarrier.arrive $0xFFFF  }
0x101: {  	_ =	strace $0x90000047  }
0x102: {  	s0 =	stileid.u32;
	[bflag:$0x2] =	sbarrier.arrive $0xFFFF  }
0x103: {  	p0 =	sne.s32 s0, $0x0;
	s0 =	rddreg [dreg:$0x2]  }
0x104: {  	s0 =	sadd.s32 @!p0 $0x100000, s0  }
0x105: {  	[sflag:s0] =	ssyncadd.tile.s32 @!p0 $0x1;
	_ =	shalt  }
.Lfunc_end2:
_tile_overlayer_lowered:
.L_overlay_start_2:
0x106: {  	(tag) =	ssettag $0x2  }
0x107: {  	s0 =	rddreg [dreg:$0x0];
	s2 =	stileid.u32  }
0x108: {  	s1 =	rddreg [dreg:$0x1];
	p0 =	sne.s32 s2, $0x0  }
0x109: {  	s3 =	rddreg [dreg:$0x2];
	[bflag:$0x3] =	sbarrier.arrive $0xFFFF;
	s2 =	simm.s32 @!p0 $0x1C03  }
0x10a: {  	[timem:s3], [sflag:s2] =	dma.local @!p0 [hbm:s0], s1  }
0x10b: {  	s0 =	simm.s32 @!p0 $0x3  }
0x10c: {  	_ =	swait.ge @!p0 [sflag:s0], s1  }
0x10d: {  	s1 =	ssub.s32 @!p0 $0x0, s1;
	[sflag:s0] =	ssyncset.done @!p0 $0x0  }
0x10e: {  	[sflag:s0] =	ssyncadd.s32 @!p0 s1  }
0x10f: {  	[bflag:$0x3] =	sbarrier.arrive $0xFFFF  }
0x110: {  	_ =	shalt  }

</sc_bundles>
